<compile_context>
chip_gen: v7x
topology: tpu7x:2x2x1
jax: 0.10.2.dev20260603
libtpu: 0.0.44.dev20260713+nightly
codegen_flags: <defaults>
</compile_context>

<pallas_src>
import jax
import jax.numpy as jnp
from jax import lax
from jax.experimental import pallas as pl
from jax.experimental.pallas import tpu as pltpu
from jax.experimental.pallas import tpu_sc as plsc

BATCH = 4096
HIST = 200
DIM = 64
LANES = 16
NCHUNK = DIM // LANES

NC = 2
NS = 16
NW = NC * NS
BPW = BATCH // NW
C0 = 104
C1 = HIST - C0


def _emb_mean_body(x_hbm, table_hbm, out_hbm, idx_v, out_v,
                   buf_a0, buf_a1, buf_a2, buf_a3,
                   buf_b0, buf_b1, buf_b2, buf_b3,
                   sem_a0, sem_a1, sem_a2, sem_a3,
                   sem_b0, sem_b1, sem_b2, sem_b3):
    wid = lax.axis_index("s") * NC + lax.axis_index("c")
    base = wid * BPW

    pltpu.sync_copy(x_hbm.at[pl.ds(base, BPW)], idx_v)

    bufs_a = (buf_a0, buf_a1, buf_a2, buf_a3)
    bufs_b = (buf_b0, buf_b1, buf_b2, buf_b3)
    sems_a = (sem_a0, sem_a1, sem_a2, sem_a3)
    sems_b = (sem_b0, sem_b1, sem_b2, sem_b3)

    def issue(b, k):
        pltpu.async_copy(table_hbm.at[idx_v.at[b, pl.ds(0, C0)]],
                         bufs_a[k], sems_a[k])
        pltpu.async_copy(table_hbm.at[idx_v.at[b, pl.ds(C0, C1)]],
                         bufs_b[k], sems_b[k])

    for k in range(4):
        issue(k, k)

    zero = jnp.zeros((LANES,), jnp.float32)

    def pair_body(l):
        for k in range(4):
            b = l + k
            pltpu.make_async_copy(table_hbm.at[idx_v.at[0, pl.ds(0, C0)]],
                                  bufs_a[k], sems_a[k]).wait()
            pltpu.make_async_copy(table_hbm.at[idx_v.at[0, pl.ds(0, C1)]],
                                  bufs_b[k], sems_b[k]).wait()

            def body_a(r, carry, _buf=bufs_a[k]):
                return tuple(c + _buf[r, pl.ds(j * LANES, LANES)]
                             for j, c in enumerate(carry))

            def body_b(r, carry, _buf=bufs_b[k]):
                return tuple(c + _buf[r, pl.ds(j * LANES, LANES)]
                             for j, c in enumerate(carry))

            acc = lax.fori_loop(0, C0, body_a, (zero,) * NCHUNK, unroll=8)
            acc = lax.fori_loop(0, C1, body_b, acc, unroll=8)

            @pl.when(b + 4 < BPW)
            def _():
                issue(b + 4, k)

            for j in range(NCHUNK):
                out_v[b, pl.ds(j * LANES, LANES)] = acc[j] * (1.0 / HIST)

    pl.loop(0, BPW, step=4)(pair_body)

    pltpu.sync_copy(out_v, out_hbm.at[pl.ds(base, BPW)])


@jax.jit
def _emb_mean(x, table):
    mesh = plsc.VectorSubcoreMesh(core_axis_name="c", subcore_axis_name="s")
    return pl.kernel(
        _emb_mean_body,
        mesh=mesh,
        compiler_params=pltpu.CompilerParams(use_tc_tiling_on_sc=False),
        out_type=jax.ShapeDtypeStruct((BATCH, DIM), jnp.float32),
        scratch_types=[
            pltpu.VMEM((BPW, HIST), jnp.int32),
            pltpu.VMEM((BPW, DIM), jnp.float32),
            pltpu.VMEM((C0, DIM), jnp.float32),
            pltpu.VMEM((C0, DIM), jnp.float32),
            pltpu.VMEM((C0, DIM), jnp.float32),
            pltpu.VMEM((C0, DIM), jnp.float32),
            pltpu.VMEM((C1, DIM), jnp.float32),
            pltpu.VMEM((C1, DIM), jnp.float32),
            pltpu.VMEM((C1, DIM), jnp.float32),
            pltpu.VMEM((C1, DIM), jnp.float32),
            pltpu.SemaphoreType.DMA,
            pltpu.SemaphoreType.DMA,
            pltpu.SemaphoreType.DMA,
            pltpu.SemaphoreType.DMA,
            pltpu.SemaphoreType.DMA,
            pltpu.SemaphoreType.DMA,
            pltpu.SemaphoreType.DMA,
            pltpu.SemaphoreType.DMA,
        ],
    )(x, table)


def kernel(x, table):
    return _emb_mean(x.astype(jnp.int32), table)

# --- scband reference (transcript-rebuilt; emitter-appended) ---
"""Pipeline reference for scband-triplet-loss-model-46712064311619 (READ-ONLY COPY).

The authoritative reference and input builder live on the scoring server;
editing this copy changes nothing except your own understanding.
"""

import jax, jax.numpy as jnp
import numpy as np

NUM_EMBEDDINGS = 1000000
EMBEDDING_DIM = 64
BATCH = 4096
HIST_LEN = 200

def setup_inputs(seed: int = 0) -> dict:
    key = jax.random.key(seed)
    k1, k2 = jax.random.split(key)
    x = jax.random.randint(k1, (BATCH, HIST_LEN), 0, NUM_EMBEDDINGS, dtype=jnp.int64 if jax.config.jax_enable_x64 else jnp.int32)
    table = jax.random.normal(k2, (NUM_EMBEDDINGS, EMBEDDING_DIM), dtype=jnp.float32)
    return {"x": x, "table": table}

def reference(x, table):
    # nn.Embedding lookup: [B, L] -> [B, L, D]
    emb = jnp.take(table, x, axis=0)
    # permute(0,2,1) -> [B, D, L]; AdaptiveAvgPool1d(1) -> [B, D, 1]; squeeze -> [B, D]
    out = jnp.mean(emb, axis=1)
    return out

if __name__ == "__main__":
    import jax
    _d = setup_inputs()
    print(jax.jit(kernel)(*tuple(_d.values())))

</pallas_src>

<mosaic_0001>
#map = affine_map<(d0, d1) -> (0, 0)>
module attributes {stable_mosaic.version = 14 : i64} {
  func.func @_emb_mean_body(%arg0: i32, %arg1: i32, %arg2: memref<4096x200xi32, #tpu.memory_space<hbm>>, %arg3: memref<1000000x64xf32, #tpu.memory_space<hbm>>, %arg4: memref<4096x64xf32, #tpu.memory_space<hbm>>, %arg5: memref<128x200xi32, #tpu.memory_space<vmem>>, %arg6: memref<128x64xf32, #tpu.memory_space<vmem>>, %arg7: memref<104x64xf32, #tpu.memory_space<vmem>>, %arg8: memref<104x64xf32, #tpu.memory_space<vmem>>, %arg9: memref<104x64xf32, #tpu.memory_space<vmem>>, %arg10: memref<104x64xf32, #tpu.memory_space<vmem>>, %arg11: memref<96x64xf32, #tpu.memory_space<vmem>>, %arg12: memref<96x64xf32, #tpu.memory_space<vmem>>, %arg13: memref<96x64xf32, #tpu.memory_space<vmem>>, %arg14: memref<96x64xf32, #tpu.memory_space<vmem>>, %arg15: memref<!tpu.dma_semaphore, #tpu.memory_space<semaphore_mem>>, %arg16: memref<!tpu.dma_semaphore, #tpu.memory_space<semaphore_mem>>, %arg17: memref<!tpu.dma_semaphore, #tpu.memory_space<semaphore_mem>>, %arg18: memref<!tpu.dma_semaphore, #tpu.memory_space<semaphore_mem>>, %arg19: memref<!tpu.dma_semaphore, #tpu.memory_space<semaphore_mem>>, %arg20: memref<!tpu.dma_semaphore, #tpu.memory_space<semaphore_mem>>, %arg21: memref<!tpu.dma_semaphore, #tpu.memory_space<semaphore_mem>>, %arg22: memref<!tpu.dma_semaphore, #tpu.memory_space<semaphore_mem>>) attributes {dimension_semantics = [#tpu.dimension_semantics<core_parallel>, #tpu.dimension_semantics<subcore_parallel>], iteration_bounds = array<i64: 2, 16>, scalar_prefetch = 0 : i64, scratch_operands = 18 : i64, tpu.core_type = #tpu.core_type<sc_vector_subcore>, window_params = [{transform_indices = #map}, {transform_indices = #map}, {transform_indices = #map}]} {
    %mul3A = arith.constant 2 : i32
    %mul3A_0 = arith.muli %arg1, %mul3A : i32
    %add3A = arith.addi %mul3A_0, %arg0 : i32
    %mul3A_1 = arith.constant 128 : i32
    %mul3A_2 = arith.muli %add3A, %mul3A_1 : i32
    "tpu.region"() ({
      %run_scoped3A = tpu.sem_alloc : memref<!tpu.dma_semaphore, #tpu.memory_space<semaphore_mem>>
      %dma_start3A_63 = arith.constant 0 : i32
      %dma_start3A_64 = tpu.memref_slice %arg2[%mul3A_2, %dma_start3A_63] : memref<4096x200xi32, #tpu.memory_space<hbm>> -> memref<128x200xi32, #tpu.memory_space<hbm>>
      %dma_start3A_65 = arith.constant 0 : i32
      %dma_start3A_66 = tpu.memref_slice %arg2[%mul3A_2, %dma_start3A_65] : memref<4096x200xi32, #tpu.memory_space<hbm>> -> memref<128x200xi32, #tpu.memory_space<hbm>>
      tpu.enqueue_dma source(%dma_start3A_66 : memref<128x200xi32, #tpu.memory_space<hbm>>) target(%arg5 : memref<128x200xi32, #tpu.memory_space<vmem>>) target_semaphore(%run_scoped3A : memref<!tpu.dma_semaphore, #tpu.memory_space<semaphore_mem>>)
      %dma_wait3A = arith.constant 0 : i32
      %dma_wait3A_67 = tpu.memref_slice %arg2[%mul3A_2, %dma_wait3A] : memref<4096x200xi32, #tpu.memory_space<hbm>> -> memref<128x200xi32, #tpu.memory_space<hbm>>
      %dma_wait3A_68 = arith.constant 0 : i32
      %dma_wait3A_69 = tpu.memref_slice %arg2[%mul3A_2, %dma_wait3A_68] : memref<4096x200xi32, #tpu.memory_space<hbm>> -> memref<128x200xi32, #tpu.memory_space<hbm>>
      tpu.wait_dma2 semaphore(%run_scoped3A : memref<!tpu.dma_semaphore, #tpu.memory_space<semaphore_mem>>) src(%dma_wait3A_69 : memref<128x200xi32, #tpu.memory_space<hbm>>) dst(%arg5 : memref<128x200xi32, #tpu.memory_space<vmem>>)
      tpu.yield
    }) : () -> ()
    %dma_start3A = arith.constant 0 : i32
    %dma_start3A_3 = arith.constant 0 : i32
    %dma_start3A_4 = tpu.memref_slice %arg5[%dma_start3A, %dma_start3A_3] : memref<128x200xi32, #tpu.memory_space<vmem>> -> memref<1x104xi32, #tpu.memory_space<vmem>>
    %dma_start3A_5 = tpu.memref_squeeze %dma_start3A_4 : memref<1x104xi32, #tpu.memory_space<vmem>> -> memref<104xi32, #tpu.memory_space<vmem>>
    %dma_start3A_6 = arith.constant 0 : i32
    %dma_start3A_7 = arith.constant 0 : i32
    %dma_start3A_8 = tpu.memref_slice %arg3[%dma_start3A_6, %dma_start3A_7] : memref<1000000x64xf32, #tpu.memory_space<hbm>> -> memref<1000000x64xf32, #tpu.memory_space<hbm>>
    tpu.enqueue_indirect_dma source(%dma_start3A_8 : memref<1000000x64xf32, #tpu.memory_space<hbm>>) target(%arg7 : memref<104x64xf32, #tpu.memory_space<vmem>>) offsets(%dma_start3A_5 : memref<104xi32, #tpu.memory_space<vmem>>) semaphore(%arg15 : memref<!tpu.dma_semaphore, #tpu.memory_space<semaphore_mem>>)
    %dma_start3A_9 = arith.constant 0 : i32
    %dma_start3A_10 = arith.constant 104 : i32
    %dma_start3A_11 = tpu.memref_slice %arg5[%dma_start3A_9, %dma_start3A_10] : memref<128x200xi32, #tpu.memory_space<vmem>> -> memref<1x96xi32, #tpu.memory_space<vmem>>
    %dma_start3A_12 = tpu.memref_squeeze %dma_start3A_11 : memref<1x96xi32, #tpu.memory_space<vmem>> -> memref<96xi32, #tpu.memory_space<vmem>>
    %dma_start3A_13 = arith.constant 0 : i32
    %dma_start3A_14 = arith.constant 0 : i32
    %dma_start3A_15 = tpu.memref_slice %arg3[%dma_start3A_13, %dma_start3A_14] : memref<1000000x64xf32, #tpu.memory_space<hbm>> -> memref<1000000x64xf32, #tpu.memory_space<hbm>>
    tpu.enqueue_indirect_dma source(%dma_start3A_15 : memref<1000000x64xf32, #tpu.memory_space<hbm>>) target(%arg11 : memref<96x64xf32, #tpu.memory_space<vmem>>) offsets(%dma_start3A_12 : memref<96xi32, #tpu.memory_space<vmem>>) semaphore(%arg19 : memref<!tpu.dma_semaphore, #tpu.memory_space<semaphore_mem>>)
    %dma_start3A_16 = arith.constant 1 : i32
    %dma_start3A_17 = arith.constant 0 : i32
    %dma_start3A_18 = tpu.memref_slice %arg5[%dma_start3A_16, %dma_start3A_17] : memref<128x200xi32, #tpu.memory_space<vmem>> -> memref<1x104xi32, #tpu.memory_space<vmem>>
    %dma_start3A_19 = tpu.memref_squeeze %dma_start3A_18 : memref<1x104xi32, #tpu.memory_space<vmem>> -> memref<104xi32, #tpu.memory_space<vmem>>
    %dma_start3A_20 = arith.constant 0 : i32
    %dma_start3A_21 = arith.constant 0 : i32
    %dma_start3A_22 = tpu.memref_slice %arg3[%dma_start3A_20, %dma_start3A_21] : memref<1000000x64xf32, #tpu.memory_space<hbm>> -> memref<1000000x64xf32, #tpu.memory_space<hbm>>
    tpu.enqueue_indirect_dma source(%dma_start3A_22 : memref<1000000x64xf32, #tpu.memory_space<hbm>>) target(%arg8 : memref<104x64xf32, #tpu.memory_space<vmem>>) offsets(%dma_start3A_19 : memref<104xi32, #tpu.memory_space<vmem>>) semaphore(%arg16 : memref<!tpu.dma_semaphore, #tpu.memory_space<semaphore_mem>>)
    %dma_start3A_23 = arith.constant 1 : i32
    %dma_start3A_24 = arith.constant 104 : i32
    %dma_start3A_25 = tpu.memref_slice %arg5[%dma_start3A_23, %dma_start3A_24] : memref<128x200xi32, #tpu.memory_space<vmem>> -> memref<1x96xi32, #tpu.memory_space<vmem>>
    %dma_start3A_26 = tpu.memref_squeeze %dma_start3A_25 : memref<1x96xi32, #tpu.memory_space<vmem>> -> memref<96xi32, #tpu.memory_space<vmem>>
    %dma_start3A_27 = arith.constant 0 : i32
    %dma_start3A_28 = arith.constant 0 : i32
    %dma_start3A_29 = tpu.memref_slice %arg3[%dma_start3A_27, %dma_start3A_28] : memref<1000000x64xf32, #tpu.memory_space<hbm>> -> memref<1000000x64xf32, #tpu.memory_space<hbm>>
    tpu.enqueue_indirect_dma source(%dma_start3A_29 : memref<1000000x64xf32, #tpu.memory_space<hbm>>) target(%arg12 : memref<96x64xf32, #tpu.memory_space<vmem>>) offsets(%dma_start3A_26 : memref<96xi32, #tpu.memory_space<vmem>>) semaphore(%arg20 : memref<!tpu.dma_semaphore, #tpu.memory_space<semaphore_mem>>)
    %dma_start3A_30 = arith.constant 2 : i32
    %dma_start3A_31 = arith.constant 0 : i32
    %dma_start3A_32 = tpu.memref_slice %arg5[%dma_start3A_30, %dma_start3A_31] : memref<128x200xi32, #tpu.memory_space<vmem>> -> memref<1x104xi32, #tpu.memory_space<vmem>>
    %dma_start3A_33 = tpu.memref_squeeze %dma_start3A_32 : memref<1x104xi32, #tpu.memory_space<vmem>> -> memref<104xi32, #tpu.memory_space<vmem>>
    %dma_start3A_34 = arith.constant 0 : i32
    %dma_start3A_35 = arith.constant 0 : i32
    %dma_start3A_36 = tpu.memref_slice %arg3[%dma_start3A_34, %dma_start3A_35] : memref<1000000x64xf32, #tpu.memory_space<hbm>> -> memref<1000000x64xf32, #tpu.memory_space<hbm>>
    tpu.enqueue_indirect_dma source(%dma_start3A_36 : memref<1000000x64xf32, #tpu.memory_space<hbm>>) target(%arg9 : memref<104x64xf32, #tpu.memory_space<vmem>>) offsets(%dma_start3A_33 : memref<104xi32, #tpu.memory_space<vmem>>) semaphore(%arg17 : memref<!tpu.dma_semaphore, #tpu.memory_space<semaphore_mem>>)
    %dma_start3A_37 = arith.constant 2 : i32
    %dma_start3A_38 = arith.constant 104 : i32
    %dma_start3A_39 = tpu.memref_slice %arg5[%dma_start3A_37, %dma_start3A_38] : memref<128x200xi32, #tpu.memory_space<vmem>> -> memref<1x96xi32, #tpu.memory_space<vmem>>
    %dma_start3A_40 = tpu.memref_squeeze %dma_start3A_39 : memref<1x96xi32, #tpu.memory_space<vmem>> -> memref<96xi32, #tpu.memory_space<vmem>>
    %dma_start3A_41 = arith.constant 0 : i32
    %dma_start3A_42 = arith.constant 0 : i32
    %dma_start3A_43 = tpu.memref_slice %arg3[%dma_start3A_41, %dma_start3A_42] : memref<1000000x64xf32, #tpu.memory_space<hbm>> -> memref<1000000x64xf32, #tpu.memory_space<hbm>>
    tpu.enqueue_indirect_dma source(%dma_start3A_43 : memref<1000000x64xf32, #tpu.memory_space<hbm>>) target(%arg13 : memref<96x64xf32, #tpu.memory_space<vmem>>) offsets(%dma_start3A_40 : memref<96xi32, #tpu.memory_space<vmem>>) semaphore(%arg21 : memref<!tpu.dma_semaphore, #tpu.memory_space<semaphore_mem>>)
    %dma_start3A_44 = arith.constant 3 : i32
    %dma_start3A_45 = arith.constant 0 : i32
    %dma_start3A_46 = tpu.memref_slice %arg5[%dma_start3A_44, %dma_start3A_45] : memref<128x200xi32, #tpu.memory_space<vmem>> -> memref<1x104xi32, #tpu.memory_space<vmem>>
    %dma_start3A_47 = tpu.memref_squeeze %dma_start3A_46 : memref<1x104xi32, #tpu.memory_space<vmem>> -> memref<104xi32, #tpu.memory_space<vmem>>
    %dma_start3A_48 = arith.constant 0 : i32
    %dma_start3A_49 = arith.constant 0 : i32
    %dma_start3A_50 = tpu.memref_slice %arg3[%dma_start3A_48, %dma_start3A_49] : memref<1000000x64xf32, #tpu.memory_space<hbm>> -> memref<1000000x64xf32, #tpu.memory_space<hbm>>
    tpu.enqueue_indirect_dma source(%dma_start3A_50 : memref<1000000x64xf32, #tpu.memory_space<hbm>>) target(%arg10 : memref<104x64xf32, #tpu.memory_space<vmem>>) offsets(%dma_start3A_47 : memref<104xi32, #tpu.memory_space<vmem>>) semaphore(%arg18 : memref<!tpu.dma_semaphore, #tpu.memory_space<semaphore_mem>>)
    %dma_start3A_51 = arith.constant 3 : i32
    %dma_start3A_52 = arith.constant 104 : i32
    %dma_start3A_53 = tpu.memref_slice %arg5[%dma_start3A_51, %dma_start3A_52] : memref<128x200xi32, #tpu.memory_space<vmem>> -> memref<1x96xi32, #tpu.memory_space<vmem>>
    %dma_start3A_54 = tpu.memref_squeeze %dma_start3A_53 : memref<1x96xi32, #tpu.memory_space<vmem>> -> memref<96xi32, #tpu.memory_space<vmem>>
    %dma_start3A_55 = arith.constant 0 : i32
    %dma_start3A_56 = arith.constant 0 : i32
    %dma_start3A_57 = tpu.memref_slice %arg3[%dma_start3A_55, %dma_start3A_56] : memref<1000000x64xf32, #tpu.memory_space<hbm>> -> memref<1000000x64xf32, #tpu.memory_space<hbm>>
    tpu.enqueue_indirect_dma source(%dma_start3A_57 : memref<1000000x64xf32, #tpu.memory_space<hbm>>) target(%arg14 : memref<96x64xf32, #tpu.memory_space<vmem>>) offsets(%dma_start3A_54 : memref<96xi32, #tpu.memory_space<vmem>>) semaphore(%arg22 : memref<!tpu.dma_semaphore, #tpu.memory_space<semaphore_mem>>)
    %broadcast_in_dim3A = arith.constant 0.000000e+00 : f32
    %broadcast_in_dim3A_58 = vector.broadcast %broadcast_in_dim3A : f32 to vector<16xf32>
    %scan3A = arith.constant 0 : i32
    %scan3A_59 = arith.constant 32 : i32
    %scan3A_60 = arith.addi %scan3A, %scan3A_59 : i32
    %scan3A_61 = arith.constant 1 : i32
    scf.for %scan3A_63 = %scan3A to %scan3A_60 step %scan3A_61  : i32 {
      %mul3A_64 = arith.constant 4 : i32
      %mul3A_65 = arith.muli %scan3A_63, %mul3A_64 : i32
      %add3A_66 = arith.constant 0 : i32
      %add3A_67 = arith.addi %add3A_66, %mul3A_65 : i32
      %add3A_68 = arith.constant 0 : i32
      %add3A_69 = arith.addi %add3A_67, %add3A_68 : i32
      %dma_wait3A = arith.constant 0 : i32
      %dma_wait3A_70 = arith.constant 0 : i32
      %dma_wait3A_71 = tpu.memref_slice %arg5[%dma_wait3A, %dma_wait3A_70] : memref<128x200xi32, #tpu.memory_space<vmem>> -> memref<1x104xi32, #tpu.memory_space<vmem>>
      %dma_wait3A_72 = tpu.memref_squeeze %dma_wait3A_71 : memref<1x104xi32, #tpu.memory_space<vmem>> -> memref<104xi32, #tpu.memory_space<vmem>>
      %dma_wait3A_73 = arith.constant 0 : i32
      %dma_wait3A_74 = arith.constant 0 : i32
      %dma_wait3A_75 = tpu.memref_slice %arg3[%dma_wait3A_73, %dma_wait3A_74] : memref<1000000x64xf32, #tpu.memory_space<hbm>> -> memref<1000000x64xf32, #tpu.memory_space<hbm>>
      tpu.wait_indirect_dma semaphore(%arg15 : memref<!tpu.dma_semaphore, #tpu.memory_space<semaphore_mem>>) src(%dma_wait3A_75 : memref<1000000x64xf32, #tpu.memory_space<hbm>>) dst(%arg7 : memref<104x64xf32, #tpu.memory_space<vmem>>)
      %dma_wait3A_76 = arith.constant 0 : i32
      %dma_wait3A_77 = arith.constant 0 : i32
      %dma_wait3A_78 = tpu.memref_slice %arg5[%dma_wait3A_76, %dma_wait3A_77] : memref<128x200xi32, #tpu.memory_space<vmem>> -> memref<1x96xi32, #tpu.memory_space<vmem>>
      %dma_wait3A_79 = tpu.memref_squeeze %dma_wait3A_78 : memref<1x96xi32, #tpu.memory_space<vmem>> -> memref<96xi32, #tpu.memory_space<vmem>>
      %dma_wait3A_80 = arith.constant 0 : i32
      %dma_wait3A_81 = arith.constant 0 : i32
      %dma_wait3A_82 = tpu.memref_slice %arg3[%dma_wait3A_80, %dma_wait3A_81] : memref<1000000x64xf32, #tpu.memory_space<hbm>> -> memref<1000000x64xf32, #tpu.memory_space<hbm>>
      tpu.wait_indirect_dma semaphore(%arg19 : memref<!tpu.dma_semaphore, #tpu.memory_space<semaphore_mem>>) src(%dma_wait3A_82 : memref<1000000x64xf32, #tpu.memory_space<hbm>>) dst(%arg11 : memref<96x64xf32, #tpu.memory_space<vmem>>)
      %scan3A_83 = arith.constant 0 : i32
      %scan3A_84 = arith.constant 104 : i32
      %scan3A_85 = arith.addi %scan3A_83, %scan3A_84 : i32
      %scan3A_86 = arith.constant 8 : i32
      %scan3A_87:4 = scf.for %scan3A_331 = %scan3A_83 to %scan3A_85 step %scan3A_86 iter_args(%scan3A_332 = %broadcast_in_dim3A_58, %scan3A_333 = %broadcast_in_dim3A_58, %scan3A_334 = %broadcast_in_dim3A_58, %scan3A_335 = %broadcast_in_dim3A_58) -> (vector<16xf32>, vector<16xf32>, vector<16xf32>, vector<16xf32>)  : i32 {
        %get3A = arith.index_cast %scan3A_331 : i32 to index
        %get3A_336 = arith.constant 0 : index
        %get3A_337 = tpu.vector_load %arg7[%get3A, %get3A_336] {strides = array<i32>} : memref<104x64xf32, #tpu.memory_space<vmem>>, vector<1x16xf32>,
        %get3A_338 = vector.shape_cast %get3A_337 : vector<1x16xf32> to vector<16xf32>
        %add3A_339 = arith.addf %scan3A_332, %get3A_338 : vector<16xf32>
        %get3A_340 = arith.index_cast %scan3A_331 : i32 to index
        %get3A_341 = arith.constant 16 : index
        %get3A_342 = tpu.vector_load %arg7[%get3A_340, %get3A_341] {strides = array<i32>} : memref<104x64xf32, #tpu.memory_space<vmem>>, vector<1x16xf32>,
        %get3A_343 = vector.shape_cast %get3A_342 : vector<1x16xf32> to vector<16xf32>
        %add3A_344 = arith.addf %scan3A_333, %get3A_343 : vector<16xf32>
        %get3A_345 = arith.index_cast %scan3A_331 : i32 to index
        %get3A_346 = arith.constant 32 : index
        %get3A_347 = tpu.vector_load %arg7[%get3A_345, %get3A_346] {strides = array<i32>} : memref<104x64xf32, #tpu.memory_space<vmem>>, vector<1x16xf32>,
        %get3A_348 = vector.shape_cast %get3A_347 : vector<1x16xf32> to vector<16xf32>
        %add3A_349 = arith.addf %scan3A_334, %get3A_348 : vector<16xf32>
        %get3A_350 = arith.index_cast %scan3A_331 : i32 to index
        %get3A_351 = arith.constant 48 : index
        %get3A_352 = tpu.vector_load %arg7[%get3A_350, %get3A_351] {strides = array<i32>} : memref<104x64xf32, #tpu.memory_space<vmem>>, vector<1x16xf32>,
        %get3A_353 = vector.shape_cast %get3A_352 : vector<1x16xf32> to vector<16xf32>
        %add3A_354 = arith.addf %scan3A_335, %get3A_353 : vector<16xf32>
        %scan3A_355 = arith.constant 1 : i32
        %scan3A_356 = arith.addi %scan3A_331, %scan3A_355 : i32
        %get3A_357 = arith.index_cast %scan3A_356 : i32 to index
        %get3A_358 = arith.constant 0 : index
        %get3A_359 = tpu.vector_load %arg7[%get3A_357, %get3A_358] {strides = array<i32>} : memref<104x64xf32, #tpu.memory_space<vmem>>, vector<1x16xf32>,
        %get3A_360 = vector.shape_cast %get3A_359 : vector<1x16xf32> to vector<16xf32>
        %add3A_361 = arith.addf %add3A_339, %get3A_360 : vector<16xf32>
        %get3A_362 = arith.index_cast %scan3A_356 : i32 to index
        %get3A_363 = arith.constant 16 : index
        %get3A_364 = tpu.vector_load %arg7[%get3A_362, %get3A_363] {strides = array<i32>} : memref<104x64xf32, #tpu.memory_space<vmem>>, vector<1x16xf32>,
        %get3A_365 = vector.shape_cast %get3A_364 : vector<1x16xf32> to vector<16xf32>
        %add3A_366 = arith.addf %add3A_344, %get3A_365 : vector<16xf32>
        %get3A_367 = arith.index_cast %scan3A_356 : i32 to index
        %get3A_368 = arith.constant 32 : index
        %get3A_369 = tpu.vector_load %arg7[%get3A_367, %get3A_368] {strides = array<i32>} : memref<104x64xf32, #tpu.memory_space<vmem>>, vector<1x16xf32>,
        %get3A_370 = vector.shape_cast %get3A_369 : vector<1x16xf32> to vector<16xf32>
        %add3A_371 = arith.addf %add3A_349, %get3A_370 : vector<16xf32>
        %get3A_372 = arith.index_cast %scan3A_356 : i32 to index
        %get3A_373 = arith.constant 48 : index
        %get3A_374 = tpu.vector_load %arg7[%get3A_372, %get3A_373] {strides = array<i32>} : memref<104x64xf32, #tpu.memory_space<vmem>>, vector<1x16xf32>,
        %get3A_375 = vector.shape_cast %get3A_374 : vector<1x16xf32> to vector<16xf32>
        %add3A_376 = arith.addf %add3A_354, %get3A_375 : vector<16xf32>
        %scan3A_377 = arith.constant 2 : i32
        %scan3A_378 = arith.addi %scan3A_331, %scan3A_377 : i32
        %get3A_379 = arith.index_cast %scan3A_378 : i32 to index
        %get3A_380 = arith.constant 0 : index
        %get3A_381 = tpu.vector_load %arg7[%get3A_379, %get3A_380] {strides = array<i32>} : memref<104x64xf32, #tpu.memory_space<vmem>>, vector<1x16xf32>,
        %get3A_382 = vector.shape_cast %get3A_381 : vector<1x16xf32> to vector<16xf32>
        %add3A_383 = arith.addf %add3A_361, %get3A_382 : vector<16xf32>
        %get3A_384 = arith.index_cast %scan3A_378 : i32 to index
        %get3A_385 = arith.constant 16 : index
        %get3A_386 = tpu.vector_load %arg7[%get3A_384, %get3A_385] {strides = array<i32>} : memref<104x64xf32, #tpu.memory_space<vmem>>, vector<1x16xf32>,
        %get3A_387 = vector.shape_cast %get3A_386 : vector<1x16xf32> to vector<16xf32>
        %add3A_388 = arith.addf %add3A_366, %get3A_387 : vector<16xf32>
        %get3A_389 = arith.index_cast %scan3A_378 : i32 to index
        %get3A_390 = arith.constant 32 : index
        %get3A_391 = tpu.vector_load %arg7[%get3A_389, %get3A_390] {strides = array<i32>} : memref<104x64xf32, #tpu.memory_space<vmem>>, vector<1x16xf32>,
        %get3A_392 = vector.shape_cast %get3A_391 : vector<1x16xf32> to vector<16xf32>
        %add3A_393 = arith.addf %add3A_371, %get3A_392 : vector<16xf32>
        %get3A_394 = arith.index_cast %scan3A_378 : i32 to index
        %get3A_395 = arith.constant 48 : index
        %get3A_396 = tpu.vector_load %arg7[%get3A_394, %get3A_395] {strides = array<i32>} : memref<104x64xf32, #tpu.memory_space<vmem>>, vector<1x16xf32>,
        %get3A_397 = vector.shape_cast %get3A_396 : vector<1x16xf32> to vector<16xf32>
        %add3A_398 = arith.addf %add3A_376, %get3A_397 : vector<16xf32>
        %scan3A_399 = arith.constant 3 : i32
        %scan3A_400 = arith.addi %scan3A_331, %scan3A_399 : i32
        %get3A_401 = arith.index_cast %scan3A_400 : i32 to index
        %get3A_402 = arith.constant 0 : index
        %get3A_403 = tpu.vector_load %arg7[%get3A_401, %get3A_402] {strides = array<i32>} : memref<104x64xf32, #tpu.memory_space<vmem>>, vector<1x16xf32>,
        %get3A_404 = vector.shape_cast %get3A_403 : vector<1x16xf32> to vector<16xf32>
        %add3A_405 = arith.addf %add3A_383, %get3A_404 : vector<16xf32>
        %get3A_406 = arith.index_cast %scan3A_400 : i32 to index
        %get3A_407 = arith.constant 16 : index
        %get3A_408 = tpu.vector_load %arg7[%get3A_406, %get3A_407] {strides = array<i32>} : memref<104x64xf32, #tpu.memory_space<vmem>>, vector<1x16xf32>,
        %get3A_409 = vector.shape_cast %get3A_408 : vector<1x16xf32> to vector<16xf32>
        %add3A_410 = arith.addf %add3A_388, %get3A_409 : vector<16xf32>
        %get3A_411 = arith.index_cast %scan3A_400 : i32 to index
        %get3A_412 = arith.constant 32 : index
        %get3A_413 = tpu.vector_load %arg7[%get3A_411, %get3A_412] {strides = array<i32>} : memref<104x64xf32, #tpu.memory_space<vmem>>, vector<1x16xf32>,
        %get3A_414 = vector.shape_cast %get3A_413 : vector<1x16xf32> to vector<16xf32>
        %add3A_415 = arith.addf %add3A_393, %get3A_414 : vector<16xf32>
        %get3A_416 = arith.index_cast %scan3A_400 : i32 to index
        %get3A_417 = arith.constant 48 : index
        %get3A_418 = tpu.vector_load %arg7[%get3A_416, %get3A_417] {strides = array<i32>} : memref<104x64xf32, #tpu.memory_space<vmem>>, vector<1x16xf32>,
        %get3A_419 = vector.shape_cast %get3A_418 : vector<1x16xf32> to vector<16xf32>
        %add3A_420 = arith.addf %add3A_398, %get3A_419 : vector<16xf32>
        %scan3A_421 = arith.constant 4 : i32
        %scan3A_422 = arith.addi %scan3A_331, %scan3A_421 : i32
        %get3A_423 = arith.index_cast %scan3A_422 : i32 to index
        %get3A_424 = arith.constant 0 : index
        %get3A_425 = tpu.vector_load %arg7[%get3A_423, %get3A_424] {strides = array<i32>} : memref<104x64xf32, #tpu.memory_space<vmem>>, vector<1x16xf32>,
        %get3A_426 = vector.shape_cast %get3A_425 : vector<1x16xf32> to vector<16xf32>
        %add3A_427 = arith.addf %add3A_405, %get3A_426 : vector<16xf32>
        %get3A_428 = arith.index_cast %scan3A_422 : i32 to index
        %get3A_429 = arith.constant 16 : index
        %get3A_430 = tpu.vector_load %arg7[%get3A_428, %get3A_429] {strides = array<i32>} : memref<104x64xf32, #tpu.memory_space<vmem>>, vector<1x16xf32>,
        %get3A_431 = vector.shape_cast %get3A_430 : vector<1x16xf32> to vector<16xf32>
        %add3A_432 = arith.addf %add3A_410, %get3A_431 : vector<16xf32>
        %get3A_433 = arith.index_cast %scan3A_422 : i32 to index
        %get3A_434 = arith.constant 32 : index
        %get3A_435 = tpu.vector_load %arg7[%get3A_433, %get3A_434] {strides = array<i32>} : memref<104x64xf32, #tpu.memory_space<vmem>>, vector<1x16xf32>,
        %get3A_436 = vector.shape_cast %get3A_435 : vector<1x16xf32> to vector<16xf32>
        %add3A_437 = arith.addf %add3A_415, %get3A_436 : vector<16xf32>
        %get3A_438 = arith.index_cast %scan3A_422 : i32 to index
        %get3A_439 = arith.constant 48 : index
        %get3A_440 = tpu.vector_load %arg7[%get3A_438, %get3A_439] {strides = array<i32>} : memref<104x64xf32, #tpu.memory_space<vmem>>, vector<1x16xf32>,
        %get3A_441 = vector.shape_cast %get3A_440 : vector<1x16xf32> to vector<16xf32>
        %add3A_442 = arith.addf %add3A_420, %get3A_441 : vector<16xf32>
        %scan3A_443 = arith.constant 5 : i32
        %scan3A_444 = arith.addi %scan3A_331, %scan3A_443 : i32
        %get3A_445 = arith.index_cast %scan3A_444 : i32 to index
        %get3A_446 = arith.constant 0 : index
        %get3A_447 = tpu.vector_load %arg7[%get3A_445, %get3A_446] {strides = array<i32>} : memref<104x64xf32, #tpu.memory_space<vmem>>, vector<1x16xf32>,
        %get3A_448 = vector.shape_cast %get3A_447 : vector<1x16xf32> to vector<16xf32>
        %add3A_449 = arith.addf %add3A_427, %get3A_448 : vector<16xf32>
        %get3A_450 = arith.index_cast %scan3A_444 : i32 to index
        %get3A_451 = arith.constant 16 : index
        %get3A_452 = tpu.vector_load %arg7[%get3A_450, %get3A_451] {strides = array<i32>} : memref<104x64xf32, #tpu.memory_space<vmem>>, vector<1x16xf32>,
        %get3A_453 = vector.shape_cast %get3A_452 : vector<1x16xf32> to vector<16xf32>
        %add3A_454 = arith.addf %add3A_432, %get3A_453 : vector<16xf32>
        %get3A_455 = arith.index_cast %scan3A_444 : i32 to index
        %get3A_456 = arith.constant 32 : index
        %get3A_457 = tpu.vector_load %arg7[%get3A_455, %get3A_456] {strides = array<i32>} : memref<104x64xf32, #tpu.memory_space<vmem>>, vector<1x16xf32>,
        %get3A_458 = vector.shape_cast %get3A_457 : vector<1x16xf32> to vector<16xf32>
        %add3A_459 = arith.addf %add3A_437, %get3A_458 : vector<16xf32>
        %get3A_460 = arith.index_cast %scan3A_444 : i32 to index
        %get3A_461 = arith.constant 48 : index
        %get3A_462 = tpu.vector_load %arg7[%get3A_460, %get3A_461] {strides = array<i32>} : memref<104x64xf32, #tpu.memory_space<vmem>>, vector<1x16xf32>,
        %get3A_463 = vector.shape_cast %get3A_462 : vector<1x16xf32> to vector<16xf32>
        %add3A_464 = arith.addf %add3A_442, %get3A_463 : vector<16xf32>
        %scan3A_465 = arith.constant 6 : i32
        %scan3A_466 = arith.addi %scan3A_331, %scan3A_465 : i32
        %get3A_467 = arith.index_cast %scan3A_466 : i32 to index
        %get3A_468 = arith.constant 0 : index
        %get3A_469 = tpu.vector_load %arg7[%get3A_467, %get3A_468] {strides = array<i32>} : memref<104x64xf32, #tpu.memory_space<vmem>>, vector<1x16xf32>,
        %get3A_470 = vector.shape_cast %get3A_469 : vector<1x16xf32> to vector<16xf32>
        %add3A_471 = arith.addf %add3A_449, %get3A_470 : vector<16xf32>
        %get3A_472 = arith.index_cast %scan3A_466 : i32 to index
        %get3A_473 = arith.constant 16 : index
        %get3A_474 = tpu.vector_load %arg7[%get3A_472, %get3A_473] {strides = array<i32>} : memref<104x64xf32, #tpu.memory_space<vmem>>, vector<1x16xf32>,
        %get3A_475 = vector.shape_cast %get3A_474 : vector<1x16xf32> to vector<16xf32>
        %add3A_476 = arith.addf %add3A_454, %get3A_475 : vector<16xf32>
        %get3A_477 = arith.index_cast %scan3A_466 : i32 to index
        %get3A_478 = arith.constant 32 : index
        %get3A_479 = tpu.vector_load %arg7[%get3A_477, %get3A_478] {strides = array<i32>} : memref<104x64xf32, #tpu.memory_space<vmem>>, vector<1x16xf32>,
        %get3A_480 = vector.shape_cast %get3A_479 : vector<1x16xf32> to vector<16xf32>
        %add3A_481 = arith.addf %add3A_459, %get3A_480 : vector<16xf32>
        %get3A_482 = arith.index_cast %scan3A_466 : i32 to index
        %get3A_483 = arith.constant 48 : index
        %get3A_484 = tpu.vector_load %arg7[%get3A_482, %get3A_483] {strides = array<i32>} : memref<104x64xf32, #tpu.memory_space<vmem>>, vector<1x16xf32>,
        %get3A_485 = vector.shape_cast %get3A_484 : vector<1x16xf32> to vector<16xf32>
        %add3A_486 = arith.addf %add3A_464, %get3A_485 : vector<16xf32>
        %scan3A_487 = arith.constant 7 : i32
        %scan3A_488 = arith.addi %scan3A_331, %scan3A_487 : i32
        %get3A_489 = arith.index_cast %scan3A_488 : i32 to index
        %get3A_490 = arith.constant 0 : index
        %get3A_491 = tpu.vector_load %arg7[%get3A_489, %get3A_490] {strides = array<i32>} : memref<104x64xf32, #tpu.memory_space<vmem>>, vector<1x16xf32>,
        %get3A_492 = vector.shape_cast %get3A_491 : vector<1x16xf32> to vector<16xf32>
        %add3A_493 = arith.addf %add3A_471, %get3A_492 : vector<16xf32>
        %get3A_494 = arith.index_cast %scan3A_488 : i32 to index
        %get3A_495 = arith.constant 16 : index
        %get3A_496 = tpu.vector_load %arg7[%get3A_494, %get3A_495] {strides = array<i32>} : memref<104x64xf32, #tpu.memory_space<vmem>>, vector<1x16xf32>,
        %get3A_497 = vector.shape_cast %get3A_496 : vector<1x16xf32> to vector<16xf32>
        %add3A_498 = arith.addf %add3A_476, %get3A_497 : vector<16xf32>
        %get3A_499 = arith.index_cast %scan3A_488 : i32 to index
        %get3A_500 = arith.constant 32 : index
        %get3A_501 = tpu.vector_load %arg7[%get3A_499, %get3A_500] {strides = array<i32>} : memref<104x64xf32, #tpu.memory_space<vmem>>, vector<1x16xf32>,
        %get3A_502 = vector.shape_cast %get3A_501 : vector<1x16xf32> to vector<16xf32>
        %add3A_503 = arith.addf %add3A_481, %get3A_502 : vector<16xf32>
        %get3A_504 = arith.index_cast %scan3A_488 : i32 to index
        %get3A_505 = arith.constant 48 : index
        %get3A_506 = tpu.vector_load %arg7[%get3A_504, %get3A_505] {strides = array<i32>} : memref<104x64xf32, #tpu.memory_space<vmem>>, vector<1x16xf32>,
        %get3A_507 = vector.shape_cast %get3A_506 : vector<1x16xf32> to vector<16xf32>
        %add3A_508 = arith.addf %add3A_486, %get3A_507 : vector<16xf32>
        scf.yield %add3A_493, %add3A_498, %add3A_503, %add3A_508 : vector<16xf32>, vector<16xf32>, vector<16xf32>, vector<16xf32>
      }
      %scan3A_88 = arith.constant 104 : i32
      %scan3A_89 = arith.constant 0 : i32
      %scan3A_90 = arith.constant 96 : i32
      %scan3A_91 = arith.addi %scan3A_89, %scan3A_90 : i32
      %scan3A_92 = arith.constant 8 : i32
      %scan3A_93:4 = scf.for %scan3A_331 = %scan3A_89 to %scan3A_91 step %scan3A_92 iter_args(%scan3A_332 = %scan3A_87#0, %scan3A_333 = %scan3A_87#1, %scan3A_334 = %scan3A_87#2, %scan3A_335 = %scan3A_87#3) -> (vector<16xf32>, vector<16xf32>, vector<16xf32>, vector<16xf32>)  : i32 {
        %get3A = arith.index_cast %scan3A_331 : i32 to index
        %get3A_336 = arith.constant 0 : index
        %get3A_337 = tpu.vector_load %arg11[%get3A, %get3A_336] {strides = array<i32>} : memref<96x64xf32, #tpu.memory_space<vmem>>, vector<1x16xf32>,
        %get3A_338 = vector.shape_cast %get3A_337 : vector<1x16xf32> to vector<16xf32>
        %add3A_339 = arith.addf %scan3A_332, %get3A_338 : vector<16xf32>
        %get3A_340 = arith.index_cast %scan3A_331 : i32 to index
        %get3A_341 = arith.constant 16 : index
        %get3A_342 = tpu.vector_load %arg11[%get3A_340, %get3A_341] {strides = array<i32>} : memref<96x64xf32, #tpu.memory_space<vmem>>, vector<1x16xf32>,
        %get3A_343 = vector.shape_cast %get3A_342 : vector<1x16xf32> to vector<16xf32>
        %add3A_344 = arith.addf %scan3A_333, %get3A_343 : vector<16xf32>
        %get3A_345 = arith.index_cast %scan3A_331 : i32 to index
        %get3A_346 = arith.constant 32 : index
        %get3A_347 = tpu.vector_load %arg11[%get3A_345, %get3A_346] {strides = array<i32>} : memref<96x64xf32, #tpu.memory_space<vmem>>, vector<1x16xf32>,
        %get3A_348 = vector.shape_cast %get3A_347 : vector<1x16xf32> to vector<16xf32>
        %add3A_349 = arith.addf %scan3A_334, %get3A_348 : vector<16xf32>
        %get3A_350 = arith.index_cast %scan3A_331 : i32 to index
        %get3A_351 = arith.constant 48 : index
        %get3A_352 = tpu.vector_load %arg11[%get3A_350, %get3A_351] {strides = array<i32>} : memref<96x64xf32, #tpu.memory_space<vmem>>, vector<1x16xf32>,
        %get3A_353 = vector.shape_cast %get3A_352 : vector<1x16xf32> to vector<16xf32>
        %add3A_354 = arith.addf %scan3A_335, %get3A_353 : vector<16xf32>
        %scan3A_355 = arith.constant 1 : i32
        %scan3A_356 = arith.addi %scan3A_331, %scan3A_355 : i32
        %get3A_357 = arith.index_cast %scan3A_356 : i32 to index
        %get3A_358 = arith.constant 0 : index
        %get3A_359 = tpu.vector_load %arg11[%get3A_357, %get3A_358] {strides = array<i32>} : memref<96x64xf32, #tpu.memory_space<vmem>>, vector<1x16xf32>,
        %get3A_360 = vector.shape_cast %get3A_359 : vector<1x16xf32> to vector<16xf32>
        %add3A_361 = arith.addf %add3A_339, %get3A_360 : vector<16xf32>
        %get3A_362 = arith.index_cast %scan3A_356 : i32 to index
        %get3A_363 = arith.constant 16 : index
        %get3A_364 = tpu.vector_load %arg11[%get3A_362, %get3A_363] {strides = array<i32>} : memref<96x64xf32, #tpu.memory_space<vmem>>, vector<1x16xf32>,
        %get3A_365 = vector.shape_cast %get3A_364 : vector<1x16xf32> to vector<16xf32>
        %add3A_366 = arith.addf %add3A_344, %get3A_365 : vector<16xf32>
        %get3A_367 = arith.index_cast %scan3A_356 : i32 to index
        %get3A_368 = arith.constant 32 : index
        %get3A_369 = tpu.vector_load %arg11[%get3A_367, %get3A_368] {strides = array<i32>} : memref<96x64xf32, #tpu.memory_space<vmem>>, vector<1x16xf32>,
        %get3A_370 = vector.shape_cast %get3A_369 : vector<1x16xf32> to vector<16xf32>
        %add3A_371 = arith.addf %add3A_349, %get3A_370 : vector<16xf32>
        %get3A_372 = arith.index_cast %scan3A_356 : i32 to index
        %get3A_373 = arith.constant 48 : index
        %get3A_374 = tpu.vector_load %arg11[%get3A_372, %get3A_373] {strides = array<i32>} : memref<96x64xf32, #tpu.memory_space<vmem>>, vector<1x16xf32>,
        %get3A_375 = vector.shape_cast %get3A_374 : vector<1x16xf32> to vector<16xf32>
        %add3A_376 = arith.addf %add3A_354, %get3A_375 : vector<16xf32>
        %scan3A_377 = arith.constant 2 : i32
        %scan3A_378 = arith.addi %scan3A_331, %scan3A_377 : i32
        %get3A_379 = arith.index_cast %scan3A_378 : i32 to index
        %get3A_380 = arith.constant 0 : index
        %get3A_381 = tpu.vector_load %arg11[%get3A_379, %get3A_380] {strides = array<i32>} : memref<96x64xf32, #tpu.memory_space<vmem>>, vector<1x16xf32>,
        %get3A_382 = vector.shape_cast %get3A_381 : vector<1x16xf32> to vector<16xf32>
        %add3A_383 = arith.addf %add3A_361, %get3A_382 : vector<16xf32>
        %get3A_384 = arith.index_cast %scan3A_378 : i32 to index
        %get3A_385 = arith.constant 16 : index
        %get3A_386 = tpu.vector_load %arg11[%get3A_384, %get3A_385] {strides = array<i32>} : memref<96x64xf32, #tpu.memory_space<vmem>>, vector<1x16xf32>,
        %get3A_387 = vector.shape_cast %get3A_386 : vector<1x16xf32> to vector<16xf32>
        %add3A_388 = arith.addf %add3A_366, %get3A_387 : vector<16xf32>
        %get3A_389 = arith.index_cast %scan3A_378 : i32 to index
        %get3A_390 = arith.constant 32 : index
        %get3A_391 = tpu.vector_load %arg11[%get3A_389, %get3A_390] {strides = array<i32>} : memref<96x64xf32, #tpu.memory_space<vmem>>, vector<1x16xf32>,
        %get3A_392 = vector.shape_cast %get3A_391 : vector<1x16xf32> to vector<16xf32>
        %add3A_393 = arith.addf %add3A_371, %get3A_392 : vector<16xf32>
        %get3A_394 = arith.index_cast %scan3A_378 : i32 to index
        %get3A_395 = arith.constant 48 : index
        %get3A_396 = tpu.vector_load %arg11[%get3A_394, %get3A_395] {strides = array<i32>} : memref<96x64xf32, #tpu.memory_space<vmem>>, vector<1x16xf32>,
        %get3A_397 = vector.shape_cast %get3A_396 : vector<1x16xf32> to vector<16xf32>
        %add3A_398 = arith.addf %add3A_376, %get3A_397 : vector<16xf32>
        %scan3A_399 = arith.constant 3 : i32
        %scan3A_400 = arith.addi %scan3A_331, %scan3A_399 : i32
        %get3A_401 = arith.index_cast %scan3A_400 : i32 to index
        %get3A_402 = arith.constant 0 : index
        %get3A_403 = tpu.vector_load %arg11[%get3A_401, %get3A_402] {strides = array<i32>} : memref<96x64xf32, #tpu.memory_space<vmem>>, vector<1x16xf32>,
        %get3A_404 = vector.shape_cast %get3A_403 : vector<1x16xf32> to vector<16xf32>
        %add3A_405 = arith.addf %add3A_383, %get3A_404 : vector<16xf32>
        %get3A_406 = arith.index_cast %scan3A_400 : i32 to index
        %get3A_407 = arith.constant 16 : index
        %get3A_408 = tpu.vector_load %arg11[%get3A_406, %get3A_407] {strides = array<i32>} : memref<96x64xf32, #tpu.memory_space<vmem>>, vector<1x16xf32>,
        %get3A_409 = vector.shape_cast %get3A_408 : vector<1x16xf32> to vector<16xf32>
        %add3A_410 = arith.addf %add3A_388, %get3A_409 : vector<16xf32>
        %get3A_411 = arith.index_cast %scan3A_400 : i32 to index
        %get3A_412 = arith.constant 32 : index
        %get3A_413 = tpu.vector_load %arg11[%get3A_411, %get3A_412] {strides = array<i32>} : memref<96x64xf32, #tpu.memory_space<vmem>>, vector<1x16xf32>,
        %get3A_414 = vector.shape_cast %get3A_413 : vector<1x16xf32> to vector<16xf32>
        %add3A_415 = arith.addf %add3A_393, %get3A_414 : vector<16xf32>
        %get3A_416 = arith.index_cast %scan3A_400 : i32 to index
        %get3A_417 = arith.constant 48 : index
        %get3A_418 = tpu.vector_load %arg11[%get3A_416, %get3A_417] {strides = array<i32>} : memref<96x64xf32, #tpu.memory_space<vmem>>, vector<1x16xf32>,
        %get3A_419 = vector.shape_cast %get3A_418 : vector<1x16xf32> to vector<16xf32>
        %add3A_420 = arith.addf %add3A_398, %get3A_419 : vector<16xf32>
        %scan3A_421 = arith.constant 4 : i32
        %scan3A_422 = arith.addi %scan3A_331, %scan3A_421 : i32
        %get3A_423 = arith.index_cast %scan3A_422 : i32 to index
        %get3A_424 = arith.constant 0 : index
        %get3A_425 = tpu.vector_load %arg11[%get3A_423, %get3A_424] {strides = array<i32>} : memref<96x64xf32, #tpu.memory_space<vmem>>, vector<1x16xf32>,
        %get3A_426 = vector.shape_cast %get3A_425 : vector<1x16xf32> to vector<16xf32>
        %add3A_427 = arith.addf %add3A_405, %get3A_426 : vector<16xf32>
        %get3A_428 = arith.index_cast %scan3A_422 : i32 to index
        %get3A_429 = arith.constant 16 : index
        %get3A_430 = tpu.vector_load %arg11[%get3A_428, %get3A_429] {strides = array<i32>} : memref<96x64xf32, #tpu.memory_space<vmem>>, vector<1x16xf32>,
        %get3A_431 = vector.shape_cast %get3A_430 : vector<1x16xf32> to vector<16xf32>
        %add3A_432 = arith.addf %add3A_410, %get3A_431 : vector<16xf32>
        %get3A_433 = arith.index_cast %scan3A_422 : i32 to index
        %get3A_434 = arith.constant 32 : index
        %get3A_435 = tpu.vector_load %arg11[%get3A_433, %get3A_434] {strides = array<i32>} : memref<96x64xf32, #tpu.memory_space<vmem>>, vector<1x16xf32>,
        %get3A_436 = vector.shape_cast %get3A_435 : vector<1x16xf32> to vector<16xf32>
        %add3A_437 = arith.addf %add3A_415, %get3A_436 : vector<16xf32>
        %get3A_438 = arith.index_cast %scan3A_422 : i32 to index
        %get3A_439 = arith.constant 48 : index
        %get3A_440 = tpu.vector_load %arg11[%get3A_438, %get3A_439] {strides = array<i32>} : memref<96x64xf32, #tpu.memory_space<vmem>>, vector<1x16xf32>,
        %get3A_441 = vector.shape_cast %get3A_440 : vector<1x16xf32> to vector<16xf32>
        %add3A_442 = arith.addf %add3A_420, %get3A_441 : vector<16xf32>
        %scan3A_443 = arith.constant 5 : i32
        %scan3A_444 = arith.addi %scan3A_331, %scan3A_443 : i32
        %get3A_445 = arith.index_cast %scan3A_444 : i32 to index
        %get3A_446 = arith.constant 0 : index
        %get3A_447 = tpu.vector_load %arg11[%get3A_445, %get3A_446] {strides = array<i32>} : memref<96x64xf32, #tpu.memory_space<vmem>>, vector<1x16xf32>,
        %get3A_448 = vector.shape_cast %get3A_447 : vector<1x16xf32> to vector<16xf32>
        %add3A_449 = arith.addf %add3A_427, %get3A_448 : vector<16xf32>
        %get3A_450 = arith.index_cast %scan3A_444 : i32 to index
        %get3A_451 = arith.constant 16 : index
        %get3A_452 = tpu.vector_load %arg11[%get3A_450, %get3A_451] {strides = array<i32>} : memref<96x64xf32, #tpu.memory_space<vmem>>, vector<1x16xf32>,
        %get3A_453 = vector.shape_cast %get3A_452 : vector<1x16xf32> to vector<16xf32>
        %add3A_454 = arith.addf %add3A_432, %get3A_453 : vector<16xf32>
        %get3A_455 = arith.index_cast %scan3A_444 : i32 to index
        %get3A_456 = arith.constant 32 : index
        %get3A_457 = tpu.vector_load %arg11[%get3A_455, %get3A_456] {strides = array<i32>} : memref<96x64xf32, #tpu.memory_space<vmem>>, vector<1x16xf32>,
        %get3A_458 = vector.shape_cast %get3A_457 : vector<1x16xf32> to vector<16xf32>
        %add3A_459 = arith.addf %add3A_437, %get3A_458 : vector<16xf32>
        %get3A_460 = arith.index_cast %scan3A_444 : i32 to index
        %get3A_461 = arith.constant 48 : index
        %get3A_462 = tpu.vector_load %arg11[%get3A_460, %get3A_461] {strides = array<i32>} : memref<96x64xf32, #tpu.memory_space<vmem>>, vector<1x16xf32>,
        %get3A_463 = vector.shape_cast %get3A_462 : vector<1x16xf32> to vector<16xf32>
        %add3A_464 = arith.addf %add3A_442, %get3A_463 : vector<16xf32>
        %scan3A_465 = arith.constant 6 : i32
        %scan3A_466 = arith.addi %scan3A_331, %scan3A_465 : i32
        %get3A_467 = arith.index_cast %scan3A_466 : i32 to index
        %get3A_468 = arith.constant 0 : index
        %get3A_469 = tpu.vector_load %arg11[%get3A_467, %get3A_468] {strides = array<i32>} : memref<96x64xf32, #tpu.memory_space<vmem>>, vector<1x16xf32>,
        %get3A_470 = vector.shape_cast %get3A_469 : vector<1x16xf32> to vector<16xf32>
        %add3A_471 = arith.addf %add3A_449, %get3A_470 : vector<16xf32>
        %get3A_472 = arith.index_cast %scan3A_466 : i32 to index
        %get3A_473 = arith.constant 16 : index
        %get3A_474 = tpu.vector_load %arg11[%get3A_472, %get3A_473] {strides = array<i32>} : memref<96x64xf32, #tpu.memory_space<vmem>>, vector<1x16xf32>,
        %get3A_475 = vector.shape_cast %get3A_474 : vector<1x16xf32> to vector<16xf32>
        %add3A_476 = arith.addf %add3A_454, %get3A_475 : vector<16xf32>
        %get3A_477 = arith.index_cast %scan3A_466 : i32 to index
        %get3A_478 = arith.constant 32 : index
        %get3A_479 = tpu.vector_load %arg11[%get3A_477, %get3A_478] {strides = array<i32>} : memref<96x64xf32, #tpu.memory_space<vmem>>, vector<1x16xf32>,
        %get3A_480 = vector.shape_cast %get3A_479 : vector<1x16xf32> to vector<16xf32>
        %add3A_481 = arith.addf %add3A_459, %get3A_480 : vector<16xf32>
        %get3A_482 = arith.index_cast %scan3A_466 : i32 to index
        %get3A_483 = arith.constant 48 : index
        %get3A_484 = tpu.vector_load %arg11[%get3A_482, %get3A_483] {strides = array<i32>} : memref<96x64xf32, #tpu.memory_space<vmem>>, vector<1x16xf32>,
        %get3A_485 = vector.shape_cast %get3A_484 : vector<1x16xf32> to vector<16xf32>
        %add3A_486 = arith.addf %add3A_464, %get3A_485 : vector<16xf32>
        %scan3A_487 = arith.constant 7 : i32
        %scan3A_488 = arith.addi %scan3A_331, %scan3A_487 : i32
        %get3A_489 = arith.index_cast %scan3A_488 : i32 to index
        %get3A_490 = arith.constant 0 : index
        %get3A_491 = tpu.vector_load %arg11[%get3A_489, %get3A_490] {strides = array<i32>} : memref<96x64xf32, #tpu.memory_space<vmem>>, vector<1x16xf32>,
        %get3A_492 = vector.shape_cast %get3A_491 : vector<1x16xf32> to vector<16xf32>
        %add3A_493 = arith.addf %add3A_471, %get3A_492 : vector<16xf32>
        %get3A_494 = arith.index_cast %scan3A_488 : i32 to index
        %get3A_495 = arith.constant 16 : index
        %get3A_496 = tpu.vector_load %arg11[%get3A_494, %get3A_495] {strides = array<i32>} : memref<96x64xf32, #tpu.memory_space<vmem>>, vector<1x16xf32>,
        %get3A_497 = vector.shape_cast %get3A_496 : vector<1x16xf32> to vector<16xf32>
        %add3A_498 = arith.addf %add3A_476, %get3A_497 : vector<16xf32>
        %get3A_499 = arith.index_cast %scan3A_488 : i32 to index
        %get3A_500 = arith.constant 32 : index
        %get3A_501 = tpu.vector_load %arg11[%get3A_499, %get3A_500] {strides = array<i32>} : memref<96x64xf32, #tpu.memory_space<vmem>>, vector<1x16xf32>,
        %get3A_502 = vector.shape_cast %get3A_501 : vector<1x16xf32> to vector<16xf32>
        %add3A_503 = arith.addf %add3A_481, %get3A_502 : vector<16xf32>
        %get3A_504 = arith.index_cast %scan3A_488 : i32 to index
        %get3A_505 = arith.constant 48 : index
        %get3A_506 = tpu.vector_load %arg11[%get3A_504, %get3A_505] {strides = array<i32>} : memref<96x64xf32, #tpu.memory_space<vmem>>, vector<1x16xf32>,
        %get3A_507 = vector.shape_cast %get3A_506 : vector<1x16xf32> to vector<16xf32>
        %add3A_508 = arith.addf %add3A_486, %get3A_507 : vector<16xf32>
        scf.yield %add3A_493, %add3A_498, %add3A_503, %add3A_508 : vector<16xf32>, vector<16xf32>, vector<16xf32>, vector<16xf32>
      }
      %scan3A_94 = arith.constant 96 : i32
      %add3A_95 = arith.constant 4 : i32
      %add3A_96 = arith.addi %add3A_69, %add3A_95 : i32
      %lt3A = arith.constant 128 : i32
      %lt3A_97 = arith.cmpi slt, %add3A_96, %lt3A : i32
      %convert_element_type3A = arith.extui %lt3A_97 : i1 to i32
      %cond3A = arith.constant 0 : i32
      %cond3A_98 = arith.cmpi ne, %convert_element_type3A, %cond3A : i32
      scf.if %cond3A_98 {
        %add3A_331 = arith.constant 4 : i32
        %add3A_332 = arith.addi %add3A_69, %add3A_331 : i32
        %dma_start3A_333 = arith.constant 0 : i32
        %dma_start3A_334 = tpu.memref_slice %arg5[%add3A_332, %dma_start3A_333] : memref<128x200xi32, #tpu.memory_space<vmem>> -> memref<1x104xi32, #tpu.memory_space<vmem>>
        %dma_start3A_335 = tpu.memref_squeeze %dma_start3A_334 : memref<1x104xi32, #tpu.memory_space<vmem>> -> memref<104xi32, #tpu.memory_space<vmem>>
        %dma_start3A_336 = arith.constant 0 : i32
        %dma_start3A_337 = arith.constant 0 : i32
        %dma_start3A_338 = tpu.memref_slice %arg3[%dma_start3A_336, %dma_start3A_337] : memref<1000000x64xf32, #tpu.memory_space<hbm>> -> memref<1000000x64xf32, #tpu.memory_space<hbm>>
        tpu.enqueue_indirect_dma source(%dma_start3A_338 : memref<1000000x64xf32, #tpu.memory_space<hbm>>) target(%arg7 : memref<104x64xf32, #tpu.memory_space<vmem>>) offsets(%dma_start3A_335 : memref<104xi32, #tpu.memory_space<vmem>>) semaphore(%arg15 : memref<!tpu.dma_semaphore, #tpu.memory_space<semaphore_mem>>)
        %dma_start3A_339 = arith.constant 104 : i32
        %dma_start3A_340 = tpu.memref_slice %arg5[%add3A_332, %dma_start3A_339] : memref<128x200xi32, #tpu.memory_space<vmem>> -> memref<1x96xi32, #tpu.memory_space<vmem>>
        %dma_start3A_341 = tpu.memref_squeeze %dma_start3A_340 : memref<1x96xi32, #tpu.memory_space<vmem>> -> memref<96xi32, #tpu.memory_space<vmem>>
        %dma_start3A_342 = arith.constant 0 : i32
        %dma_start3A_343 = arith.constant 0 : i32
        %dma_start3A_344 = tpu.memref_slice %arg3[%dma_start3A_342, %dma_start3A_343] : memref<1000000x64xf32, #tpu.memory_space<hbm>> -> memref<1000000x64xf32, #tpu.memory_space<hbm>>
        tpu.enqueue_indirect_dma source(%dma_start3A_344 : memref<1000000x64xf32, #tpu.memory_space<hbm>>) target(%arg11 : memref<96x64xf32, #tpu.memory_space<vmem>>) offsets(%dma_start3A_341 : memref<96xi32, #tpu.memory_space<vmem>>) semaphore(%arg19 : memref<!tpu.dma_semaphore, #tpu.memory_space<semaphore_mem>>)
      } else {
      }
      %mul3A_99 = arith.constant 5.000000e-03 : f32
      %mul3A_100 = vector.broadcast %mul3A_99 : f32 to vector<16xf32>
      %mul3A_101 = arith.mulf %scan3A_93#0, %mul3A_100 : vector<16xf32>
      %swap3A = arith.index_cast %add3A_69 : i32 to index
      %swap3A_102 = arith.constant 0 : index
      %swap3A_103 = tpu.vector_load %arg6[%swap3A, %swap3A_102] {strides = array<i32>} : memref<128x64xf32, #tpu.memory_space<vmem>>, vector<1x16xf32>,
      %swap3A_104 = vector.shape_cast %swap3A_103 : vector<1x16xf32> to vector<16xf32>
      %swap3A_105 = vector.shape_cast %mul3A_101 : vector<16xf32> to vector<1x16xf32>
      tpu.vector_store %arg6[%swap3A, %swap3A_102], %swap3A_105 {strides = array<i32>} : memref<128x64xf32, #tpu.memory_space<vmem>>, vector<1x16xf32>,
      %mul3A_106 = arith.constant 5.000000e-03 : f32
      %mul3A_107 = vector.broadcast %mul3A_106 : f32 to vector<16xf32>
      %mul3A_108 = arith.mulf %scan3A_93#1, %mul3A_107 : vector<16xf32>
      %swap3A_109 = arith.index_cast %add3A_69 : i32 to index
      %swap3A_110 = arith.constant 16 : index
      %swap3A_111 = tpu.vector_load %arg6[%swap3A_109, %swap3A_110] {strides = array<i32>} : memref<128x64xf32, #tpu.memory_space<vmem>>, vector<1x16xf32>,
      %swap3A_112 = vector.shape_cast %swap3A_111 : vector<1x16xf32> to vector<16xf32>
      %swap3A_113 = vector.shape_cast %mul3A_108 : vector<16xf32> to vector<1x16xf32>
      tpu.vector_store %arg6[%swap3A_109, %swap3A_110], %swap3A_113 {strides = array<i32>} : memref<128x64xf32, #tpu.memory_space<vmem>>, vector<1x16xf32>,
      %mul3A_114 = arith.constant 5.000000e-03 : f32
      %mul3A_115 = vector.broadcast %mul3A_114 : f32 to vector<16xf32>
      %mul3A_116 = arith.mulf %scan3A_93#2, %mul3A_115 : vector<16xf32>
      %swap3A_117 = arith.index_cast %add3A_69 : i32 to index
      %swap3A_118 = arith.constant 32 : index
      %swap3A_119 = tpu.vector_load %arg6[%swap3A_117, %swap3A_118] {strides = array<i32>} : memref<128x64xf32, #tpu.memory_space<vmem>>, vector<1x16xf32>,
      %swap3A_120 = vector.shape_cast %swap3A_119 : vector<1x16xf32> to vector<16xf32>
      %swap3A_121 = vector.shape_cast %mul3A_116 : vector<16xf32> to vector<1x16xf32>
      tpu.vector_store %arg6[%swap3A_117, %swap3A_118], %swap3A_121 {strides = array<i32>} : memref<128x64xf32, #tpu.memory_space<vmem>>, vector<1x16xf32>,
      %mul3A_122 = arith.constant 5.000000e-03 : f32
      %mul3A_123 = vector.broadcast %mul3A_122 : f32 to vector<16xf32>
      %mul3A_124 = arith.mulf %scan3A_93#3, %mul3A_123 : vector<16xf32>
      %swap3A_125 = arith.index_cast %add3A_69 : i32 to index
      %swap3A_126 = arith.constant 48 : index
      %swap3A_127 = tpu.vector_load %arg6[%swap3A_125, %swap3A_126] {strides = array<i32>} : memref<128x64xf32, #tpu.memory_space<vmem>>, vector<1x16xf32>,
      %swap3A_128 = vector.shape_cast %swap3A_127 : vector<1x16xf32> to vector<16xf32>
      %swap3A_129 = vector.shape_cast %mul3A_124 : vector<16xf32> to vector<1x16xf32>
      tpu.vector_store %arg6[%swap3A_125, %swap3A_126], %swap3A_129 {strides = array<i32>} : memref<128x64xf32, #tpu.memory_space<vmem>>, vector<1x16xf32>,
      %add3A_130 = arith.constant 1 : i32
      %add3A_131 = arith.addi %add3A_67, %add3A_130 : i32
      %dma_wait3A_132 = arith.constant 0 : i32
      %dma_wait3A_133 = arith.constant 0 : i32
      %dma_wait3A_134 = tpu.memref_slice %arg5[%dma_wait3A_132, %dma_wait3A_133] : memref<128x200xi32, #tpu.memory_space<vmem>> -> memref<1x104xi32, #tpu.memory_space<vmem>>
      %dma_wait3A_135 = tpu.memref_squeeze %dma_wait3A_134 : memref<1x104xi32, #tpu.memory_space<vmem>> -> memref<104xi32, #tpu.memory_space<vmem>>
      %dma_wait3A_136 = arith.constant 0 : i32
      %dma_wait3A_137 = arith.constant 0 : i32
      %dma_wait3A_138 = tpu.memref_slice %arg3[%dma_wait3A_136, %dma_wait3A_137] : memref<1000000x64xf32, #tpu.memory_space<hbm>> -> memref<1000000x64xf32, #tpu.memory_space<hbm>>
      tpu.wait_indirect_dma semaphore(%arg16 : memref<!tpu.dma_semaphore, #tpu.memory_space<semaphore_mem>>) src(%dma_wait3A_138 : memref<1000000x64xf32, #tpu.memory_space<hbm>>) dst(%arg8 : memref<104x64xf32, #tpu.memory_space<vmem>>)
      %dma_wait3A_139 = arith.constant 0 : i32
      %dma_wait3A_140 = arith.constant 0 : i32
      %dma_wait3A_141 = tpu.memref_slice %arg5[%dma_wait3A_139, %dma_wait3A_140] : memref<128x200xi32, #tpu.memory_space<vmem>> -> memref<1x96xi32, #tpu.memory_space<vmem>>
      %dma_wait3A_142 = tpu.memref_squeeze %dma_wait3A_141 : memref<1x96xi32, #tpu.memory_space<vmem>> -> memref<96xi32, #tpu.memory_space<vmem>>
      %dma_wait3A_143 = arith.constant 0 : i32
      %dma_wait3A_144 = arith.constant 0 : i32
      %dma_wait3A_145 = tpu.memref_slice %arg3[%dma_wait3A_143, %dma_wait3A_144] : memref<1000000x64xf32, #tpu.memory_space<hbm>> -> memref<1000000x64xf32, #tpu.memory_space<hbm>>
      tpu.wait_indirect_dma semaphore(%arg20 : memref<!tpu.dma_semaphore, #tpu.memory_space<semaphore_mem>>) src(%dma_wait3A_145 : memref<1000000x64xf32, #tpu.memory_space<hbm>>) dst(%arg12 : memref<96x64xf32, #tpu.memory_space<vmem>>)
      %scan3A_146 = arith.constant 0 : i32
      %scan3A_147 = arith.constant 104 : i32
      %scan3A_148 = arith.addi %scan3A_146, %scan3A_147 : i32
      %scan3A_149 = arith.constant 8 : i32
      %scan3A_150:4 = scf.for %scan3A_331 = %scan3A_146 to %scan3A_148 step %scan3A_149 iter_args(%scan3A_332 = %broadcast_in_dim3A_58, %scan3A_333 = %broadcast_in_dim3A_58, %scan3A_334 = %broadcast_in_dim3A_58, %scan3A_335 = %broadcast_in_dim3A_58) -> (vector<16xf32>, vector<16xf32>, vector<16xf32>, vector<16xf32>)  : i32 {
        %get3A = arith.index_cast %scan3A_331 : i32 to index
        %get3A_336 = arith.constant 0 : index
        %get3A_337 = tpu.vector_load %arg8[%get3A, %get3A_336] {strides = array<i32>} : memref<104x64xf32, #tpu.memory_space<vmem>>, vector<1x16xf32>,
        %get3A_338 = vector.shape_cast %get3A_337 : vector<1x16xf32> to vector<16xf32>
        %add3A_339 = arith.addf %scan3A_332, %get3A_338 : vector<16xf32>
        %get3A_340 = arith.index_cast %scan3A_331 : i32 to index
        %get3A_341 = arith.constant 16 : index
        %get3A_342 = tpu.vector_load %arg8[%get3A_340, %get3A_341] {strides = array<i32>} : memref<104x64xf32, #tpu.memory_space<vmem>>, vector<1x16xf32>,
        %get3A_343 = vector.shape_cast %get3A_342 : vector<1x16xf32> to vector<16xf32>
        %add3A_344 = arith.addf %scan3A_333, %get3A_343 : vector<16xf32>
        %get3A_345 = arith.index_cast %scan3A_331 : i32 to index
        %get3A_346 = arith.constant 32 : index
        %get3A_347 = tpu.vector_load %arg8[%get3A_345, %get3A_346] {strides = array<i32>} : memref<104x64xf32, #tpu.memory_space<vmem>>, vector<1x16xf32>,
        %get3A_348 = vector.shape_cast %get3A_347 : vector<1x16xf32> to vector<16xf32>
        %add3A_349 = arith.addf %scan3A_334, %get3A_348 : vector<16xf32>
        %get3A_350 = arith.index_cast %scan3A_331 : i32 to index
        %get3A_351 = arith.constant 48 : index
        %get3A_352 = tpu.vector_load %arg8[%get3A_350, %get3A_351] {strides = array<i32>} : memref<104x64xf32, #tpu.memory_space<vmem>>, vector<1x16xf32>,
        %get3A_353 = vector.shape_cast %get3A_352 : vector<1x16xf32> to vector<16xf32>
        %add3A_354 = arith.addf %scan3A_335, %get3A_353 : vector<16xf32>
        %scan3A_355 = arith.constant 1 : i32
        %scan3A_356 = arith.addi %scan3A_331, %scan3A_355 : i32
        %get3A_357 = arith.index_cast %scan3A_356 : i32 to index
        %get3A_358 = arith.constant 0 : index
        %get3A_359 = tpu.vector_load %arg8[%get3A_357, %get3A_358] {strides = array<i32>} : memref<104x64xf32, #tpu.memory_space<vmem>>, vector<1x16xf32>,
        %get3A_360 = vector.shape_cast %get3A_359 : vector<1x16xf32> to vector<16xf32>
        %add3A_361 = arith.addf %add3A_339, %get3A_360 : vector<16xf32>
        %get3A_362 = arith.index_cast %scan3A_356 : i32 to index
        %get3A_363 = arith.constant 16 : index
        %get3A_364 = tpu.vector_load %arg8[%get3A_362, %get3A_363] {strides = array<i32>} : memref<104x64xf32, #tpu.memory_space<vmem>>, vector<1x16xf32>,
        %get3A_365 = vector.shape_cast %get3A_364 : vector<1x16xf32> to vector<16xf32>
        %add3A_366 = arith.addf %add3A_344, %get3A_365 : vector<16xf32>
        %get3A_367 = arith.index_cast %scan3A_356 : i32 to index
        %get3A_368 = arith.constant 32 : index
        %get3A_369 = tpu.vector_load %arg8[%get3A_367, %get3A_368] {strides = array<i32>} : memref<104x64xf32, #tpu.memory_space<vmem>>, vector<1x16xf32>,
        %get3A_370 = vector.shape_cast %get3A_369 : vector<1x16xf32> to vector<16xf32>
        %add3A_371 = arith.addf %add3A_349, %get3A_370 : vector<16xf32>
        %get3A_372 = arith.index_cast %scan3A_356 : i32 to index
        %get3A_373 = arith.constant 48 : index
        %get3A_374 = tpu.vector_load %arg8[%get3A_372, %get3A_373] {strides = array<i32>} : memref<104x64xf32, #tpu.memory_space<vmem>>, vector<1x16xf32>,
        %get3A_375 = vector.shape_cast %get3A_374 : vector<1x16xf32> to vector<16xf32>
        %add3A_376 = arith.addf %add3A_354, %get3A_375 : vector<16xf32>
        %scan3A_377 = arith.constant 2 : i32
        %scan3A_378 = arith.addi %scan3A_331, %scan3A_377 : i32
        %get3A_379 = arith.index_cast %scan3A_378 : i32 to index
        %get3A_380 = arith.constant 0 : index
        %get3A_381 = tpu.vector_load %arg8[%get3A_379, %get3A_380] {strides = array<i32>} : memref<104x64xf32, #tpu.memory_space<vmem>>, vector<1x16xf32>,
        %get3A_382 = vector.shape_cast %get3A_381 : vector<1x16xf32> to vector<16xf32>
        %add3A_383 = arith.addf %add3A_361, %get3A_382 : vector<16xf32>
        %get3A_384 = arith.index_cast %scan3A_378 : i32 to index
        %get3A_385 = arith.constant 16 : index
        %get3A_386 = tpu.vector_load %arg8[%get3A_384, %get3A_385] {strides = array<i32>} : memref<104x64xf32, #tpu.memory_space<vmem>>, vector<1x16xf32>,
        %get3A_387 = vector.shape_cast %get3A_386 : vector<1x16xf32> to vector<16xf32>
        %add3A_388 = arith.addf %add3A_366, %get3A_387 : vector<16xf32>
        %get3A_389 = arith.index_cast %scan3A_378 : i32 to index
        %get3A_390 = arith.constant 32 : index
        %get3A_391 = tpu.vector_load %arg8[%get3A_389, %get3A_390] {strides = array<i32>} : memref<104x64xf32, #tpu.memory_space<vmem>>, vector<1x16xf32>,
        %get3A_392 = vector.shape_cast %get3A_391 : vector<1x16xf32> to vector<16xf32>
        %add3A_393 = arith.addf %add3A_371, %get3A_392 : vector<16xf32>
        %get3A_394 = arith.index_cast %scan3A_378 : i32 to index
        %get3A_395 = arith.constant 48 : index
        %get3A_396 = tpu.vector_load %arg8[%get3A_394, %get3A_395] {strides = array<i32>} : memref<104x64xf32, #tpu.memory_space<vmem>>, vector<1x16xf32>,
        %get3A_397 = vector.shape_cast %get3A_396 : vector<1x16xf32> to vector<16xf32>
        %add3A_398 = arith.addf %add3A_376, %get3A_397 : vector<16xf32>
        %scan3A_399 = arith.constant 3 : i32
        %scan3A_400 = arith.addi %scan3A_331, %scan3A_399 : i32
        %get3A_401 = arith.index_cast %scan3A_400 : i32 to index
        %get3A_402 = arith.constant 0 : index
        %get3A_403 = tpu.vector_load %arg8[%get3A_401, %get3A_402] {strides = array<i32>} : memref<104x64xf32, #tpu.memory_space<vmem>>, vector<1x16xf32>,
        %get3A_404 = vector.shape_cast %get3A_403 : vector<1x16xf32> to vector<16xf32>
        %add3A_405 = arith.addf %add3A_383, %get3A_404 : vector<16xf32>
        %get3A_406 = arith.index_cast %scan3A_400 : i32 to index
        %get3A_407 = arith.constant 16 : index
        %get3A_408 = tpu.vector_load %arg8[%get3A_406, %get3A_407] {strides = array<i32>} : memref<104x64xf32, #tpu.memory_space<vmem>>, vector<1x16xf32>,
        %get3A_409 = vector.shape_cast %get3A_408 : vector<1x16xf32> to vector<16xf32>
        %add3A_410 = arith.addf %add3A_388, %get3A_409 : vector<16xf32>
        %get3A_411 = arith.index_cast %scan3A_400 : i32 to index
        %get3A_412 = arith.constant 32 : index
        %get3A_413 = tpu.vector_load %arg8[%get3A_411, %get3A_412] {strides = array<i32>} : memref<104x64xf32, #tpu.memory_space<vmem>>, vector<1x16xf32>,
        %get3A_414 = vector.shape_cast %get3A_413 : vector<1x16xf32> to vector<16xf32>
        %add3A_415 = arith.addf %add3A_393, %get3A_414 : vector<16xf32>
        %get3A_416 = arith.index_cast %scan3A_400 : i32 to index
        %get3A_417 = arith.constant 48 : index
        %get3A_418 = tpu.vector_load %arg8[%get3A_416, %get3A_417] {strides = array<i32>} : memref<104x64xf32, #tpu.memory_space<vmem>>, vector<1x16xf32>,
        %get3A_419 = vector.shape_cast %get3A_418 : vector<1x16xf32> to vector<16xf32>
        %add3A_420 = arith.addf %add3A_398, %get3A_419 : vector<16xf32>
        %scan3A_421 = arith.constant 4 : i32
        %scan3A_422 = arith.addi %scan3A_331, %scan3A_421 : i32
        %get3A_423 = arith.index_cast %scan3A_422 : i32 to index
        %get3A_424 = arith.constant 0 : index
        %get3A_425 = tpu.vector_load %arg8[%get3A_423, %get3A_424] {strides = array<i32>} : memref<104x64xf32, #tpu.memory_space<vmem>>, vector<1x16xf32>,
        %get3A_426 = vector.shape_cast %get3A_425 : vector<1x16xf32> to vector<16xf32>
        %add3A_427 = arith.addf %add3A_405, %get3A_426 : vector<16xf32>
        %get3A_428 = arith.index_cast %scan3A_422 : i32 to index
        %get3A_429 = arith.constant 16 : index
        %get3A_430 = tpu.vector_load %arg8[%get3A_428, %get3A_429] {strides = array<i32>} : memref<104x64xf32, #tpu.memory_space<vmem>>, vector<1x16xf32>,
        %get3A_431 = vector.shape_cast %get3A_430 : vector<1x16xf32> to vector<16xf32>
        %add3A_432 = arith.addf %add3A_410, %get3A_431 : vector<16xf32>
        %get3A_433 = arith.index_cast %scan3A_422 : i32 to index
        %get3A_434 = arith.constant 32 : index
        %get3A_435 = tpu.vector_load %arg8[%get3A_433, %get3A_434] {strides = array<i32>} : memref<104x64xf32, #tpu.memory_space<vmem>>, vector<1x16xf32>,
        %get3A_436 = vector.shape_cast %get3A_435 : vector<1x16xf32> to vector<16xf32>
        %add3A_437 = arith.addf %add3A_415, %get3A_436 : vector<16xf32>
        %get3A_438 = arith.index_cast %scan3A_422 : i32 to index
        %get3A_439 = arith.constant 48 : index
        %get3A_440 = tpu.vector_load %arg8[%get3A_438, %get3A_439] {strides = array<i32>} : memref<104x64xf32, #tpu.memory_space<vmem>>, vector<1x16xf32>,
        %get3A_441 = vector.shape_cast %get3A_440 : vector<1x16xf32> to vector<16xf32>
        %add3A_442 = arith.addf %add3A_420, %get3A_441 : vector<16xf32>
        %scan3A_443 = arith.constant 5 : i32
        %scan3A_444 = arith.addi %scan3A_331, %scan3A_443 : i32
        %get3A_445 = arith.index_cast %scan3A_444 : i32 to index
        %get3A_446 = arith.constant 0 : index
        %get3A_447 = tpu.vector_load %arg8[%get3A_445, %get3A_446] {strides = array<i32>} : memref<104x64xf32, #tpu.memory_space<vmem>>, vector<1x16xf32>,
        %get3A_448 = vector.shape_cast %get3A_447 : vector<1x16xf32> to vector<16xf32>
        %add3A_449 = arith.addf %add3A_427, %get3A_448 : vector<16xf32>
        %get3A_450 = arith.index_cast %scan3A_444 : i32 to index
        %get3A_451 = arith.constant 16 : index
        %get3A_452 = tpu.vector_load %arg8[%get3A_450, %get3A_451] {strides = array<i32>} : memref<104x64xf32, #tpu.memory_space<vmem>>, vector<1x16xf32>,
        %get3A_453 = vector.shape_cast %get3A_452 : vector<1x16xf32> to vector<16xf32>
        %add3A_454 = arith.addf %add3A_432, %get3A_453 : vector<16xf32>
        %get3A_455 = arith.index_cast %scan3A_444 : i32 to index
        %get3A_456 = arith.constant 32 : index
        %get3A_457 = tpu.vector_load %arg8[%get3A_455, %get3A_456] {strides = array<i32>} : memref<104x64xf32, #tpu.memory_space<vmem>>, vector<1x16xf32>,
        %get3A_458 = vector.shape_cast %get3A_457 : vector<1x16xf32> to vector<16xf32>
        %add3A_459 = arith.addf %add3A_437, %get3A_458 : vector<16xf32>
        %get3A_460 = arith.index_cast %scan3A_444 : i32 to index
        %get3A_461 = arith.constant 48 : index
        %get3A_462 = tpu.vector_load %arg8[%get3A_460, %get3A_461] {strides = array<i32>} : memref<104x64xf32, #tpu.memory_space<vmem>>, vector<1x16xf32>,
        %get3A_463 = vector.shape_cast %get3A_462 : vector<1x16xf32> to vector<16xf32>
        %add3A_464 = arith.addf %add3A_442, %get3A_463 : vector<16xf32>
        %scan3A_465 = arith.constant 6 : i32
        %scan3A_466 = arith.addi %scan3A_331, %scan3A_465 : i32
        %get3A_467 = arith.index_cast %scan3A_466 : i32 to index
        %get3A_468 = arith.constant 0 : index
        %get3A_469 = tpu.vector_load %arg8[%get3A_467, %get3A_468] {strides = array<i32>} : memref<104x64xf32, #tpu.memory_space<vmem>>, vector<1x16xf32>,
        %get3A_470 = vector.shape_cast %get3A_469 : vector<1x16xf32> to vector<16xf32>
        %add3A_471 = arith.addf %add3A_449, %get3A_470 : vector<16xf32>
        %get3A_472 = arith.index_cast %scan3A_466 : i32 to index
        %get3A_473 = arith.constant 16 : index
        %get3A_474 = tpu.vector_load %arg8[%get3A_472, %get3A_473] {strides = array<i32>} : memref<104x64xf32, #tpu.memory_space<vmem>>, vector<1x16xf32>,
        %get3A_475 = vector.shape_cast %get3A_474 : vector<1x16xf32> to vector<16xf32>
        %add3A_476 = arith.addf %add3A_454, %get3A_475 : vector<16xf32>
        %get3A_477 = arith.index_cast %scan3A_466 : i32 to index
        %get3A_478 = arith.constant 32 : index
        %get3A_479 = tpu.vector_load %arg8[%get3A_477, %get3A_478] {strides = array<i32>} : memref<104x64xf32, #tpu.memory_space<vmem>>, vector<1x16xf32>,
        %get3A_480 = vector.shape_cast %get3A_479 : vector<1x16xf32> to vector<16xf32>
        %add3A_481 = arith.addf %add3A_459, %get3A_480 : vector<16xf32>
        %get3A_482 = arith.index_cast %scan3A_466 : i32 to index
        %get3A_483 = arith.constant 48 : index
        %get3A_484 = tpu.vector_load %arg8[%get3A_482, %get3A_483] {strides = array<i32>} : memref<104x64xf32, #tpu.memory_space<vmem>>, vector<1x16xf32>,
        %get3A_485 = vector.shape_cast %get3A_484 : vector<1x16xf32> to vector<16xf32>
        %add3A_486 = arith.addf %add3A_464, %get3A_485 : vector<16xf32>
        %scan3A_487 = arith.constant 7 : i32
        %scan3A_488 = arith.addi %scan3A_331, %scan3A_487 : i32
        %get3A_489 = arith.index_cast %scan3A_488 : i32 to index
        %get3A_490 = arith.constant 0 : index
        %get3A_491 = tpu.vector_load %arg8[%get3A_489, %get3A_490] {strides = array<i32>} : memref<104x64xf32, #tpu.memory_space<vmem>>, vector<1x16xf32>,
        %get3A_492 = vector.shape_cast %get3A_491 : vector<1x16xf32> to vector<16xf32>
        %add3A_493 = arith.addf %add3A_471, %get3A_492 : vector<16xf32>
        %get3A_494 = arith.index_cast %scan3A_488 : i32 to index
        %get3A_495 = arith.constant 16 : index
        %get3A_496 = tpu.vector_load %arg8[%get3A_494, %get3A_495] {strides = array<i32>} : memref<104x64xf32, #tpu.memory_space<vmem>>, vector<1x16xf32>,
        %get3A_497 = vector.shape_cast %get3A_496 : vector<1x16xf32> to vector<16xf32>
        %add3A_498 = arith.addf %add3A_476, %get3A_497 : vector<16xf32>
        %get3A_499 = arith.index_cast %scan3A_488 : i32 to index
        %get3A_500 = arith.constant 32 : index
        %get3A_501 = tpu.vector_load %arg8[%get3A_499, %get3A_500] {strides = array<i32>} : memref<104x64xf32, #tpu.memory_space<vmem>>, vector<1x16xf32>,
        %get3A_502 = vector.shape_cast %get3A_501 : vector<1x16xf32> to vector<16xf32>
        %add3A_503 = arith.addf %add3A_481, %get3A_502 : vector<16xf32>
        %get3A_504 = arith.index_cast %scan3A_488 : i32 to index
        %get3A_505 = arith.constant 48 : index
        %get3A_506 = tpu.vector_load %arg8[%get3A_504, %get3A_505] {strides = array<i32>} : memref<104x64xf32, #tpu.memory_space<vmem>>, vector<1x16xf32>,
        %get3A_507 = vector.shape_cast %get3A_506 : vector<1x16xf32> to vector<16xf32>
        %add3A_508 = arith.addf %add3A_486, %get3A_507 : vector<16xf32>
        scf.yield %add3A_493, %add3A_498, %add3A_503, %add3A_508 : vector<16xf32>, vector<16xf32>, vector<16xf32>, vector<16xf32>
      }
      %scan3A_151 = arith.constant 104 : i32
      %scan3A_152 = arith.constant 0 : i32
      %scan3A_153 = arith.constant 96 : i32
      %scan3A_154 = arith.addi %scan3A_152, %scan3A_153 : i32
      %scan3A_155 = arith.constant 8 : i32
      %scan3A_156:4 = scf.for %scan3A_331 = %scan3A_152 to %scan3A_154 step %scan3A_155 iter_args(%scan3A_332 = %scan3A_150#0, %scan3A_333 = %scan3A_150#1, %scan3A_334 = %scan3A_150#2, %scan3A_335 = %scan3A_150#3) -> (vector<16xf32>, vector<16xf32>, vector<16xf32>, vector<16xf32>)  : i32 {
        %get3A = arith.index_cast %scan3A_331 : i32 to index
        %get3A_336 = arith.constant 0 : index
        %get3A_337 = tpu.vector_load %arg12[%get3A, %get3A_336] {strides = array<i32>} : memref<96x64xf32, #tpu.memory_space<vmem>>, vector<1x16xf32>,
        %get3A_338 = vector.shape_cast %get3A_337 : vector<1x16xf32> to vector<16xf32>
        %add3A_339 = arith.addf %scan3A_332, %get3A_338 : vector<16xf32>
        %get3A_340 = arith.index_cast %scan3A_331 : i32 to index
        %get3A_341 = arith.constant 16 : index
        %get3A_342 = tpu.vector_load %arg12[%get3A_340, %get3A_341] {strides = array<i32>} : memref<96x64xf32, #tpu.memory_space<vmem>>, vector<1x16xf32>,
        %get3A_343 = vector.shape_cast %get3A_342 : vector<1x16xf32> to vector<16xf32>
        %add3A_344 = arith.addf %scan3A_333, %get3A_343 : vector<16xf32>
        %get3A_345 = arith.index_cast %scan3A_331 : i32 to index
        %get3A_346 = arith.constant 32 : index
        %get3A_347 = tpu.vector_load %arg12[%get3A_345, %get3A_346] {strides = array<i32>} : memref<96x64xf32, #tpu.memory_space<vmem>>, vector<1x16xf32>,
        %get3A_348 = vector.shape_cast %get3A_347 : vector<1x16xf32> to vector<16xf32>
        %add3A_349 = arith.addf %scan3A_334, %get3A_348 : vector<16xf32>
        %get3A_350 = arith.index_cast %scan3A_331 : i32 to index
        %get3A_351 = arith.constant 48 : index
        %get3A_352 = tpu.vector_load %arg12[%get3A_350, %get3A_351] {strides = array<i32>} : memref<96x64xf32, #tpu.memory_space<vmem>>, vector<1x16xf32>,
        %get3A_353 = vector.shape_cast %get3A_352 : vector<1x16xf32> to vector<16xf32>
        %add3A_354 = arith.addf %scan3A_335, %get3A_353 : vector<16xf32>
        %scan3A_355 = arith.constant 1 : i32
        %scan3A_356 = arith.addi %scan3A_331, %scan3A_355 : i32
        %get3A_357 = arith.index_cast %scan3A_356 : i32 to index
        %get3A_358 = arith.constant 0 : index
        %get3A_359 = tpu.vector_load %arg12[%get3A_357, %get3A_358] {strides = array<i32>} : memref<96x64xf32, #tpu.memory_space<vmem>>, vector<1x16xf32>,
        %get3A_360 = vector.shape_cast %get3A_359 : vector<1x16xf32> to vector<16xf32>
        %add3A_361 = arith.addf %add3A_339, %get3A_360 : vector<16xf32>
        %get3A_362 = arith.index_cast %scan3A_356 : i32 to index
        %get3A_363 = arith.constant 16 : index
        %get3A_364 = tpu.vector_load %arg12[%get3A_362, %get3A_363] {strides = array<i32>} : memref<96x64xf32, #tpu.memory_space<vmem>>, vector<1x16xf32>,
        %get3A_365 = vector.shape_cast %get3A_364 : vector<1x16xf32> to vector<16xf32>
        %add3A_366 = arith.addf %add3A_344, %get3A_365 : vector<16xf32>
        %get3A_367 = arith.index_cast %scan3A_356 : i32 to index
        %get3A_368 = arith.constant 32 : index
        %get3A_369 = tpu.vector_load %arg12[%get3A_367, %get3A_368] {strides = array<i32>} : memref<96x64xf32, #tpu.memory_space<vmem>>, vector<1x16xf32>,
        %get3A_370 = vector.shape_cast %get3A_369 : vector<1x16xf32> to vector<16xf32>
        %add3A_371 = arith.addf %add3A_349, %get3A_370 : vector<16xf32>
        %get3A_372 = arith.index_cast %scan3A_356 : i32 to index
        %get3A_373 = arith.constant 48 : index
        %get3A_374 = tpu.vector_load %arg12[%get3A_372, %get3A_373] {strides = array<i32>} : memref<96x64xf32, #tpu.memory_space<vmem>>, vector<1x16xf32>,
        %get3A_375 = vector.shape_cast %get3A_374 : vector<1x16xf32> to vector<16xf32>
        %add3A_376 = arith.addf %add3A_354, %get3A_375 : vector<16xf32>
        %scan3A_377 = arith.constant 2 : i32
        %scan3A_378 = arith.addi %scan3A_331, %scan3A_377 : i32
        %get3A_379 = arith.index_cast %scan3A_378 : i32 to index
        %get3A_380 = arith.constant 0 : index
        %get3A_381 = tpu.vector_load %arg12[%get3A_379, %get3A_380] {strides = array<i32>} : memref<96x64xf32, #tpu.memory_space<vmem>>, vector<1x16xf32>,
        %get3A_382 = vector.shape_cast %get3A_381 : vector<1x16xf32> to vector<16xf32>
        %add3A_383 = arith.addf %add3A_361, %get3A_382 : vector<16xf32>
        %get3A_384 = arith.index_cast %scan3A_378 : i32 to index
        %get3A_385 = arith.constant 16 : index
        %get3A_386 = tpu.vector_load %arg12[%get3A_384, %get3A_385] {strides = array<i32>} : memref<96x64xf32, #tpu.memory_space<vmem>>, vector<1x16xf32>,
        %get3A_387 = vector.shape_cast %get3A_386 : vector<1x16xf32> to vector<16xf32>
        %add3A_388 = arith.addf %add3A_366, %get3A_387 : vector<16xf32>
        %get3A_389 = arith.index_cast %scan3A_378 : i32 to index
        %get3A_390 = arith.constant 32 : index
        %get3A_391 = tpu.vector_load %arg12[%get3A_389, %get3A_390] {strides = array<i32>} : memref<96x64xf32, #tpu.memory_space<vmem>>, vector<1x16xf32>,
        %get3A_392 = vector.shape_cast %get3A_391 : vector<1x16xf32> to vector<16xf32>
        %add3A_393 = arith.addf %add3A_371, %get3A_392 : vector<16xf32>
        %get3A_394 = arith.index_cast %scan3A_378 : i32 to index
        %get3A_395 = arith.constant 48 : index
        %get3A_396 = tpu.vector_load %arg12[%get3A_394, %get3A_395] {strides = array<i32>} : memref<96x64xf32, #tpu.memory_space<vmem>>, vector<1x16xf32>,
        %get3A_397 = vector.shape_cast %get3A_396 : vector<1x16xf32> to vector<16xf32>
        %add3A_398 = arith.addf %add3A_376, %get3A_397 : vector<16xf32>
        %scan3A_399 = arith.constant 3 : i32
        %scan3A_400 = arith.addi %scan3A_331, %scan3A_399 : i32
        %get3A_401 = arith.index_cast %scan3A_400 : i32 to index
        %get3A_402 = arith.constant 0 : index
        %get3A_403 = tpu.vector_load %arg12[%get3A_401, %get3A_402] {strides = array<i32>} : memref<96x64xf32, #tpu.memory_space<vmem>>, vector<1x16xf32>,
        %get3A_404 = vector.shape_cast %get3A_403 : vector<1x16xf32> to vector<16xf32>
        %add3A_405 = arith.addf %add3A_383, %get3A_404 : vector<16xf32>
        %get3A_406 = arith.index_cast %scan3A_400 : i32 to index
        %get3A_407 = arith.constant 16 : index
        %get3A_408 = tpu.vector_load %arg12[%get3A_406, %get3A_407] {strides = array<i32>} : memref<96x64xf32, #tpu.memory_space<vmem>>, vector<1x16xf32>,
        %get3A_409 = vector.shape_cast %get3A_408 : vector<1x16xf32> to vector<16xf32>
        %add3A_410 = arith.addf %add3A_388, %get3A_409 : vector<16xf32>
        %get3A_411 = arith.index_cast %scan3A_400 : i32 to index
        %get3A_412 = arith.constant 32 : index
        %get3A_413 = tpu.vector_load %arg12[%get3A_411, %get3A_412] {strides = array<i32>} : memref<96x64xf32, #tpu.memory_space<vmem>>, vector<1x16xf32>,
        %get3A_414 = vector.shape_cast %get3A_413 : vector<1x16xf32> to vector<16xf32>
        %add3A_415 = arith.addf %add3A_393, %get3A_414 : vector<16xf32>
        %get3A_416 = arith.index_cast %scan3A_400 : i32 to index
        %get3A_417 = arith.constant 48 : index
        %get3A_418 = tpu.vector_load %arg12[%get3A_416, %get3A_417] {strides = array<i32>} : memref<96x64xf32, #tpu.memory_space<vmem>>, vector<1x16xf32>,
        %get3A_419 = vector.shape_cast %get3A_418 : vector<1x16xf32> to vector<16xf32>
        %add3A_420 = arith.addf %add3A_398, %get3A_419 : vector<16xf32>
        %scan3A_421 = arith.constant 4 : i32
        %scan3A_422 = arith.addi %scan3A_331, %scan3A_421 : i32
        %get3A_423 = arith.index_cast %scan3A_422 : i32 to index
        %get3A_424 = arith.constant 0 : index
        %get3A_425 = tpu.vector_load %arg12[%get3A_423, %get3A_424] {strides = array<i32>} : memref<96x64xf32, #tpu.memory_space<vmem>>, vector<1x16xf32>,
        %get3A_426 = vector.shape_cast %get3A_425 : vector<1x16xf32> to vector<16xf32>
        %add3A_427 = arith.addf %add3A_405, %get3A_426 : vector<16xf32>
        %get3A_428 = arith.index_cast %scan3A_422 : i32 to index
        %get3A_429 = arith.constant 16 : index
        %get3A_430 = tpu.vector_load %arg12[%get3A_428, %get3A_429] {strides = array<i32>} : memref<96x64xf32, #tpu.memory_space<vmem>>, vector<1x16xf32>,
        %get3A_431 = vector.shape_cast %get3A_430 : vector<1x16xf32> to vector<16xf32>
        %add3A_432 = arith.addf %add3A_410, %get3A_431 : vector<16xf32>
        %get3A_433 = arith.index_cast %scan3A_422 : i32 to index
        %get3A_434 = arith.constant 32 : index
        %get3A_435 = tpu.vector_load %arg12[%get3A_433, %get3A_434] {strides = array<i32>} : memref<96x64xf32, #tpu.memory_space<vmem>>, vector<1x16xf32>,
        %get3A_436 = vector.shape_cast %get3A_435 : vector<1x16xf32> to vector<16xf32>
        %add3A_437 = arith.addf %add3A_415, %get3A_436 : vector<16xf32>
        %get3A_438 = arith.index_cast %scan3A_422 : i32 to index
        %get3A_439 = arith.constant 48 : index
        %get3A_440 = tpu.vector_load %arg12[%get3A_438, %get3A_439] {strides = array<i32>} : memref<96x64xf32, #tpu.memory_space<vmem>>, vector<1x16xf32>,
        %get3A_441 = vector.shape_cast %get3A_440 : vector<1x16xf32> to vector<16xf32>
        %add3A_442 = arith.addf %add3A_420, %get3A_441 : vector<16xf32>
        %scan3A_443 = arith.constant 5 : i32
        %scan3A_444 = arith.addi %scan3A_331, %scan3A_443 : i32
        %get3A_445 = arith.index_cast %scan3A_444 : i32 to index
        %get3A_446 = arith.constant 0 : index
        %get3A_447 = tpu.vector_load %arg12[%get3A_445, %get3A_446] {strides = array<i32>} : memref<96x64xf32, #tpu.memory_space<vmem>>, vector<1x16xf32>,
        %get3A_448 = vector.shape_cast %get3A_447 : vector<1x16xf32> to vector<16xf32>
        %add3A_449 = arith.addf %add3A_427, %get3A_448 : vector<16xf32>
        %get3A_450 = arith.index_cast %scan3A_444 : i32 to index
        %get3A_451 = arith.constant 16 : index
        %get3A_452 = tpu.vector_load %arg12[%get3A_450, %get3A_451] {strides = array<i32>} : memref<96x64xf32, #tpu.memory_space<vmem>>, vector<1x16xf32>,
        %get3A_453 = vector.shape_cast %get3A_452 : vector<1x16xf32> to vector<16xf32>
        %add3A_454 = arith.addf %add3A_432, %get3A_453 : vector<16xf32>
        %get3A_455 = arith.index_cast %scan3A_444 : i32 to index
        %get3A_456 = arith.constant 32 : index
        %get3A_457 = tpu.vector_load %arg12[%get3A_455, %get3A_456] {strides = array<i32>} : memref<96x64xf32, #tpu.memory_space<vmem>>, vector<1x16xf32>,
        %get3A_458 = vector.shape_cast %get3A_457 : vector<1x16xf32> to vector<16xf32>
        %add3A_459 = arith.addf %add3A_437, %get3A_458 : vector<16xf32>
        %get3A_460 = arith.index_cast %scan3A_444 : i32 to index
        %get3A_461 = arith.constant 48 : index
        %get3A_462 = tpu.vector_load %arg12[%get3A_460, %get3A_461] {strides = array<i32>} : memref<96x64xf32, #tpu.memory_space<vmem>>, vector<1x16xf32>,
        %get3A_463 = vector.shape_cast %get3A_462 : vector<1x16xf32> to vector<16xf32>
        %add3A_464 = arith.addf %add3A_442, %get3A_463 : vector<16xf32>
        %scan3A_465 = arith.constant 6 : i32
        %scan3A_466 = arith.addi %scan3A_331, %scan3A_465 : i32
        %get3A_467 = arith.index_cast %scan3A_466 : i32 to index
        %get3A_468 = arith.constant 0 : index
        %get3A_469 = tpu.vector_load %arg12[%get3A_467, %get3A_468] {strides = array<i32>} : memref<96x64xf32, #tpu.memory_space<vmem>>, vector<1x16xf32>,
        %get3A_470 = vector.shape_cast %get3A_469 : vector<1x16xf32> to vector<16xf32>
        %add3A_471 = arith.addf %add3A_449, %get3A_470 : vector<16xf32>
        %get3A_472 = arith.index_cast %scan3A_466 : i32 to index
        %get3A_473 = arith.constant 16 : index
        %get3A_474 = tpu.vector_load %arg12[%get3A_472, %get3A_473] {strides = array<i32>} : memref<96x64xf32, #tpu.memory_space<vmem>>, vector<1x16xf32>,
        %get3A_475 = vector.shape_cast %get3A_474 : vector<1x16xf32> to vector<16xf32>
        %add3A_476 = arith.addf %add3A_454, %get3A_475 : vector<16xf32>
        %get3A_477 = arith.index_cast %scan3A_466 : i32 to index
        %get3A_478 = arith.constant 32 : index
        %get3A_479 = tpu.vector_load %arg12[%get3A_477, %get3A_478] {strides = array<i32>} : memref<96x64xf32, #tpu.memory_space<vmem>>, vector<1x16xf32>,
        %get3A_480 = vector.shape_cast %get3A_479 : vector<1x16xf32> to vector<16xf32>
        %add3A_481 = arith.addf %add3A_459, %get3A_480 : vector<16xf32>
        %get3A_482 = arith.index_cast %scan3A_466 : i32 to index
        %get3A_483 = arith.constant 48 : index
        %get3A_484 = tpu.vector_load %arg12[%get3A_482, %get3A_483] {strides = array<i32>} : memref<96x64xf32, #tpu.memory_space<vmem>>, vector<1x16xf32>,
        %get3A_485 = vector.shape_cast %get3A_484 : vector<1x16xf32> to vector<16xf32>
        %add3A_486 = arith.addf %add3A_464, %get3A_485 : vector<16xf32>
        %scan3A_487 = arith.constant 7 : i32
        %scan3A_488 = arith.addi %scan3A_331, %scan3A_487 : i32
        %get3A_489 = arith.index_cast %scan3A_488 : i32 to index
        %get3A_490 = arith.constant 0 : index
        %get3A_491 = tpu.vector_load %arg12[%get3A_489, %get3A_490] {strides = array<i32>} : memref<96x64xf32, #tpu.memory_space<vmem>>, vector<1x16xf32>,
        %get3A_492 = vector.shape_cast %get3A_491 : vector<1x16xf32> to vector<16xf32>
        %add3A_493 = arith.addf %add3A_471, %get3A_492 : vector<16xf32>
        %get3A_494 = arith.index_cast %scan3A_488 : i32 to index
        %get3A_495 = arith.constant 16 : index
        %get3A_496 = tpu.vector_load %arg12[%get3A_494, %get3A_495] {strides = array<i32>} : memref<96x64xf32, #tpu.memory_space<vmem>>, vector<1x16xf32>,
        %get3A_497 = vector.shape_cast %get3A_496 : vector<1x16xf32> to vector<16xf32>
        %add3A_498 = arith.addf %add3A_476, %get3A_497 : vector<16xf32>
        %get3A_499 = arith.index_cast %scan3A_488 : i32 to index
        %get3A_500 = arith.constant 32 : index
        %get3A_501 = tpu.vector_load %arg12[%get3A_499, %get3A_500] {strides = array<i32>} : memref<96x64xf32, #tpu.memory_space<vmem>>, vector<1x16xf32>,
        %get3A_502 = vector.shape_cast %get3A_501 : vector<1x16xf32> to vector<16xf32>
        %add3A_503 = arith.addf %add3A_481, %get3A_502 : vector<16xf32>
        %get3A_504 = arith.index_cast %scan3A_488 : i32 to index
        %get3A_505 = arith.constant 48 : index
        %get3A_506 = tpu.vector_load %arg12[%get3A_504, %get3A_505] {strides = array<i32>} : memref<96x64xf32, #tpu.memory_space<vmem>>, vector<1x16xf32>,
        %get3A_507 = vector.shape_cast %get3A_506 : vector<1x16xf32> to vector<16xf32>
        %add3A_508 = arith.addf %add3A_486, %get3A_507 : vector<16xf32>
        scf.yield %add3A_493, %add3A_498, %add3A_503, %add3A_508 : vector<16xf32>, vector<16xf32>, vector<16xf32>, vector<16xf32>
      }
      %scan3A_157 = arith.constant 96 : i32
      %add3A_158 = arith.constant 4 : i32
      %add3A_159 = arith.addi %add3A_131, %add3A_158 : i32
      %lt3A_160 = arith.constant 128 : i32
      %lt3A_161 = arith.cmpi slt, %add3A_159, %lt3A_160 : i32
      %convert_element_type3A_162 = arith.extui %lt3A_161 : i1 to i32
      %cond3A_163 = arith.constant 0 : i32
      %cond3A_164 = arith.cmpi ne, %convert_element_type3A_162, %cond3A_163 : i32
      scf.if %cond3A_164 {
        %add3A_331 = arith.constant 4 : i32
        %add3A_332 = arith.addi %add3A_131, %add3A_331 : i32
        %dma_start3A_333 = arith.constant 0 : i32
        %dma_start3A_334 = tpu.memref_slice %arg5[%add3A_332, %dma_start3A_333] : memref<128x200xi32, #tpu.memory_space<vmem>> -> memref<1x104xi32, #tpu.memory_space<vmem>>
        %dma_start3A_335 = tpu.memref_squeeze %dma_start3A_334 : memref<1x104xi32, #tpu.memory_space<vmem>> -> memref<104xi32, #tpu.memory_space<vmem>>
        %dma_start3A_336 = arith.constant 0 : i32
        %dma_start3A_337 = arith.constant 0 : i32
        %dma_start3A_338 = tpu.memref_slice %arg3[%dma_start3A_336, %dma_start3A_337] : memref<1000000x64xf32, #tpu.memory_space<hbm>> -> memref<1000000x64xf32, #tpu.memory_space<hbm>>
        tpu.enqueue_indirect_dma source(%dma_start3A_338 : memref<1000000x64xf32, #tpu.memory_space<hbm>>) target(%arg8 : memref<104x64xf32, #tpu.memory_space<vmem>>) offsets(%dma_start3A_335 : memref<104xi32, #tpu.memory_space<vmem>>) semaphore(%arg16 : memref<!tpu.dma_semaphore, #tpu.memory_space<semaphore_mem>>)
        %dma_start3A_339 = arith.constant 104 : i32
        %dma_start3A_340 = tpu.memref_slice %arg5[%add3A_332, %dma_start3A_339] : memref<128x200xi32, #tpu.memory_space<vmem>> -> memref<1x96xi32, #tpu.memory_space<vmem>>
        %dma_start3A_341 = tpu.memref_squeeze %dma_start3A_340 : memref<1x96xi32, #tpu.memory_space<vmem>> -> memref<96xi32, #tpu.memory_space<vmem>>
        %dma_start3A_342 = arith.constant 0 : i32
        %dma_start3A_343 = arith.constant 0 : i32
        %dma_start3A_344 = tpu.memref_slice %arg3[%dma_start3A_342, %dma_start3A_343] : memref<1000000x64xf32, #tpu.memory_space<hbm>> -> memref<1000000x64xf32, #tpu.memory_space<hbm>>
        tpu.enqueue_indirect_dma source(%dma_start3A_344 : memref<1000000x64xf32, #tpu.memory_space<hbm>>) target(%arg12 : memref<96x64xf32, #tpu.memory_space<vmem>>) offsets(%dma_start3A_341 : memref<96xi32, #tpu.memory_space<vmem>>) semaphore(%arg20 : memref<!tpu.dma_semaphore, #tpu.memory_space<semaphore_mem>>)
      } else {
      }
      %mul3A_165 = arith.constant 5.000000e-03 : f32
      %mul3A_166 = vector.broadcast %mul3A_165 : f32 to vector<16xf32>
      %mul3A_167 = arith.mulf %scan3A_156#0, %mul3A_166 : vector<16xf32>
      %swap3A_168 = arith.index_cast %add3A_131 : i32 to index
      %swap3A_169 = arith.constant 0 : index
      %swap3A_170 = tpu.vector_load %arg6[%swap3A_168, %swap3A_169] {strides = array<i32>} : memref<128x64xf32, #tpu.memory_space<vmem>>, vector<1x16xf32>,
      %swap3A_171 = vector.shape_cast %swap3A_170 : vector<1x16xf32> to vector<16xf32>
      %swap3A_172 = vector.shape_cast %mul3A_167 : vector<16xf32> to vector<1x16xf32>
      tpu.vector_store %arg6[%swap3A_168, %swap3A_169], %swap3A_172 {strides = array<i32>} : memref<128x64xf32, #tpu.memory_space<vmem>>, vector<1x16xf32>,
      %mul3A_173 = arith.constant 5.000000e-03 : f32
      %mul3A_174 = vector.broadcast %mul3A_173 : f32 to vector<16xf32>
      %mul3A_175 = arith.mulf %scan3A_156#1, %mul3A_174 : vector<16xf32>
      %swap3A_176 = arith.index_cast %add3A_131 : i32 to index
      %swap3A_177 = arith.constant 16 : index
      %swap3A_178 = tpu.vector_load %arg6[%swap3A_176, %swap3A_177] {strides = array<i32>} : memref<128x64xf32, #tpu.memory_space<vmem>>, vector<1x16xf32>,
      %swap3A_179 = vector.shape_cast %swap3A_178 : vector<1x16xf32> to vector<16xf32>
      %swap3A_180 = vector.shape_cast %mul3A_175 : vector<16xf32> to vector<1x16xf32>
      tpu.vector_store %arg6[%swap3A_176, %swap3A_177], %swap3A_180 {strides = array<i32>} : memref<128x64xf32, #tpu.memory_space<vmem>>, vector<1x16xf32>,
      %mul3A_181 = arith.constant 5.000000e-03 : f32
      %mul3A_182 = vector.broadcast %mul3A_181 : f32 to vector<16xf32>
      %mul3A_183 = arith.mulf %scan3A_156#2, %mul3A_182 : vector<16xf32>
      %swap3A_184 = arith.index_cast %add3A_131 : i32 to index
      %swap3A_185 = arith.constant 32 : index
      %swap3A_186 = tpu.vector_load %arg6[%swap3A_184, %swap3A_185] {strides = array<i32>} : memref<128x64xf32, #tpu.memory_space<vmem>>, vector<1x16xf32>,
      %swap3A_187 = vector.shape_cast %swap3A_186 : vector<1x16xf32> to vector<16xf32>
      %swap3A_188 = vector.shape_cast %mul3A_183 : vector<16xf32> to vector<1x16xf32>
      tpu.vector_store %arg6[%swap3A_184, %swap3A_185], %swap3A_188 {strides = array<i32>} : memref<128x64xf32, #tpu.memory_space<vmem>>, vector<1x16xf32>,
      %mul3A_189 = arith.constant 5.000000e-03 : f32
      %mul3A_190 = vector.broadcast %mul3A_189 : f32 to vector<16xf32>
      %mul3A_191 = arith.mulf %scan3A_156#3, %mul3A_190 : vector<16xf32>
      %swap3A_192 = arith.index_cast %add3A_131 : i32 to index
      %swap3A_193 = arith.constant 48 : index
      %swap3A_194 = tpu.vector_load %arg6[%swap3A_192, %swap3A_193] {strides = array<i32>} : memref<128x64xf32, #tpu.memory_space<vmem>>, vector<1x16xf32>,
      %swap3A_195 = vector.shape_cast %swap3A_194 : vector<1x16xf32> to vector<16xf32>
      %swap3A_196 = vector.shape_cast %mul3A_191 : vector<16xf32> to vector<1x16xf32>
      tpu.vector_store %arg6[%swap3A_192, %swap3A_193], %swap3A_196 {strides = array<i32>} : memref<128x64xf32, #tpu.memory_space<vmem>>, vector<1x16xf32>,
      %add3A_197 = arith.constant 2 : i32
      %add3A_198 = arith.addi %add3A_67, %add3A_197 : i32
      %dma_wait3A_199 = arith.constant 0 : i32
      %dma_wait3A_200 = arith.constant 0 : i32
      %dma_wait3A_201 = tpu.memref_slice %arg5[%dma_wait3A_199, %dma_wait3A_200] : memref<128x200xi32, #tpu.memory_space<vmem>> -> memref<1x104xi32, #tpu.memory_space<vmem>>
      %dma_wait3A_202 = tpu.memref_squeeze %dma_wait3A_201 : memref<1x104xi32, #tpu.memory_space<vmem>> -> memref<104xi32, #tpu.memory_space<vmem>>
      %dma_wait3A_203 = arith.constant 0 : i32
      %dma_wait3A_204 = arith.constant 0 : i32
      %dma_wait3A_205 = tpu.memref_slice %arg3[%dma_wait3A_203, %dma_wait3A_204] : memref<1000000x64xf32, #tpu.memory_space<hbm>> -> memref<1000000x64xf32, #tpu.memory_space<hbm>>
      tpu.wait_indirect_dma semaphore(%arg17 : memref<!tpu.dma_semaphore, #tpu.memory_space<semaphore_mem>>) src(%dma_wait3A_205 : memref<1000000x64xf32, #tpu.memory_space<hbm>>) dst(%arg9 : memref<104x64xf32, #tpu.memory_space<vmem>>)
      %dma_wait3A_206 = arith.constant 0 : i32
      %dma_wait3A_207 = arith.constant 0 : i32
      %dma_wait3A_208 = tpu.memref_slice %arg5[%dma_wait3A_206, %dma_wait3A_207] : memref<128x200xi32, #tpu.memory_space<vmem>> -> memref<1x96xi32, #tpu.memory_space<vmem>>
      %dma_wait3A_209 = tpu.memref_squeeze %dma_wait3A_208 : memref<1x96xi32, #tpu.memory_space<vmem>> -> memref<96xi32, #tpu.memory_space<vmem>>
      %dma_wait3A_210 = arith.constant 0 : i32
      %dma_wait3A_211 = arith.constant 0 : i32
      %dma_wait3A_212 = tpu.memref_slice %arg3[%dma_wait3A_210, %dma_wait3A_211] : memref<1000000x64xf32, #tpu.memory_space<hbm>> -> memref<1000000x64xf32, #tpu.memory_space<hbm>>
      tpu.wait_indirect_dma semaphore(%arg21 : memref<!tpu.dma_semaphore, #tpu.memory_space<semaphore_mem>>) src(%dma_wait3A_212 : memref<1000000x64xf32, #tpu.memory_space<hbm>>) dst(%arg13 : memref<96x64xf32, #tpu.memory_space<vmem>>)
      %scan3A_213 = arith.constant 0 : i32
      %scan3A_214 = arith.constant 104 : i32
      %scan3A_215 = arith.addi %scan3A_213, %scan3A_214 : i32
      %scan3A_216 = arith.constant 8 : i32
      %scan3A_217:4 = scf.for %scan3A_331 = %scan3A_213 to %scan3A_215 step %scan3A_216 iter_args(%scan3A_332 = %broadcast_in_dim3A_58, %scan3A_333 = %broadcast_in_dim3A_58, %scan3A_334 = %broadcast_in_dim3A_58, %scan3A_335 = %broadcast_in_dim3A_58) -> (vector<16xf32>, vector<16xf32>, vector<16xf32>, vector<16xf32>)  : i32 {
        %get3A = arith.index_cast %scan3A_331 : i32 to index
        %get3A_336 = arith.constant 0 : index
        %get3A_337 = tpu.vector_load %arg9[%get3A, %get3A_336] {strides = array<i32>} : memref<104x64xf32, #tpu.memory_space<vmem>>, vector<1x16xf32>,
        %get3A_338 = vector.shape_cast %get3A_337 : vector<1x16xf32> to vector<16xf32>
        %add3A_339 = arith.addf %scan3A_332, %get3A_338 : vector<16xf32>
        %get3A_340 = arith.index_cast %scan3A_331 : i32 to index
        %get3A_341 = arith.constant 16 : index
        %get3A_342 = tpu.vector_load %arg9[%get3A_340, %get3A_341] {strides = array<i32>} : memref<104x64xf32, #tpu.memory_space<vmem>>, vector<1x16xf32>,
        %get3A_343 = vector.shape_cast %get3A_342 : vector<1x16xf32> to vector<16xf32>
        %add3A_344 = arith.addf %scan3A_333, %get3A_343 : vector<16xf32>
        %get3A_345 = arith.index_cast %scan3A_331 : i32 to index
        %get3A_346 = arith.constant 32 : index
        %get3A_347 = tpu.vector_load %arg9[%get3A_345, %get3A_346] {strides = array<i32>} : memref<104x64xf32, #tpu.memory_space<vmem>>, vector<1x16xf32>,
        %get3A_348 = vector.shape_cast %get3A_347 : vector<1x16xf32> to vector<16xf32>
        %add3A_349 = arith.addf %scan3A_334, %get3A_348 : vector<16xf32>
        %get3A_350 = arith.index_cast %scan3A_331 : i32 to index
        %get3A_351 = arith.constant 48 : index
        %get3A_352 = tpu.vector_load %arg9[%get3A_350, %get3A_351] {strides = array<i32>} : memref<104x64xf32, #tpu.memory_space<vmem>>, vector<1x16xf32>,
        %get3A_353 = vector.shape_cast %get3A_352 : vector<1x16xf32> to vector<16xf32>
        %add3A_354 = arith.addf %scan3A_335, %get3A_353 : vector<16xf32>
        %scan3A_355 = arith.constant 1 : i32
        %scan3A_356 = arith.addi %scan3A_331, %scan3A_355 : i32
        %get3A_357 = arith.index_cast %scan3A_356 : i32 to index
        %get3A_358 = arith.constant 0 : index
        %get3A_359 = tpu.vector_load %arg9[%get3A_357, %get3A_358] {strides = array<i32>} : memref<104x64xf32, #tpu.memory_space<vmem>>, vector<1x16xf32>,
        %get3A_360 = vector.shape_cast %get3A_359 : vector<1x16xf32> to vector<16xf32>
        %add3A_361 = arith.addf %add3A_339, %get3A_360 : vector<16xf32>
        %get3A_362 = arith.index_cast %scan3A_356 : i32 to index
        %get3A_363 = arith.constant 16 : index
        %get3A_364 = tpu.vector_load %arg9[%get3A_362, %get3A_363] {strides = array<i32>} : memref<104x64xf32, #tpu.memory_space<vmem>>, vector<1x16xf32>,
        %get3A_365 = vector.shape_cast %get3A_364 : vector<1x16xf32> to vector<16xf32>
        %add3A_366 = arith.addf %add3A_344, %get3A_365 : vector<16xf32>
        %get3A_367 = arith.index_cast %scan3A_356 : i32 to index
        %get3A_368 = arith.constant 32 : index
        %get3A_369 = tpu.vector_load %arg9[%get3A_367, %get3A_368] {strides = array<i32>} : memref<104x64xf32, #tpu.memory_space<vmem>>, vector<1x16xf32>,
        %get3A_370 = vector.shape_cast %get3A_369 : vector<1x16xf32> to vector<16xf32>
        %add3A_371 = arith.addf %add3A_349, %get3A_370 : vector<16xf32>
        %get3A_372 = arith.index_cast %scan3A_356 : i32 to index
        %get3A_373 = arith.constant 48 : index
        %get3A_374 = tpu.vector_load %arg9[%get3A_372, %get3A_373] {strides = array<i32>} : memref<104x64xf32, #tpu.memory_space<vmem>>, vector<1x16xf32>,
        %get3A_375 = vector.shape_cast %get3A_374 : vector<1x16xf32> to vector<16xf32>
        %add3A_376 = arith.addf %add3A_354, %get3A_375 : vector<16xf32>
        %scan3A_377 = arith.constant 2 : i32
        %scan3A_378 = arith.addi %scan3A_331, %scan3A_377 : i32
        %get3A_379 = arith.index_cast %scan3A_378 : i32 to index
        %get3A_380 = arith.constant 0 : index
        %get3A_381 = tpu.vector_load %arg9[%get3A_379, %get3A_380] {strides = array<i32>} : memref<104x64xf32, #tpu.memory_space<vmem>>, vector<1x16xf32>,
        %get3A_382 = vector.shape_cast %get3A_381 : vector<1x16xf32> to vector<16xf32>
        %add3A_383 = arith.addf %add3A_361, %get3A_382 : vector<16xf32>
        %get3A_384 = arith.index_cast %scan3A_378 : i32 to index
        %get3A_385 = arith.constant 16 : index
        %get3A_386 = tpu.vector_load %arg9[%get3A_384, %get3A_385] {strides = array<i32>} : memref<104x64xf32, #tpu.memory_space<vmem>>, vector<1x16xf32>,
        %get3A_387 = vector.shape_cast %get3A_386 : vector<1x16xf32> to vector<16xf32>
        %add3A_388 = arith.addf %add3A_366, %get3A_387 : vector<16xf32>
        %get3A_389 = arith.index_cast %scan3A_378 : i32 to index
        %get3A_390 = arith.constant 32 : index
        %get3A_391 = tpu.vector_load %arg9[%get3A_389, %get3A_390] {strides = array<i32>} : memref<104x64xf32, #tpu.memory_space<vmem>>, vector<1x16xf32>,
        %get3A_392 = vector.shape_cast %get3A_391 : vector<1x16xf32> to vector<16xf32>
        %add3A_393 = arith.addf %add3A_371, %get3A_392 : vector<16xf32>
        %get3A_394 = arith.index_cast %scan3A_378 : i32 to index
        %get3A_395 = arith.constant 48 : index
        %get3A_396 = tpu.vector_load %arg9[%get3A_394, %get3A_395] {strides = array<i32>} : memref<104x64xf32, #tpu.memory_space<vmem>>, vector<1x16xf32>,
        %get3A_397 = vector.shape_cast %get3A_396 : vector<1x16xf32> to vector<16xf32>
        %add3A_398 = arith.addf %add3A_376, %get3A_397 : vector<16xf32>
        %scan3A_399 = arith.constant 3 : i32
        %scan3A_400 = arith.addi %scan3A_331, %scan3A_399 : i32
        %get3A_401 = arith.index_cast %scan3A_400 : i32 to index
        %get3A_402 = arith.constant 0 : index
        %get3A_403 = tpu.vector_load %arg9[%get3A_401, %get3A_402] {strides = array<i32>} : memref<104x64xf32, #tpu.memory_space<vmem>>, vector<1x16xf32>,
        %get3A_404 = vector.shape_cast %get3A_403 : vector<1x16xf32> to vector<16xf32>
        %add3A_405 = arith.addf %add3A_383, %get3A_404 : vector<16xf32>
        %get3A_406 = arith.index_cast %scan3A_400 : i32 to index
        %get3A_407 = arith.constant 16 : index
        %get3A_408 = tpu.vector_load %arg9[%get3A_406, %get3A_407] {strides = array<i32>} : memref<104x64xf32, #tpu.memory_space<vmem>>, vector<1x16xf32>,
        %get3A_409 = vector.shape_cast %get3A_408 : vector<1x16xf32> to vector<16xf32>
        %add3A_410 = arith.addf %add3A_388, %get3A_409 : vector<16xf32>
        %get3A_411 = arith.index_cast %scan3A_400 : i32 to index
        %get3A_412 = arith.constant 32 : index
        %get3A_413 = tpu.vector_load %arg9[%get3A_411, %get3A_412] {strides = array<i32>} : memref<104x64xf32, #tpu.memory_space<vmem>>, vector<1x16xf32>,
        %get3A_414 = vector.shape_cast %get3A_413 : vector<1x16xf32> to vector<16xf32>
        %add3A_415 = arith.addf %add3A_393, %get3A_414 : vector<16xf32>
        %get3A_416 = arith.index_cast %scan3A_400 : i32 to index
        %get3A_417 = arith.constant 48 : index
        %get3A_418 = tpu.vector_load %arg9[%get3A_416, %get3A_417] {strides = array<i32>} : memref<104x64xf32, #tpu.memory_space<vmem>>, vector<1x16xf32>,
        %get3A_419 = vector.shape_cast %get3A_418 : vector<1x16xf32> to vector<16xf32>
        %add3A_420 = arith.addf %add3A_398, %get3A_419 : vector<16xf32>
        %scan3A_421 = arith.constant 4 : i32
        %scan3A_422 = arith.addi %scan3A_331, %scan3A_421 : i32
        %get3A_423 = arith.index_cast %scan3A_422 : i32 to index
        %get3A_424 = arith.constant 0 : index
        %get3A_425 = tpu.vector_load %arg9[%get3A_423, %get3A_424] {strides = array<i32>} : memref<104x64xf32, #tpu.memory_space<vmem>>, vector<1x16xf32>,
        %get3A_426 = vector.shape_cast %get3A_425 : vector<1x16xf32> to vector<16xf32>
        %add3A_427 = arith.addf %add3A_405, %get3A_426 : vector<16xf32>
        %get3A_428 = arith.index_cast %scan3A_422 : i32 to index
        %get3A_429 = arith.constant 16 : index
        %get3A_430 = tpu.vector_load %arg9[%get3A_428, %get3A_429] {strides = array<i32>} : memref<104x64xf32, #tpu.memory_space<vmem>>, vector<1x16xf32>,
        %get3A_431 = vector.shape_cast %get3A_430 : vector<1x16xf32> to vector<16xf32>
        %add3A_432 = arith.addf %add3A_410, %get3A_431 : vector<16xf32>
        %get3A_433 = arith.index_cast %scan3A_422 : i32 to index
        %get3A_434 = arith.constant 32 : index
        %get3A_435 = tpu.vector_load %arg9[%get3A_433, %get3A_434] {strides = array<i32>} : memref<104x64xf32, #tpu.memory_space<vmem>>, vector<1x16xf32>,
        %get3A_436 = vector.shape_cast %get3A_435 : vector<1x16xf32> to vector<16xf32>
        %add3A_437 = arith.addf %add3A_415, %get3A_436 : vector<16xf32>
        %get3A_438 = arith.index_cast %scan3A_422 : i32 to index
        %get3A_439 = arith.constant 48 : index
        %get3A_440 = tpu.vector_load %arg9[%get3A_438, %get3A_439] {strides = array<i32>} : memref<104x64xf32, #tpu.memory_space<vmem>>, vector<1x16xf32>,
        %get3A_441 = vector.shape_cast %get3A_440 : vector<1x16xf32> to vector<16xf32>
        %add3A_442 = arith.addf %add3A_420, %get3A_441 : vector<16xf32>
        %scan3A_443 = arith.constant 5 : i32
        %scan3A_444 = arith.addi %scan3A_331, %scan3A_443 : i32
        %get3A_445 = arith.index_cast %scan3A_444 : i32 to index
        %get3A_446 = arith.constant 0 : index
        %get3A_447 = tpu.vector_load %arg9[%get3A_445, %get3A_446] {strides = array<i32>} : memref<104x64xf32, #tpu.memory_space<vmem>>, vector<1x16xf32>,
        %get3A_448 = vector.shape_cast %get3A_447 : vector<1x16xf32> to vector<16xf32>
        %add3A_449 = arith.addf %add3A_427, %get3A_448 : vector<16xf32>
        %get3A_450 = arith.index_cast %scan3A_444 : i32 to index
        %get3A_451 = arith.constant 16 : index
        %get3A_452 = tpu.vector_load %arg9[%get3A_450, %get3A_451] {strides = array<i32>} : memref<104x64xf32, #tpu.memory_space<vmem>>, vector<1x16xf32>,
        %get3A_453 = vector.shape_cast %get3A_452 : vector<1x16xf32> to vector<16xf32>
        %add3A_454 = arith.addf %add3A_432, %get3A_453 : vector<16xf32>
        %get3A_455 = arith.index_cast %scan3A_444 : i32 to index
        %get3A_456 = arith.constant 32 : index
        %get3A_457 = tpu.vector_load %arg9[%get3A_455, %get3A_456] {strides = array<i32>} : memref<104x64xf32, #tpu.memory_space<vmem>>, vector<1x16xf32>,
        %get3A_458 = vector.shape_cast %get3A_457 : vector<1x16xf32> to vector<16xf32>
        %add3A_459 = arith.addf %add3A_437, %get3A_458 : vector<16xf32>
        %get3A_460 = arith.index_cast %scan3A_444 : i32 to index
        %get3A_461 = arith.constant 48 : index
        %get3A_462 = tpu.vector_load %arg9[%get3A_460, %get3A_461] {strides = array<i32>} : memref<104x64xf32, #tpu.memory_space<vmem>>, vector<1x16xf32>,
        %get3A_463 = vector.shape_cast %get3A_462 : vector<1x16xf32> to vector<16xf32>
        %add3A_464 = arith.addf %add3A_442, %get3A_463 : vector<16xf32>
        %scan3A_465 = arith.constant 6 : i32
        %scan3A_466 = arith.addi %scan3A_331, %scan3A_465 : i32
        %get3A_467 = arith.index_cast %scan3A_466 : i32 to index
        %get3A_468 = arith.constant 0 : index
        %get3A_469 = tpu.vector_load %arg9[%get3A_467, %get3A_468] {strides = array<i32>} : memref<104x64xf32, #tpu.memory_space<vmem>>, vector<1x16xf32>,
        %get3A_470 = vector.shape_cast %get3A_469 : vector<1x16xf32> to vector<16xf32>
        %add3A_471 = arith.addf %add3A_449, %get3A_470 : vector<16xf32>
        %get3A_472 = arith.index_cast %scan3A_466 : i32 to index
        %get3A_473 = arith.constant 16 : index
        %get3A_474 = tpu.vector_load %arg9[%get3A_472, %get3A_473] {strides = array<i32>} : memref<104x64xf32, #tpu.memory_space<vmem>>, vector<1x16xf32>,
        %get3A_475 = vector.shape_cast %get3A_474 : vector<1x16xf32> to vector<16xf32>
        %add3A_476 = arith.addf %add3A_454, %get3A_475 : vector<16xf32>
        %get3A_477 = arith.index_cast %scan3A_466 : i32 to index
        %get3A_478 = arith.constant 32 : index
        %get3A_479 = tpu.vector_load %arg9[%get3A_477, %get3A_478] {strides = array<i32>} : memref<104x64xf32, #tpu.memory_space<vmem>>, vector<1x16xf32>,
        %get3A_480 = vector.shape_cast %get3A_479 : vector<1x16xf32> to vector<16xf32>
        %add3A_481 = arith.addf %add3A_459, %get3A_480 : vector<16xf32>
        %get3A_482 = arith.index_cast %scan3A_466 : i32 to index
        %get3A_483 = arith.constant 48 : index
        %get3A_484 = tpu.vector_load %arg9[%get3A_482, %get3A_483] {strides = array<i32>} : memref<104x64xf32, #tpu.memory_space<vmem>>, vector<1x16xf32>,
        %get3A_485 = vector.shape_cast %get3A_484 : vector<1x16xf32> to vector<16xf32>
        %add3A_486 = arith.addf %add3A_464, %get3A_485 : vector<16xf32>
        %scan3A_487 = arith.constant 7 : i32
        %scan3A_488 = arith.addi %scan3A_331, %scan3A_487 : i32
        %get3A_489 = arith.index_cast %scan3A_488 : i32 to index
        %get3A_490 = arith.constant 0 : index
        %get3A_491 = tpu.vector_load %arg9[%get3A_489, %get3A_490] {strides = array<i32>} : memref<104x64xf32, #tpu.memory_space<vmem>>, vector<1x16xf32>,
        %get3A_492 = vector.shape_cast %get3A_491 : vector<1x16xf32> to vector<16xf32>
        %add3A_493 = arith.addf %add3A_471, %get3A_492 : vector<16xf32>
        %get3A_494 = arith.index_cast %scan3A_488 : i32 to index
        %get3A_495 = arith.constant 16 : index
        %get3A_496 = tpu.vector_load %arg9[%get3A_494, %get3A_495] {strides = array<i32>} : memref<104x64xf32, #tpu.memory_space<vmem>>, vector<1x16xf32>,
        %get3A_497 = vector.shape_cast %get3A_496 : vector<1x16xf32> to vector<16xf32>
        %add3A_498 = arith.addf %add3A_476, %get3A_497 : vector<16xf32>
        %get3A_499 = arith.index_cast %scan3A_488 : i32 to index
        %get3A_500 = arith.constant 32 : index
        %get3A_501 = tpu.vector_load %arg9[%get3A_499, %get3A_500] {strides = array<i32>} : memref<104x64xf32, #tpu.memory_space<vmem>>, vector<1x16xf32>,
        %get3A_502 = vector.shape_cast %get3A_501 : vector<1x16xf32> to vector<16xf32>
        %add3A_503 = arith.addf %add3A_481, %get3A_502 : vector<16xf32>
        %get3A_504 = arith.index_cast %scan3A_488 : i32 to index
        %get3A_505 = arith.constant 48 : index
        %get3A_506 = tpu.vector_load %arg9[%get3A_504, %get3A_505] {strides = array<i32>} : memref<104x64xf32, #tpu.memory_space<vmem>>, vector<1x16xf32>,
        %get3A_507 = vector.shape_cast %get3A_506 : vector<1x16xf32> to vector<16xf32>
        %add3A_508 = arith.addf %add3A_486, %get3A_507 : vector<16xf32>
        scf.yield %add3A_493, %add3A_498, %add3A_503, %add3A_508 : vector<16xf32>, vector<16xf32>, vector<16xf32>, vector<16xf32>
      }
      %scan3A_218 = arith.constant 104 : i32
      %scan3A_219 = arith.constant 0 : i32
      %scan3A_220 = arith.constant 96 : i32
      %scan3A_221 = arith.addi %scan3A_219, %scan3A_220 : i32
      %scan3A_222 = arith.constant 8 : i32
      %scan3A_223:4 = scf.for %scan3A_331 = %scan3A_219 to %scan3A_221 step %scan3A_222 iter_args(%scan3A_332 = %scan3A_217#0, %scan3A_333 = %scan3A_217#1, %scan3A_334 = %scan3A_217#2, %scan3A_335 = %scan3A_217#3) -> (vector<16xf32>, vector<16xf32>, vector<16xf32>, vector<16xf32>)  : i32 {
        %get3A = arith.index_cast %scan3A_331 : i32 to index
        %get3A_336 = arith.constant 0 : index
        %get3A_337 = tpu.vector_load %arg13[%get3A, %get3A_336] {strides = array<i32>} : memref<96x64xf32, #tpu.memory_space<vmem>>, vector<1x16xf32>,
        %get3A_338 = vector.shape_cast %get3A_337 : vector<1x16xf32> to vector<16xf32>
        %add3A_339 = arith.addf %scan3A_332, %get3A_338 : vector<16xf32>
        %get3A_340 = arith.index_cast %scan3A_331 : i32 to index
        %get3A_341 = arith.constant 16 : index
        %get3A_342 = tpu.vector_load %arg13[%get3A_340, %get3A_341] {strides = array<i32>} : memref<96x64xf32, #tpu.memory_space<vmem>>, vector<1x16xf32>,
        %get3A_343 = vector.shape_cast %get3A_342 : vector<1x16xf32> to vector<16xf32>
        %add3A_344 = arith.addf %scan3A_333, %get3A_343 : vector<16xf32>
        %get3A_345 = arith.index_cast %scan3A_331 : i32 to index
        %get3A_346 = arith.constant 32 : index
        %get3A_347 = tpu.vector_load %arg13[%get3A_345, %get3A_346] {strides = array<i32>} : memref<96x64xf32, #tpu.memory_space<vmem>>, vector<1x16xf32>,
        %get3A_348 = vector.shape_cast %get3A_347 : vector<1x16xf32> to vector<16xf32>
        %add3A_349 = arith.addf %scan3A_334, %get3A_348 : vector<16xf32>
        %get3A_350 = arith.index_cast %scan3A_331 : i32 to index
        %get3A_351 = arith.constant 48 : index
        %get3A_352 = tpu.vector_load %arg13[%get3A_350, %get3A_351] {strides = array<i32>} : memref<96x64xf32, #tpu.memory_space<vmem>>, vector<1x16xf32>,
        %get3A_353 = vector.shape_cast %get3A_352 : vector<1x16xf32> to vector<16xf32>
        %add3A_354 = arith.addf %scan3A_335, %get3A_353 : vector<16xf32>
        %scan3A_355 = arith.constant 1 : i32
        %scan3A_356 = arith.addi %scan3A_331, %scan3A_355 : i32
        %get3A_357 = arith.index_cast %scan3A_356 : i32 to index
        %get3A_358 = arith.constant 0 : index
        %get3A_359 = tpu.vector_load %arg13[%get3A_357, %get3A_358] {strides = array<i32>} : memref<96x64xf32, #tpu.memory_space<vmem>>, vector<1x16xf32>,
        %get3A_360 = vector.shape_cast %get3A_359 : vector<1x16xf32> to vector<16xf32>
        %add3A_361 = arith.addf %add3A_339, %get3A_360 : vector<16xf32>
        %get3A_362 = arith.index_cast %scan3A_356 : i32 to index
        %get3A_363 = arith.constant 16 : index
        %get3A_364 = tpu.vector_load %arg13[%get3A_362, %get3A_363] {strides = array<i32>} : memref<96x64xf32, #tpu.memory_space<vmem>>, vector<1x16xf32>,
        %get3A_365 = vector.shape_cast %get3A_364 : vector<1x16xf32> to vector<16xf32>
        %add3A_366 = arith.addf %add3A_344, %get3A_365 : vector<16xf32>
        %get3A_367 = arith.index_cast %scan3A_356 : i32 to index
        %get3A_368 = arith.constant 32 : index
        %get3A_369 = tpu.vector_load %arg13[%get3A_367, %get3A_368] {strides = array<i32>} : memref<96x64xf32, #tpu.memory_space<vmem>>, vector<1x16xf32>,
        %get3A_370 = vector.shape_cast %get3A_369 : vector<1x16xf32> to vector<16xf32>
        %add3A_371 = arith.addf %add3A_349, %get3A_370 : vector<16xf32>
        %get3A_372 = arith.index_cast %scan3A_356 : i32 to index
        %get3A_373 = arith.constant 48 : index
        %get3A_374 = tpu.vector_load %arg13[%get3A_372, %get3A_373] {strides = array<i32>} : memref<96x64xf32, #tpu.memory_space<vmem>>, vector<1x16xf32>,
        %get3A_375 = vector.shape_cast %get3A_374 : vector<1x16xf32> to vector<16xf32>
        %add3A_376 = arith.addf %add3A_354, %get3A_375 : vector<16xf32>
        %scan3A_377 = arith.constant 2 : i32
        %scan3A_378 = arith.addi %scan3A_331, %scan3A_377 : i32
        %get3A_379 = arith.index_cast %scan3A_378 : i32 to index
        %get3A_380 = arith.constant 0 : index
        %get3A_381 = tpu.vector_load %arg13[%get3A_379, %get3A_380] {strides = array<i32>} : memref<96x64xf32, #tpu.memory_space<vmem>>, vector<1x16xf32>,
        %get3A_382 = vector.shape_cast %get3A_381 : vector<1x16xf32> to vector<16xf32>
        %add3A_383 = arith.addf %add3A_361, %get3A_382 : vector<16xf32>
        %get3A_384 = arith.index_cast %scan3A_378 : i32 to index
        %get3A_385 = arith.constant 16 : index
        %get3A_386 = tpu.vector_load %arg13[%get3A_384, %get3A_385] {strides = array<i32>} : memref<96x64xf32, #tpu.memory_space<vmem>>, vector<1x16xf32>,
        %get3A_387 = vector.shape_cast %get3A_386 : vector<1x16xf32> to vector<16xf32>
        %add3A_388 = arith.addf %add3A_366, %get3A_387 : vector<16xf32>
        %get3A_389 = arith.index_cast %scan3A_378 : i32 to index
        %get3A_390 = arith.constant 32 : index
        %get3A_391 = tpu.vector_load %arg13[%get3A_389, %get3A_390] {strides = array<i32>} : memref<96x64xf32, #tpu.memory_space<vmem>>, vector<1x16xf32>,
        %get3A_392 = vector.shape_cast %get3A_391 : vector<1x16xf32> to vector<16xf32>
        %add3A_393 = arith.addf %add3A_371, %get3A_392 : vector<16xf32>
        %get3A_394 = arith.index_cast %scan3A_378 : i32 to index
        %get3A_395 = arith.constant 48 : index
        %get3A_396 = tpu.vector_load %arg13[%get3A_394, %get3A_395] {strides = array<i32>} : memref<96x64xf32, #tpu.memory_space<vmem>>, vector<1x16xf32>,
        %get3A_397 = vector.shape_cast %get3A_396 : vector<1x16xf32> to vector<16xf32>
        %add3A_398 = arith.addf %add3A_376, %get3A_397 : vector<16xf32>
        %scan3A_399 = arith.constant 3 : i32
        %scan3A_400 = arith.addi %scan3A_331, %scan3A_399 : i32
        %get3A_401 = arith.index_cast %scan3A_400 : i32 to index
        %get3A_402 = arith.constant 0 : index
        %get3A_403 = tpu.vector_load %arg13[%get3A_401, %get3A_402] {strides = array<i32>} : memref<96x64xf32, #tpu.memory_space<vmem>>, vector<1x16xf32>,
        %get3A_404 = vector.shape_cast %get3A_403 : vector<1x16xf32> to vector<16xf32>
        %add3A_405 = arith.addf %add3A_383, %get3A_404 : vector<16xf32>
        %get3A_406 = arith.index_cast %scan3A_400 : i32 to index
        %get3A_407 = arith.constant 16 : index
        %get3A_408 = tpu.vector_load %arg13[%get3A_406, %get3A_407] {strides = array<i32>} : memref<96x64xf32, #tpu.memory_space<vmem>>, vector<1x16xf32>,
        %get3A_409 = vector.shape_cast %get3A_408 : vector<1x16xf32> to vector<16xf32>
        %add3A_410 = arith.addf %add3A_388, %get3A_409 : vector<16xf32>
        %get3A_411 = arith.index_cast %scan3A_400 : i32 to index
        %get3A_412 = arith.constant 32 : index
        %get3A_413 = tpu.vector_load %arg13[%get3A_411, %get3A_412] {strides = array<i32>} : memref<96x64xf32, #tpu.memory_space<vmem>>, vector<1x16xf32>,
        %get3A_414 = vector.shape_cast %get3A_413 : vector<1x16xf32> to vector<16xf32>
        %add3A_415 = arith.addf %add3A_393, %get3A_414 : vector<16xf32>
        %get3A_416 = arith.index_cast %scan3A_400 : i32 to index
        %get3A_417 = arith.constant 48 : index
        %get3A_418 = tpu.vector_load %arg13[%get3A_416, %get3A_417] {strides = array<i32>} : memref<96x64xf32, #tpu.memory_space<vmem>>, vector<1x16xf32>,
        %get3A_419 = vector.shape_cast %get3A_418 : vector<1x16xf32> to vector<16xf32>
        %add3A_420 = arith.addf %add3A_398, %get3A_419 : vector<16xf32>
        %scan3A_421 = arith.constant 4 : i32
        %scan3A_422 = arith.addi %scan3A_331, %scan3A_421 : i32
        %get3A_423 = arith.index_cast %scan3A_422 : i32 to index
        %get3A_424 = arith.constant 0 : index
        %get3A_425 = tpu.vector_load %arg13[%get3A_423, %get3A_424] {strides = array<i32>} : memref<96x64xf32, #tpu.memory_space<vmem>>, vector<1x16xf32>,
        %get3A_426 = vector.shape_cast %get3A_425 : vector<1x16xf32> to vector<16xf32>
        %add3A_427 = arith.addf %add3A_405, %get3A_426 : vector<16xf32>
        %get3A_428 = arith.index_cast %scan3A_422 : i32 to index
        %get3A_429 = arith.constant 16 : index
        %get3A_430 = tpu.vector_load %arg13[%get3A_428, %get3A_429] {strides = array<i32>} : memref<96x64xf32, #tpu.memory_space<vmem>>, vector<1x16xf32>,
        %get3A_431 = vector.shape_cast %get3A_430 : vector<1x16xf32> to vector<16xf32>
        %add3A_432 = arith.addf %add3A_410, %get3A_431 : vector<16xf32>
        %get3A_433 = arith.index_cast %scan3A_422 : i32 to index
        %get3A_434 = arith.constant 32 : index
        %get3A_435 = tpu.vector_load %arg13[%get3A_433, %get3A_434] {strides = array<i32>} : memref<96x64xf32, #tpu.memory_space<vmem>>, vector<1x16xf32>,
        %get3A_436 = vector.shape_cast %get3A_435 : vector<1x16xf32> to vector<16xf32>
        %add3A_437 = arith.addf %add3A_415, %get3A_436 : vector<16xf32>
        %get3A_438 = arith.index_cast %scan3A_422 : i32 to index
        %get3A_439 = arith.constant 48 : index
        %get3A_440 = tpu.vector_load %arg13[%get3A_438, %get3A_439] {strides = array<i32>} : memref<96x64xf32, #tpu.memory_space<vmem>>, vector<1x16xf32>,
        %get3A_441 = vector.shape_cast %get3A_440 : vector<1x16xf32> to vector<16xf32>
        %add3A_442 = arith.addf %add3A_420, %get3A_441 : vector<16xf32>
        %scan3A_443 = arith.constant 5 : i32
        %scan3A_444 = arith.addi %scan3A_331, %scan3A_443 : i32
        %get3A_445 = arith.index_cast %scan3A_444 : i32 to index
        %get3A_446 = arith.constant 0 : index
        %get3A_447 = tpu.vector_load %arg13[%get3A_445, %get3A_446] {strides = array<i32>} : memref<96x64xf32, #tpu.memory_space<vmem>>, vector<1x16xf32>,
        %get3A_448 = vector.shape_cast %get3A_447 : vector<1x16xf32> to vector<16xf32>
        %add3A_449 = arith.addf %add3A_427, %get3A_448 : vector<16xf32>
        %get3A_450 = arith.index_cast %scan3A_444 : i32 to index
        %get3A_451 = arith.constant 16 : index
        %get3A_452 = tpu.vector_load %arg13[%get3A_450, %get3A_451] {strides = array<i32>} : memref<96x64xf32, #tpu.memory_space<vmem>>, vector<1x16xf32>,
        %get3A_453 = vector.shape_cast %get3A_452 : vector<1x16xf32> to vector<16xf32>
        %add3A_454 = arith.addf %add3A_432, %get3A_453 : vector<16xf32>
        %get3A_455 = arith.index_cast %scan3A_444 : i32 to index
        %get3A_456 = arith.constant 32 : index
        %get3A_457 = tpu.vector_load %arg13[%get3A_455, %get3A_456] {strides = array<i32>} : memref<96x64xf32, #tpu.memory_space<vmem>>, vector<1x16xf32>,
        %get3A_458 = vector.shape_cast %get3A_457 : vector<1x16xf32> to vector<16xf32>
        %add3A_459 = arith.addf %add3A_437, %get3A_458 : vector<16xf32>
        %get3A_460 = arith.index_cast %scan3A_444 : i32 to index
        %get3A_461 = arith.constant 48 : index
        %get3A_462 = tpu.vector_load %arg13[%get3A_460, %get3A_461] {strides = array<i32>} : memref<96x64xf32, #tpu.memory_space<vmem>>, vector<1x16xf32>,
        %get3A_463 = vector.shape_cast %get3A_462 : vector<1x16xf32> to vector<16xf32>
        %add3A_464 = arith.addf %add3A_442, %get3A_463 : vector<16xf32>
        %scan3A_465 = arith.constant 6 : i32
        %scan3A_466 = arith.addi %scan3A_331, %scan3A_465 : i32
        %get3A_467 = arith.index_cast %scan3A_466 : i32 to index
        %get3A_468 = arith.constant 0 : index
        %get3A_469 = tpu.vector_load %arg13[%get3A_467, %get3A_468] {strides = array<i32>} : memref<96x64xf32, #tpu.memory_space<vmem>>, vector<1x16xf32>,
        %get3A_470 = vector.shape_cast %get3A_469 : vector<1x16xf32> to vector<16xf32>
        %add3A_471 = arith.addf %add3A_449, %get3A_470 : vector<16xf32>
        %get3A_472 = arith.index_cast %scan3A_466 : i32 to index
        %get3A_473 = arith.constant 16 : index
        %get3A_474 = tpu.vector_load %arg13[%get3A_472, %get3A_473] {strides = array<i32>} : memref<96x64xf32, #tpu.memory_space<vmem>>, vector<1x16xf32>,
        %get3A_475 = vector.shape_cast %get3A_474 : vector<1x16xf32> to vector<16xf32>
        %add3A_476 = arith.addf %add3A_454, %get3A_475 : vector<16xf32>
        %get3A_477 = arith.index_cast %scan3A_466 : i32 to index
        %get3A_478 = arith.constant 32 : index
        %get3A_479 = tpu.vector_load %arg13[%get3A_477, %get3A_478] {strides = array<i32>} : memref<96x64xf32, #tpu.memory_space<vmem>>, vector<1x16xf32>,
        %get3A_480 = vector.shape_cast %get3A_479 : vector<1x16xf32> to vector<16xf32>
        %add3A_481 = arith.addf %add3A_459, %get3A_480 : vector<16xf32>
        %get3A_482 = arith.index_cast %scan3A_466 : i32 to index
        %get3A_483 = arith.constant 48 : index
        %get3A_484 = tpu.vector_load %arg13[%get3A_482, %get3A_483] {strides = array<i32>} : memref<96x64xf32, #tpu.memory_space<vmem>>, vector<1x16xf32>,
        %get3A_485 = vector.shape_cast %get3A_484 : vector<1x16xf32> to vector<16xf32>
        %add3A_486 = arith.addf %add3A_464, %get3A_485 : vector<16xf32>
        %scan3A_487 = arith.constant 7 : i32
        %scan3A_488 = arith.addi %scan3A_331, %scan3A_487 : i32
        %get3A_489 = arith.index_cast %scan3A_488 : i32 to index
        %get3A_490 = arith.constant 0 : index
        %get3A_491 = tpu.vector_load %arg13[%get3A_489, %get3A_490] {strides = array<i32>} : memref<96x64xf32, #tpu.memory_space<vmem>>, vector<1x16xf32>,
        %get3A_492 = vector.shape_cast %get3A_491 : vector<1x16xf32> to vector<16xf32>
        %add3A_493 = arith.addf %add3A_471, %get3A_492 : vector<16xf32>
        %get3A_494 = arith.index_cast %scan3A_488 : i32 to index
        %get3A_495 = arith.constant 16 : index
        %get3A_496 = tpu.vector_load %arg13[%get3A_494, %get3A_495] {strides = array<i32>} : memref<96x64xf32, #tpu.memory_space<vmem>>, vector<1x16xf32>,
        %get3A_497 = vector.shape_cast %get3A_496 : vector<1x16xf32> to vector<16xf32>
        %add3A_498 = arith.addf %add3A_476, %get3A_497 : vector<16xf32>
        %get3A_499 = arith.index_cast %scan3A_488 : i32 to index
        %get3A_500 = arith.constant 32 : index
        %get3A_501 = tpu.vector_load %arg13[%get3A_499, %get3A_500] {strides = array<i32>} : memref<96x64xf32, #tpu.memory_space<vmem>>, vector<1x16xf32>,
        %get3A_502 = vector.shape_cast %get3A_501 : vector<1x16xf32> to vector<16xf32>
        %add3A_503 = arith.addf %add3A_481, %get3A_502 : vector<16xf32>
        %get3A_504 = arith.index_cast %scan3A_488 : i32 to index
        %get3A_505 = arith.constant 48 : index
        %get3A_506 = tpu.vector_load %arg13[%get3A_504, %get3A_505] {strides = array<i32>} : memref<96x64xf32, #tpu.memory_space<vmem>>, vector<1x16xf32>,
        %get3A_507 = vector.shape_cast %get3A_506 : vector<1x16xf32> to vector<16xf32>
        %add3A_508 = arith.addf %add3A_486, %get3A_507 : vector<16xf32>
        scf.yield %add3A_493, %add3A_498, %add3A_503, %add3A_508 : vector<16xf32>, vector<16xf32>, vector<16xf32>, vector<16xf32>
      }
      %scan3A_224 = arith.constant 96 : i32
      %add3A_225 = arith.constant 4 : i32
      %add3A_226 = arith.addi %add3A_198, %add3A_225 : i32
      %lt3A_227 = arith.constant 128 : i32
      %lt3A_228 = arith.cmpi slt, %add3A_226, %lt3A_227 : i32
      %convert_element_type3A_229 = arith.extui %lt3A_228 : i1 to i32
      %cond3A_230 = arith.constant 0 : i32
      %cond3A_231 = arith.cmpi ne, %convert_element_type3A_229, %cond3A_230 : i32
      scf.if %cond3A_231 {
        %add3A_331 = arith.constant 4 : i32
        %add3A_332 = arith.addi %add3A_198, %add3A_331 : i32
        %dma_start3A_333 = arith.constant 0 : i32
        %dma_start3A_334 = tpu.memref_slice %arg5[%add3A_332, %dma_start3A_333] : memref<128x200xi32, #tpu.memory_space<vmem>> -> memref<1x104xi32, #tpu.memory_space<vmem>>
        %dma_start3A_335 = tpu.memref_squeeze %dma_start3A_334 : memref<1x104xi32, #tpu.memory_space<vmem>> -> memref<104xi32, #tpu.memory_space<vmem>>
        %dma_start3A_336 = arith.constant 0 : i32
        %dma_start3A_337 = arith.constant 0 : i32
        %dma_start3A_338 = tpu.memref_slice %arg3[%dma_start3A_336, %dma_start3A_337] : memref<1000000x64xf32, #tpu.memory_space<hbm>> -> memref<1000000x64xf32, #tpu.memory_space<hbm>>
        tpu.enqueue_indirect_dma source(%dma_start3A_338 : memref<1000000x64xf32, #tpu.memory_space<hbm>>) target(%arg9 : memref<104x64xf32, #tpu.memory_space<vmem>>) offsets(%dma_start3A_335 : memref<104xi32, #tpu.memory_space<vmem>>) semaphore(%arg17 : memref<!tpu.dma_semaphore, #tpu.memory_space<semaphore_mem>>)
        %dma_start3A_339 = arith.constant 104 : i32
        %dma_start3A_340 = tpu.memref_slice %arg5[%add3A_332, %dma_start3A_339] : memref<128x200xi32, #tpu.memory_space<vmem>> -> memref<1x96xi32, #tpu.memory_space<vmem>>
        %dma_start3A_341 = tpu.memref_squeeze %dma_start3A_340 : memref<1x96xi32, #tpu.memory_space<vmem>> -> memref<96xi32, #tpu.memory_space<vmem>>
        %dma_start3A_342 = arith.constant 0 : i32
        %dma_start3A_343 = arith.constant 0 : i32
        %dma_start3A_344 = tpu.memref_slice %arg3[%dma_start3A_342, %dma_start3A_343] : memref<1000000x64xf32, #tpu.memory_space<hbm>> -> memref<1000000x64xf32, #tpu.memory_space<hbm>>
        tpu.enqueue_indirect_dma source(%dma_start3A_344 : memref<1000000x64xf32, #tpu.memory_space<hbm>>) target(%arg13 : memref<96x64xf32, #tpu.memory_space<vmem>>) offsets(%dma_start3A_341 : memref<96xi32, #tpu.memory_space<vmem>>) semaphore(%arg21 : memref<!tpu.dma_semaphore, #tpu.memory_space<semaphore_mem>>)
      } else {
      }
      %mul3A_232 = arith.constant 5.000000e-03 : f32
      %mul3A_233 = vector.broadcast %mul3A_232 : f32 to vector<16xf32>
      %mul3A_234 = arith.mulf %scan3A_223#0, %mul3A_233 : vector<16xf32>
      %swap3A_235 = arith.index_cast %add3A_198 : i32 to index
      %swap3A_236 = arith.constant 0 : index
      %swap3A_237 = tpu.vector_load %arg6[%swap3A_235, %swap3A_236] {strides = array<i32>} : memref<128x64xf32, #tpu.memory_space<vmem>>, vector<1x16xf32>,
      %swap3A_238 = vector.shape_cast %swap3A_237 : vector<1x16xf32> to vector<16xf32>
      %swap3A_239 = vector.shape_cast %mul3A_234 : vector<16xf32> to vector<1x16xf32>
      tpu.vector_store %arg6[%swap3A_235, %swap3A_236], %swap3A_239 {strides = array<i32>} : memref<128x64xf32, #tpu.memory_space<vmem>>, vector<1x16xf32>,
      %mul3A_240 = arith.constant 5.000000e-03 : f32
      %mul3A_241 = vector.broadcast %mul3A_240 : f32 to vector<16xf32>
      %mul3A_242 = arith.mulf %scan3A_223#1, %mul3A_241 : vector<16xf32>
      %swap3A_243 = arith.index_cast %add3A_198 : i32 to index
      %swap3A_244 = arith.constant 16 : index
      %swap3A_245 = tpu.vector_load %arg6[%swap3A_243, %swap3A_244] {strides = array<i32>} : memref<128x64xf32, #tpu.memory_space<vmem>>, vector<1x16xf32>,
      %swap3A_246 = vector.shape_cast %swap3A_245 : vector<1x16xf32> to vector<16xf32>
      %swap3A_247 = vector.shape_cast %mul3A_242 : vector<16xf32> to vector<1x16xf32>
      tpu.vector_store %arg6[%swap3A_243, %swap3A_244], %swap3A_247 {strides = array<i32>} : memref<128x64xf32, #tpu.memory_space<vmem>>, vector<1x16xf32>,
      %mul3A_248 = arith.constant 5.000000e-03 : f32
      %mul3A_249 = vector.broadcast %mul3A_248 : f32 to vector<16xf32>
      %mul3A_250 = arith.mulf %scan3A_223#2, %mul3A_249 : vector<16xf32>
      %swap3A_251 = arith.index_cast %add3A_198 : i32 to index
      %swap3A_252 = arith.constant 32 : index
      %swap3A_253 = tpu.vector_load %arg6[%swap3A_251, %swap3A_252] {strides = array<i32>} : memref<128x64xf32, #tpu.memory_space<vmem>>, vector<1x16xf32>,
      %swap3A_254 = vector.shape_cast %swap3A_253 : vector<1x16xf32> to vector<16xf32>
      %swap3A_255 = vector.shape_cast %mul3A_250 : vector<16xf32> to vector<1x16xf32>
      tpu.vector_store %arg6[%swap3A_251, %swap3A_252], %swap3A_255 {strides = array<i32>} : memref<128x64xf32, #tpu.memory_space<vmem>>, vector<1x16xf32>,
      %mul3A_256 = arith.constant 5.000000e-03 : f32
      %mul3A_257 = vector.broadcast %mul3A_256 : f32 to vector<16xf32>
      %mul3A_258 = arith.mulf %scan3A_223#3, %mul3A_257 : vector<16xf32>
      %swap3A_259 = arith.index_cast %add3A_198 : i32 to index
      %swap3A_260 = arith.constant 48 : index
      %swap3A_261 = tpu.vector_load %arg6[%swap3A_259, %swap3A_260] {strides = array<i32>} : memref<128x64xf32, #tpu.memory_space<vmem>>, vector<1x16xf32>,
      %swap3A_262 = vector.shape_cast %swap3A_261 : vector<1x16xf32> to vector<16xf32>
      %swap3A_263 = vector.shape_cast %mul3A_258 : vector<16xf32> to vector<1x16xf32>
      tpu.vector_store %arg6[%swap3A_259, %swap3A_260], %swap3A_263 {strides = array<i32>} : memref<128x64xf32, #tpu.memory_space<vmem>>, vector<1x16xf32>,
      %add3A_264 = arith.constant 3 : i32
      %add3A_265 = arith.addi %add3A_67, %add3A_264 : i32
      %dma_wait3A_266 = arith.constant 0 : i32
      %dma_wait3A_267 = arith.constant 0 : i32
      %dma_wait3A_268 = tpu.memref_slice %arg5[%dma_wait3A_266, %dma_wait3A_267] : memref<128x200xi32, #tpu.memory_space<vmem>> -> memref<1x104xi32, #tpu.memory_space<vmem>>
      %dma_wait3A_269 = tpu.memref_squeeze %dma_wait3A_268 : memref<1x104xi32, #tpu.memory_space<vmem>> -> memref<104xi32, #tpu.memory_space<vmem>>
      %dma_wait3A_270 = arith.constant 0 : i32
      %dma_wait3A_271 = arith.constant 0 : i32
      %dma_wait3A_272 = tpu.memref_slice %arg3[%dma_wait3A_270, %dma_wait3A_271] : memref<1000000x64xf32, #tpu.memory_space<hbm>> -> memref<1000000x64xf32, #tpu.memory_space<hbm>>
      tpu.wait_indirect_dma semaphore(%arg18 : memref<!tpu.dma_semaphore, #tpu.memory_space<semaphore_mem>>) src(%dma_wait3A_272 : memref<1000000x64xf32, #tpu.memory_space<hbm>>) dst(%arg10 : memref<104x64xf32, #tpu.memory_space<vmem>>)
      %dma_wait3A_273 = arith.constant 0 : i32
      %dma_wait3A_274 = arith.constant 0 : i32
      %dma_wait3A_275 = tpu.memref_slice %arg5[%dma_wait3A_273, %dma_wait3A_274] : memref<128x200xi32, #tpu.memory_space<vmem>> -> memref<1x96xi32, #tpu.memory_space<vmem>>
      %dma_wait3A_276 = tpu.memref_squeeze %dma_wait3A_275 : memref<1x96xi32, #tpu.memory_space<vmem>> -> memref<96xi32, #tpu.memory_space<vmem>>
      %dma_wait3A_277 = arith.constant 0 : i32
      %dma_wait3A_278 = arith.constant 0 : i32
      %dma_wait3A_279 = tpu.memref_slice %arg3[%dma_wait3A_277, %dma_wait3A_278] : memref<1000000x64xf32, #tpu.memory_space<hbm>> -> memref<1000000x64xf32, #tpu.memory_space<hbm>>
      tpu.wait_indirect_dma semaphore(%arg22 : memref<!tpu.dma_semaphore, #tpu.memory_space<semaphore_mem>>) src(%dma_wait3A_279 : memref<1000000x64xf32, #tpu.memory_space<hbm>>) dst(%arg14 : memref<96x64xf32, #tpu.memory_space<vmem>>)
      %scan3A_280 = arith.constant 0 : i32
      %scan3A_281 = arith.constant 104 : i32
      %scan3A_282 = arith.addi %scan3A_280, %scan3A_281 : i32
      %scan3A_283 = arith.constant 8 : i32
      %scan3A_284:4 = scf.for %scan3A_331 = %scan3A_280 to %scan3A_282 step %scan3A_283 iter_args(%scan3A_332 = %broadcast_in_dim3A_58, %scan3A_333 = %broadcast_in_dim3A_58, %scan3A_334 = %broadcast_in_dim3A_58, %scan3A_335 = %broadcast_in_dim3A_58) -> (vector<16xf32>, vector<16xf32>, vector<16xf32>, vector<16xf32>)  : i32 {
        %get3A = arith.index_cast %scan3A_331 : i32 to index
        %get3A_336 = arith.constant 0 : index
        %get3A_337 = tpu.vector_load %arg10[%get3A, %get3A_336] {strides = array<i32>} : memref<104x64xf32, #tpu.memory_space<vmem>>, vector<1x16xf32>,
        %get3A_338 = vector.shape_cast %get3A_337 : vector<1x16xf32> to vector<16xf32>
        %add3A_339 = arith.addf %scan3A_332, %get3A_338 : vector<16xf32>
        %get3A_340 = arith.index_cast %scan3A_331 : i32 to index
        %get3A_341 = arith.constant 16 : index
        %get3A_342 = tpu.vector_load %arg10[%get3A_340, %get3A_341] {strides = array<i32>} : memref<104x64xf32, #tpu.memory_space<vmem>>, vector<1x16xf32>,
        %get3A_343 = vector.shape_cast %get3A_342 : vector<1x16xf32> to vector<16xf32>
        %add3A_344 = arith.addf %scan3A_333, %get3A_343 : vector<16xf32>
        %get3A_345 = arith.index_cast %scan3A_331 : i32 to index
        %get3A_346 = arith.constant 32 : index
        %get3A_347 = tpu.vector_load %arg10[%get3A_345, %get3A_346] {strides = array<i32>} : memref<104x64xf32, #tpu.memory_space<vmem>>, vector<1x16xf32>,
        %get3A_348 = vector.shape_cast %get3A_347 : vector<1x16xf32> to vector<16xf32>
        %add3A_349 = arith.addf %scan3A_334, %get3A_348 : vector<16xf32>
        %get3A_350 = arith.index_cast %scan3A_331 : i32 to index
        %get3A_351 = arith.constant 48 : index
        %get3A_352 = tpu.vector_load %arg10[%get3A_350, %get3A_351] {strides = array<i32>} : memref<104x64xf32, #tpu.memory_space<vmem>>, vector<1x16xf32>,
        %get3A_353 = vector.shape_cast %get3A_352 : vector<1x16xf32> to vector<16xf32>
        %add3A_354 = arith.addf %scan3A_335, %get3A_353 : vector<16xf32>
        %scan3A_355 = arith.constant 1 : i32
        %scan3A_356 = arith.addi %scan3A_331, %scan3A_355 : i32
        %get3A_357 = arith.index_cast %scan3A_356 : i32 to index
        %get3A_358 = arith.constant 0 : index
        %get3A_359 = tpu.vector_load %arg10[%get3A_357, %get3A_358] {strides = array<i32>} : memref<104x64xf32, #tpu.memory_space<vmem>>, vector<1x16xf32>,
        %get3A_360 = vector.shape_cast %get3A_359 : vector<1x16xf32> to vector<16xf32>
        %add3A_361 = arith.addf %add3A_339, %get3A_360 : vector<16xf32>
        %get3A_362 = arith.index_cast %scan3A_356 : i32 to index
        %get3A_363 = arith.constant 16 : index
        %get3A_364 = tpu.vector_load %arg10[%get3A_362, %get3A_363] {strides = array<i32>} : memref<104x64xf32, #tpu.memory_space<vmem>>, vector<1x16xf32>,
        %get3A_365 = vector.shape_cast %get3A_364 : vector<1x16xf32> to vector<16xf32>
        %add3A_366 = arith.addf %add3A_344, %get3A_365 : vector<16xf32>
        %get3A_367 = arith.index_cast %scan3A_356 : i32 to index
        %get3A_368 = arith.constant 32 : index
        %get3A_369 = tpu.vector_load %arg10[%get3A_367, %get3A_368] {strides = array<i32>} : memref<104x64xf32, #tpu.memory_space<vmem>>, vector<1x16xf32>,
        %get3A_370 = vector.shape_cast %get3A_369 : vector<1x16xf32> to vector<16xf32>
        %add3A_371 = arith.addf %add3A_349, %get3A_370 : vector<16xf32>
        %get3A_372 = arith.index_cast %scan3A_356 : i32 to index
        %get3A_373 = arith.constant 48 : index
        %get3A_374 = tpu.vector_load %arg10[%get3A_372, %get3A_373] {strides = array<i32>} : memref<104x64xf32, #tpu.memory_space<vmem>>, vector<1x16xf32>,
        %get3A_375 = vector.shape_cast %get3A_374 : vector<1x16xf32> to vector<16xf32>
        %add3A_376 = arith.addf %add3A_354, %get3A_375 : vector<16xf32>
        %scan3A_377 = arith.constant 2 : i32
        %scan3A_378 = arith.addi %scan3A_331, %scan3A_377 : i32
        %get3A_379 = arith.index_cast %scan3A_378 : i32 to index
        %get3A_380 = arith.constant 0 : index
        %get3A_381 = tpu.vector_load %arg10[%get3A_379, %get3A_380] {strides = array<i32>} : memref<104x64xf32, #tpu.memory_space<vmem>>, vector<1x16xf32>,
        %get3A_382 = vector.shape_cast %get3A_381 : vector<1x16xf32> to vector<16xf32>
        %add3A_383 = arith.addf %add3A_361, %get3A_382 : vector<16xf32>
        %get3A_384 = arith.index_cast %scan3A_378 : i32 to index
        %get3A_385 = arith.constant 16 : index
        %get3A_386 = tpu.vector_load %arg10[%get3A_384, %get3A_385] {strides = array<i32>} : memref<104x64xf32, #tpu.memory_space<vmem>>, vector<1x16xf32>,
        %get3A_387 = vector.shape_cast %get3A_386 : vector<1x16xf32> to vector<16xf32>
        %add3A_388 = arith.addf %add3A_366, %get3A_387 : vector<16xf32>
        %get3A_389 = arith.index_cast %scan3A_378 : i32 to index
        %get3A_390 = arith.constant 32 : index
        %get3A_391 = tpu.vector_load %arg10[%get3A_389, %get3A_390] {strides = array<i32>} : memref<104x64xf32, #tpu.memory_space<vmem>>, vector<1x16xf32>,
        %get3A_392 = vector.shape_cast %get3A_391 : vector<1x16xf32> to vector<16xf32>
        %add3A_393 = arith.addf %add3A_371, %get3A_392 : vector<16xf32>
        %get3A_394 = arith.index_cast %scan3A_378 : i32 to index
        %get3A_395 = arith.constant 48 : index
        %get3A_396 = tpu.vector_load %arg10[%get3A_394, %get3A_395] {strides = array<i32>} : memref<104x64xf32, #tpu.memory_space<vmem>>, vector<1x16xf32>,
        %get3A_397 = vector.shape_cast %get3A_396 : vector<1x16xf32> to vector<16xf32>
        %add3A_398 = arith.addf %add3A_376, %get3A_397 : vector<16xf32>
        %scan3A_399 = arith.constant 3 : i32
        %scan3A_400 = arith.addi %scan3A_331, %scan3A_399 : i32
        %get3A_401 = arith.index_cast %scan3A_400 : i32 to index
        %get3A_402 = arith.constant 0 : index
        %get3A_403 = tpu.vector_load %arg10[%get3A_401, %get3A_402] {strides = array<i32>} : memref<104x64xf32, #tpu.memory_space<vmem>>, vector<1x16xf32>,
        %get3A_404 = vector.shape_cast %get3A_403 : vector<1x16xf32> to vector<16xf32>
        %add3A_405 = arith.addf %add3A_383, %get3A_404 : vector<16xf32>
        %get3A_406 = arith.index_cast %scan3A_400 : i32 to index
        %get3A_407 = arith.constant 16 : index
        %get3A_408 = tpu.vector_load %arg10[%get3A_406, %get3A_407] {strides = array<i32>} : memref<104x64xf32, #tpu.memory_space<vmem>>, vector<1x16xf32>,
        %get3A_409 = vector.shape_cast %get3A_408 : vector<1x16xf32> to vector<16xf32>
        %add3A_410 = arith.addf %add3A_388, %get3A_409 : vector<16xf32>
        %get3A_411 = arith.index_cast %scan3A_400 : i32 to index
        %get3A_412 = arith.constant 32 : index
        %get3A_413 = tpu.vector_load %arg10[%get3A_411, %get3A_412] {strides = array<i32>} : memref<104x64xf32, #tpu.memory_space<vmem>>, vector<1x16xf32>,
        %get3A_414 = vector.shape_cast %get3A_413 : vector<1x16xf32> to vector<16xf32>
        %add3A_415 = arith.addf %add3A_393, %get3A_414 : vector<16xf32>
        %get3A_416 = arith.index_cast %scan3A_400 : i32 to index
        %get3A_417 = arith.constant 48 : index
        %get3A_418 = tpu.vector_load %arg10[%get3A_416, %get3A_417] {strides = array<i32>} : memref<104x64xf32, #tpu.memory_space<vmem>>, vector<1x16xf32>,
        %get3A_419 = vector.shape_cast %get3A_418 : vector<1x16xf32> to vector<16xf32>
        %add3A_420 = arith.addf %add3A_398, %get3A_419 : vector<16xf32>
        %scan3A_421 = arith.constant 4 : i32
        %scan3A_422 = arith.addi %scan3A_331, %scan3A_421 : i32
        %get3A_423 = arith.index_cast %scan3A_422 : i32 to index
        %get3A_424 = arith.constant 0 : index
        %get3A_425 = tpu.vector_load %arg10[%get3A_423, %get3A_424] {strides = array<i32>} : memref<104x64xf32, #tpu.memory_space<vmem>>, vector<1x16xf32>,
        %get3A_426 = vector.shape_cast %get3A_425 : vector<1x16xf32> to vector<16xf32>
        %add3A_427 = arith.addf %add3A_405, %get3A_426 : vector<16xf32>
        %get3A_428 = arith.index_cast %scan3A_422 : i32 to index
        %get3A_429 = arith.constant 16 : index
        %get3A_430 = tpu.vector_load %arg10[%get3A_428, %get3A_429] {strides = array<i32>} : memref<104x64xf32, #tpu.memory_space<vmem>>, vector<1x16xf32>,
        %get3A_431 = vector.shape_cast %get3A_430 : vector<1x16xf32> to vector<16xf32>
        %add3A_432 = arith.addf %add3A_410, %get3A_431 : vector<16xf32>
        %get3A_433 = arith.index_cast %scan3A_422 : i32 to index
        %get3A_434 = arith.constant 32 : index
        %get3A_435 = tpu.vector_load %arg10[%get3A_433, %get3A_434] {strides = array<i32>} : memref<104x64xf32, #tpu.memory_space<vmem>>, vector<1x16xf32>,
        %get3A_436 = vector.shape_cast %get3A_435 : vector<1x16xf32> to vector<16xf32>
        %add3A_437 = arith.addf %add3A_415, %get3A_436 : vector<16xf32>
        %get3A_438 = arith.index_cast %scan3A_422 : i32 to index
        %get3A_439 = arith.constant 48 : index
        %get3A_440 = tpu.vector_load %arg10[%get3A_438, %get3A_439] {strides = array<i32>} : memref<104x64xf32, #tpu.memory_space<vmem>>, vector<1x16xf32>,
        %get3A_441 = vector.shape_cast %get3A_440 : vector<1x16xf32> to vector<16xf32>
        %add3A_442 = arith.addf %add3A_420, %get3A_441 : vector<16xf32>
        %scan3A_443 = arith.constant 5 : i32
        %scan3A_444 = arith.addi %scan3A_331, %scan3A_443 : i32
        %get3A_445 = arith.index_cast %scan3A_444 : i32 to index
        %get3A_446 = arith.constant 0 : index
        %get3A_447 = tpu.vector_load %arg10[%get3A_445, %get3A_446] {strides = array<i32>} : memref<104x64xf32, #tpu.memory_space<vmem>>, vector<1x16xf32>,
        %get3A_448 = vector.shape_cast %get3A_447 : vector<1x16xf32> to vector<16xf32>
        %add3A_449 = arith.addf %add3A_427, %get3A_448 : vector<16xf32>
        %get3A_450 = arith.index_cast %scan3A_444 : i32 to index
        %get3A_451 = arith.constant 16 : index
        %get3A_452 = tpu.vector_load %arg10[%get3A_450, %get3A_451] {strides = array<i32>} : memref<104x64xf32, #tpu.memory_space<vmem>>, vector<1x16xf32>,
        %get3A_453 = vector.shape_cast %get3A_452 : vector<1x16xf32> to vector<16xf32>
        %add3A_454 = arith.addf %add3A_432, %get3A_453 : vector<16xf32>
        %get3A_455 = arith.index_cast %scan3A_444 : i32 to index
        %get3A_456 = arith.constant 32 : index
        %get3A_457 = tpu.vector_load %arg10[%get3A_455, %get3A_456] {strides = array<i32>} : memref<104x64xf32, #tpu.memory_space<vmem>>, vector<1x16xf32>,
        %get3A_458 = vector.shape_cast %get3A_457 : vector<1x16xf32> to vector<16xf32>
        %add3A_459 = arith.addf %add3A_437, %get3A_458 : vector<16xf32>
        %get3A_460 = arith.index_cast %scan3A_444 : i32 to index
        %get3A_461 = arith.constant 48 : index
        %get3A_462 = tpu.vector_load %arg10[%get3A_460, %get3A_461] {strides = array<i32>} : memref<104x64xf32, #tpu.memory_space<vmem>>, vector<1x16xf32>,
        %get3A_463 = vector.shape_cast %get3A_462 : vector<1x16xf32> to vector<16xf32>
        %add3A_464 = arith.addf %add3A_442, %get3A_463 : vector<16xf32>
        %scan3A_465 = arith.constant 6 : i32
        %scan3A_466 = arith.addi %scan3A_331, %scan3A_465 : i32
        %get3A_467 = arith.index_cast %scan3A_466 : i32 to index
        %get3A_468 = arith.constant 0 : index
        %get3A_469 = tpu.vector_load %arg10[%get3A_467, %get3A_468] {strides = array<i32>} : memref<104x64xf32, #tpu.memory_space<vmem>>, vector<1x16xf32>,
        %get3A_470 = vector.shape_cast %get3A_469 : vector<1x16xf32> to vector<16xf32>
        %add3A_471 = arith.addf %add3A_449, %get3A_470 : vector<16xf32>
        %get3A_472 = arith.index_cast %scan3A_466 : i32 to index
        %get3A_473 = arith.constant 16 : index
        %get3A_474 = tpu.vector_load %arg10[%get3A_472, %get3A_473] {strides = array<i32>} : memref<104x64xf32, #tpu.memory_space<vmem>>, vector<1x16xf32>,
        %get3A_475 = vector.shape_cast %get3A_474 : vector<1x16xf32> to vector<16xf32>
        %add3A_476 = arith.addf %add3A_454, %get3A_475 : vector<16xf32>
        %get3A_477 = arith.index_cast %scan3A_466 : i32 to index
        %get3A_478 = arith.constant 32 : index
        %get3A_479 = tpu.vector_load %arg10[%get3A_477, %get3A_478] {strides = array<i32>} : memref<104x64xf32, #tpu.memory_space<vmem>>, vector<1x16xf32>,
        %get3A_480 = vector.shape_cast %get3A_479 : vector<1x16xf32> to vector<16xf32>
        %add3A_481 = arith.addf %add3A_459, %get3A_480 : vector<16xf32>
        %get3A_482 = arith.index_cast %scan3A_466 : i32 to index
        %get3A_483 = arith.constant 48 : index
        %get3A_484 = tpu.vector_load %arg10[%get3A_482, %get3A_483] {strides = array<i32>} : memref<104x64xf32, #tpu.memory_space<vmem>>, vector<1x16xf32>,
        %get3A_485 = vector.shape_cast %get3A_484 : vector<1x16xf32> to vector<16xf32>
        %add3A_486 = arith.addf %add3A_464, %get3A_485 : vector<16xf32>
        %scan3A_487 = arith.constant 7 : i32
        %scan3A_488 = arith.addi %scan3A_331, %scan3A_487 : i32
        %get3A_489 = arith.index_cast %scan3A_488 : i32 to index
        %get3A_490 = arith.constant 0 : index
        %get3A_491 = tpu.vector_load %arg10[%get3A_489, %get3A_490] {strides = array<i32>} : memref<104x64xf32, #tpu.memory_space<vmem>>, vector<1x16xf32>,
        %get3A_492 = vector.shape_cast %get3A_491 : vector<1x16xf32> to vector<16xf32>
        %add3A_493 = arith.addf %add3A_471, %get3A_492 : vector<16xf32>
        %get3A_494 = arith.index_cast %scan3A_488 : i32 to index
        %get3A_495 = arith.constant 16 : index
        %get3A_496 = tpu.vector_load %arg10[%get3A_494, %get3A_495] {strides = array<i32>} : memref<104x64xf32, #tpu.memory_space<vmem>>, vector<1x16xf32>,
        %get3A_497 = vector.shape_cast %get3A_496 : vector<1x16xf32> to vector<16xf32>
        %add3A_498 = arith.addf %add3A_476, %get3A_497 : vector<16xf32>
        %get3A_499 = arith.index_cast %scan3A_488 : i32 to index
        %get3A_500 = arith.constant 32 : index
        %get3A_501 = tpu.vector_load %arg10[%get3A_499, %get3A_500] {strides = array<i32>} : memref<104x64xf32, #tpu.memory_space<vmem>>, vector<1x16xf32>,
        %get3A_502 = vector.shape_cast %get3A_501 : vector<1x16xf32> to vector<16xf32>
        %add3A_503 = arith.addf %add3A_481, %get3A_502 : vector<16xf32>
        %get3A_504 = arith.index_cast %scan3A_488 : i32 to index
        %get3A_505 = arith.constant 48 : index
        %get3A_506 = tpu.vector_load %arg10[%get3A_504, %get3A_505] {strides = array<i32>} : memref<104x64xf32, #tpu.memory_space<vmem>>, vector<1x16xf32>,
        %get3A_507 = vector.shape_cast %get3A_506 : vector<1x16xf32> to vector<16xf32>
        %add3A_508 = arith.addf %add3A_486, %get3A_507 : vector<16xf32>
        scf.yield %add3A_493, %add3A_498, %add3A_503, %add3A_508 : vector<16xf32>, vector<16xf32>, vector<16xf32>, vector<16xf32>
      }
      %scan3A_285 = arith.constant 104 : i32
      %scan3A_286 = arith.constant 0 : i32
      %scan3A_287 = arith.constant 96 : i32
      %scan3A_288 = arith.addi %scan3A_286, %scan3A_287 : i32
      %scan3A_289 = arith.constant 8 : i32
      %scan3A_290:4 = scf.for %scan3A_331 = %scan3A_286 to %scan3A_288 step %scan3A_289 iter_args(%scan3A_332 = %scan3A_284#0, %scan3A_333 = %scan3A_284#1, %scan3A_334 = %scan3A_284#2, %scan3A_335 = %scan3A_284#3) -> (vector<16xf32>, vector<16xf32>, vector<16xf32>, vector<16xf32>)  : i32 {
        %get3A = arith.index_cast %scan3A_331 : i32 to index
        %get3A_336 = arith.constant 0 : index
        %get3A_337 = tpu.vector_load %arg14[%get3A, %get3A_336] {strides = array<i32>} : memref<96x64xf32, #tpu.memory_space<vmem>>, vector<1x16xf32>,
        %get3A_338 = vector.shape_cast %get3A_337 : vector<1x16xf32> to vector<16xf32>
        %add3A_339 = arith.addf %scan3A_332, %get3A_338 : vector<16xf32>
        %get3A_340 = arith.index_cast %scan3A_331 : i32 to index
        %get3A_341 = arith.constant 16 : index
        %get3A_342 = tpu.vector_load %arg14[%get3A_340, %get3A_341] {strides = array<i32>} : memref<96x64xf32, #tpu.memory_space<vmem>>, vector<1x16xf32>,
        %get3A_343 = vector.shape_cast %get3A_342 : vector<1x16xf32> to vector<16xf32>
        %add3A_344 = arith.addf %scan3A_333, %get3A_343 : vector<16xf32>
        %get3A_345 = arith.index_cast %scan3A_331 : i32 to index
        %get3A_346 = arith.constant 32 : index
        %get3A_347 = tpu.vector_load %arg14[%get3A_345, %get3A_346] {strides = array<i32>} : memref<96x64xf32, #tpu.memory_space<vmem>>, vector<1x16xf32>,
        %get3A_348 = vector.shape_cast %get3A_347 : vector<1x16xf32> to vector<16xf32>
        %add3A_349 = arith.addf %scan3A_334, %get3A_348 : vector<16xf32>
        %get3A_350 = arith.index_cast %scan3A_331 : i32 to index
        %get3A_351 = arith.constant 48 : index
        %get3A_352 = tpu.vector_load %arg14[%get3A_350, %get3A_351] {strides = array<i32>} : memref<96x64xf32, #tpu.memory_space<vmem>>, vector<1x16xf32>,
        %get3A_353 = vector.shape_cast %get3A_352 : vector<1x16xf32> to vector<16xf32>
        %add3A_354 = arith.addf %scan3A_335, %get3A_353 : vector<16xf32>
        %scan3A_355 = arith.constant 1 : i32
        %scan3A_356 = arith.addi %scan3A_331, %scan3A_355 : i32
        %get3A_357 = arith.index_cast %scan3A_356 : i32 to index
        %get3A_358 = arith.constant 0 : index
        %get3A_359 = tpu.vector_load %arg14[%get3A_357, %get3A_358] {strides = array<i32>} : memref<96x64xf32, #tpu.memory_space<vmem>>, vector<1x16xf32>,
        %get3A_360 = vector.shape_cast %get3A_359 : vector<1x16xf32> to vector<16xf32>
        %add3A_361 = arith.addf %add3A_339, %get3A_360 : vector<16xf32>
        %get3A_362 = arith.index_cast %scan3A_356 : i32 to index
        %get3A_363 = arith.constant 16 : index
        %get3A_364 = tpu.vector_load %arg14[%get3A_362, %get3A_363] {strides = array<i32>} : memref<96x64xf32, #tpu.memory_space<vmem>>, vector<1x16xf32>,
        %get3A_365 = vector.shape_cast %get3A_364 : vector<1x16xf32> to vector<16xf32>
        %add3A_366 = arith.addf %add3A_344, %get3A_365 : vector<16xf32>
        %get3A_367 = arith.index_cast %scan3A_356 : i32 to index
        %get3A_368 = arith.constant 32 : index
        %get3A_369 = tpu.vector_load %arg14[%get3A_367, %get3A_368] {strides = array<i32>} : memref<96x64xf32, #tpu.memory_space<vmem>>, vector<1x16xf32>,
        %get3A_370 = vector.shape_cast %get3A_369 : vector<1x16xf32> to vector<16xf32>
        %add3A_371 = arith.addf %add3A_349, %get3A_370 : vector<16xf32>
        %get3A_372 = arith.index_cast %scan3A_356 : i32 to index
        %get3A_373 = arith.constant 48 : index
        %get3A_374 = tpu.vector_load %arg14[%get3A_372, %get3A_373] {strides = array<i32>} : memref<96x64xf32, #tpu.memory_space<vmem>>, vector<1x16xf32>,
        %get3A_375 = vector.shape_cast %get3A_374 : vector<1x16xf32> to vector<16xf32>
        %add3A_376 = arith.addf %add3A_354, %get3A_375 : vector<16xf32>
        %scan3A_377 = arith.constant 2 : i32
        %scan3A_378 = arith.addi %scan3A_331, %scan3A_377 : i32
        %get3A_379 = arith.index_cast %scan3A_378 : i32 to index
        %get3A_380 = arith.constant 0 : index
        %get3A_381 = tpu.vector_load %arg14[%get3A_379, %get3A_380] {strides = array<i32>} : memref<96x64xf32, #tpu.memory_space<vmem>>, vector<1x16xf32>,
        %get3A_382 = vector.shape_cast %get3A_381 : vector<1x16xf32> to vector<16xf32>
        %add3A_383 = arith.addf %add3A_361, %get3A_382 : vector<16xf32>
        %get3A_384 = arith.index_cast %scan3A_378 : i32 to index
        %get3A_385 = arith.constant 16 : index
        %get3A_386 = tpu.vector_load %arg14[%get3A_384, %get3A_385] {strides = array<i32>} : memref<96x64xf32, #tpu.memory_space<vmem>>, vector<1x16xf32>,
        %get3A_387 = vector.shape_cast %get3A_386 : vector<1x16xf32> to vector<16xf32>
        %add3A_388 = arith.addf %add3A_366, %get3A_387 : vector<16xf32>
        %get3A_389 = arith.index_cast %scan3A_378 : i32 to index
        %get3A_390 = arith.constant 32 : index
        %get3A_391 = tpu.vector_load %arg14[%get3A_389, %get3A_390] {strides = array<i32>} : memref<96x64xf32, #tpu.memory_space<vmem>>, vector<1x16xf32>,
        %get3A_392 = vector.shape_cast %get3A_391 : vector<1x16xf32> to vector<16xf32>
        %add3A_393 = arith.addf %add3A_371, %get3A_392 : vector<16xf32>
        %get3A_394 = arith.index_cast %scan3A_378 : i32 to index
        %get3A_395 = arith.constant 48 : index
        %get3A_396 = tpu.vector_load %arg14[%get3A_394, %get3A_395] {strides = array<i32>} : memref<96x64xf32, #tpu.memory_space<vmem>>, vector<1x16xf32>,
        %get3A_397 = vector.shape_cast %get3A_396 : vector<1x16xf32> to vector<16xf32>
        %add3A_398 = arith.addf %add3A_376, %get3A_397 : vector<16xf32>
        %scan3A_399 = arith.constant 3 : i32
        %scan3A_400 = arith.addi %scan3A_331, %scan3A_399 : i32
        %get3A_401 = arith.index_cast %scan3A_400 : i32 to index
        %get3A_402 = arith.constant 0 : index
        %get3A_403 = tpu.vector_load %arg14[%get3A_401, %get3A_402] {strides = array<i32>} : memref<96x64xf32, #tpu.memory_space<vmem>>, vector<1x16xf32>,
        %get3A_404 = vector.shape_cast %get3A_403 : vector<1x16xf32> to vector<16xf32>
        %add3A_405 = arith.addf %add3A_383, %get3A_404 : vector<16xf32>
        %get3A_406 = arith.index_cast %scan3A_400 : i32 to index
        %get3A_407 = arith.constant 16 : index
        %get3A_408 = tpu.vector_load %arg14[%get3A_406, %get3A_407] {strides = array<i32>} : memref<96x64xf32, #tpu.memory_space<vmem>>, vector<1x16xf32>,
        %get3A_409 = vector.shape_cast %get3A_408 : vector<1x16xf32> to vector<16xf32>
        %add3A_410 = arith.addf %add3A_388, %get3A_409 : vector<16xf32>
        %get3A_411 = arith.index_cast %scan3A_400 : i32 to index
        %get3A_412 = arith.constant 32 : index
        %get3A_413 = tpu.vector_load %arg14[%get3A_411, %get3A_412] {strides = array<i32>} : memref<96x64xf32, #tpu.memory_space<vmem>>, vector<1x16xf32>,
        %get3A_414 = vector.shape_cast %get3A_413 : vector<1x16xf32> to vector<16xf32>
        %add3A_415 = arith.addf %add3A_393, %get3A_414 : vector<16xf32>
        %get3A_416 = arith.index_cast %scan3A_400 : i32 to index
        %get3A_417 = arith.constant 48 : index
        %get3A_418 = tpu.vector_load %arg14[%get3A_416, %get3A_417] {strides = array<i32>} : memref<96x64xf32, #tpu.memory_space<vmem>>, vector<1x16xf32>,
        %get3A_419 = vector.shape_cast %get3A_418 : vector<1x16xf32> to vector<16xf32>
        %add3A_420 = arith.addf %add3A_398, %get3A_419 : vector<16xf32>
        %scan3A_421 = arith.constant 4 : i32
        %scan3A_422 = arith.addi %scan3A_331, %scan3A_421 : i32
        %get3A_423 = arith.index_cast %scan3A_422 : i32 to index
        %get3A_424 = arith.constant 0 : index
        %get3A_425 = tpu.vector_load %arg14[%get3A_423, %get3A_424] {strides = array<i32>} : memref<96x64xf32, #tpu.memory_space<vmem>>, vector<1x16xf32>,
        %get3A_426 = vector.shape_cast %get3A_425 : vector<1x16xf32> to vector<16xf32>
        %add3A_427 = arith.addf %add3A_405, %get3A_426 : vector<16xf32>
        %get3A_428 = arith.index_cast %scan3A_422 : i32 to index
        %get3A_429 = arith.constant 16 : index
        %get3A_430 = tpu.vector_load %arg14[%get3A_428, %get3A_429] {strides = array<i32>} : memref<96x64xf32, #tpu.memory_space<vmem>>, vector<1x16xf32>,
        %get3A_431 = vector.shape_cast %get3A_430 : vector<1x16xf32> to vector<16xf32>
        %add3A_432 = arith.addf %add3A_410, %get3A_431 : vector<16xf32>
        %get3A_433 = arith.index_cast %scan3A_422 : i32 to index
        %get3A_434 = arith.constant 32 : index
        %get3A_435 = tpu.vector_load %arg14[%get3A_433, %get3A_434] {strides = array<i32>} : memref<96x64xf32, #tpu.memory_space<vmem>>, vector<1x16xf32>,
        %get3A_436 = vector.shape_cast %get3A_435 : vector<1x16xf32> to vector<16xf32>
        %add3A_437 = arith.addf %add3A_415, %get3A_436 : vector<16xf32>
        %get3A_438 = arith.index_cast %scan3A_422 : i32 to index
        %get3A_439 = arith.constant 48 : index
        %get3A_440 = tpu.vector_load %arg14[%get3A_438, %get3A_439] {strides = array<i32>} : memref<96x64xf32, #tpu.memory_space<vmem>>, vector<1x16xf32>,
        %get3A_441 = vector.shape_cast %get3A_440 : vector<1x16xf32> to vector<16xf32>
        %add3A_442 = arith.addf %add3A_420, %get3A_441 : vector<16xf32>
        %scan3A_443 = arith.constant 5 : i32
        %scan3A_444 = arith.addi %scan3A_331, %scan3A_443 : i32
        %get3A_445 = arith.index_cast %scan3A_444 : i32 to index
        %get3A_446 = arith.constant 0 : index
        %get3A_447 = tpu.vector_load %arg14[%get3A_445, %get3A_446] {strides = array<i32>} : memref<96x64xf32, #tpu.memory_space<vmem>>, vector<1x16xf32>,
        %get3A_448 = vector.shape_cast %get3A_447 : vector<1x16xf32> to vector<16xf32>
        %add3A_449 = arith.addf %add3A_427, %get3A_448 : vector<16xf32>
        %get3A_450 = arith.index_cast %scan3A_444 : i32 to index
        %get3A_451 = arith.constant 16 : index
        %get3A_452 = tpu.vector_load %arg14[%get3A_450, %get3A_451] {strides = array<i32>} : memref<96x64xf32, #tpu.memory_space<vmem>>, vector<1x16xf32>,
        %get3A_453 = vector.shape_cast %get3A_452 : vector<1x16xf32> to vector<16xf32>
        %add3A_454 = arith.addf %add3A_432, %get3A_453 : vector<16xf32>
        %get3A_455 = arith.index_cast %scan3A_444 : i32 to index
        %get3A_456 = arith.constant 32 : index
        %get3A_457 = tpu.vector_load %arg14[%get3A_455, %get3A_456] {strides = array<i32>} : memref<96x64xf32, #tpu.memory_space<vmem>>, vector<1x16xf32>,
        %get3A_458 = vector.shape_cast %get3A_457 : vector<1x16xf32> to vector<16xf32>
        %add3A_459 = arith.addf %add3A_437, %get3A_458 : vector<16xf32>
        %get3A_460 = arith.index_cast %scan3A_444 : i32 to index
        %get3A_461 = arith.constant 48 : index
        %get3A_462 = tpu.vector_load %arg14[%get3A_460, %get3A_461] {strides = array<i32>} : memref<96x64xf32, #tpu.memory_space<vmem>>, vector<1x16xf32>,
        %get3A_463 = vector.shape_cast %get3A_462 : vector<1x16xf32> to vector<16xf32>
        %add3A_464 = arith.addf %add3A_442, %get3A_463 : vector<16xf32>
        %scan3A_465 = arith.constant 6 : i32
        %scan3A_466 = arith.addi %scan3A_331, %scan3A_465 : i32
        %get3A_467 = arith.index_cast %scan3A_466 : i32 to index
        %get3A_468 = arith.constant 0 : index
        %get3A_469 = tpu.vector_load %arg14[%get3A_467, %get3A_468] {strides = array<i32>} : memref<96x64xf32, #tpu.memory_space<vmem>>, vector<1x16xf32>,
        %get3A_470 = vector.shape_cast %get3A_469 : vector<1x16xf32> to vector<16xf32>
        %add3A_471 = arith.addf %add3A_449, %get3A_470 : vector<16xf32>
        %get3A_472 = arith.index_cast %scan3A_466 : i32 to index
        %get3A_473 = arith.constant 16 : index
        %get3A_474 = tpu.vector_load %arg14[%get3A_472, %get3A_473] {strides = array<i32>} : memref<96x64xf32, #tpu.memory_space<vmem>>, vector<1x16xf32>,
        %get3A_475 = vector.shape_cast %get3A_474 : vector<1x16xf32> to vector<16xf32>
        %add3A_476 = arith.addf %add3A_454, %get3A_475 : vector<16xf32>
        %get3A_477 = arith.index_cast %scan3A_466 : i32 to index
        %get3A_478 = arith.constant 32 : index
        %get3A_479 = tpu.vector_load %arg14[%get3A_477, %get3A_478] {strides = array<i32>} : memref<96x64xf32, #tpu.memory_space<vmem>>, vector<1x16xf32>,
        %get3A_480 = vector.shape_cast %get3A_479 : vector<1x16xf32> to vector<16xf32>
        %add3A_481 = arith.addf %add3A_459, %get3A_480 : vector<16xf32>
        %get3A_482 = arith.index_cast %scan3A_466 : i32 to index
        %get3A_483 = arith.constant 48 : index
        %get3A_484 = tpu.vector_load %arg14[%get3A_482, %get3A_483] {strides = array<i32>} : memref<96x64xf32, #tpu.memory_space<vmem>>, vector<1x16xf32>,
        %get3A_485 = vector.shape_cast %get3A_484 : vector<1x16xf32> to vector<16xf32>
        %add3A_486 = arith.addf %add3A_464, %get3A_485 : vector<16xf32>
        %scan3A_487 = arith.constant 7 : i32
        %scan3A_488 = arith.addi %scan3A_331, %scan3A_487 : i32
        %get3A_489 = arith.index_cast %scan3A_488 : i32 to index
        %get3A_490 = arith.constant 0 : index
        %get3A_491 = tpu.vector_load %arg14[%get3A_489, %get3A_490] {strides = array<i32>} : memref<96x64xf32, #tpu.memory_space<vmem>>, vector<1x16xf32>,
        %get3A_492 = vector.shape_cast %get3A_491 : vector<1x16xf32> to vector<16xf32>
        %add3A_493 = arith.addf %add3A_471, %get3A_492 : vector<16xf32>
        %get3A_494 = arith.index_cast %scan3A_488 : i32 to index
        %get3A_495 = arith.constant 16 : index
        %get3A_496 = tpu.vector_load %arg14[%get3A_494, %get3A_495] {strides = array<i32>} : memref<96x64xf32, #tpu.memory_space<vmem>>, vector<1x16xf32>,
        %get3A_497 = vector.shape_cast %get3A_496 : vector<1x16xf32> to vector<16xf32>
        %add3A_498 = arith.addf %add3A_476, %get3A_497 : vector<16xf32>
        %get3A_499 = arith.index_cast %scan3A_488 : i32 to index
        %get3A_500 = arith.constant 32 : index
        %get3A_501 = tpu.vector_load %arg14[%get3A_499, %get3A_500] {strides = array<i32>} : memref<96x64xf32, #tpu.memory_space<vmem>>, vector<1x16xf32>,
        %get3A_502 = vector.shape_cast %get3A_501 : vector<1x16xf32> to vector<16xf32>
        %add3A_503 = arith.addf %add3A_481, %get3A_502 : vector<16xf32>
        %get3A_504 = arith.index_cast %scan3A_488 : i32 to index
        %get3A_505 = arith.constant 48 : index
        %get3A_506 = tpu.vector_load %arg14[%get3A_504, %get3A_505] {strides = array<i32>} : memref<96x64xf32, #tpu.memory_space<vmem>>, vector<1x16xf32>,
        %get3A_507 = vector.shape_cast %get3A_506 : vector<1x16xf32> to vector<16xf32>
        %add3A_508 = arith.addf %add3A_486, %get3A_507 : vector<16xf32>
        scf.yield %add3A_493, %add3A_498, %add3A_503, %add3A_508 : vector<16xf32>, vector<16xf32>, vector<16xf32>, vector<16xf32>
      }
      %scan3A_291 = arith.constant 96 : i32
      %add3A_292 = arith.constant 4 : i32
      %add3A_293 = arith.addi %add3A_265, %add3A_292 : i32
      %lt3A_294 = arith.constant 128 : i32
      %lt3A_295 = arith.cmpi slt, %add3A_293, %lt3A_294 : i32
      %convert_element_type3A_296 = arith.extui %lt3A_295 : i1 to i32
      %cond3A_297 = arith.constant 0 : i32
      %cond3A_298 = arith.cmpi ne, %convert_element_type3A_296, %cond3A_297 : i32
      scf.if %cond3A_298 {
        %add3A_331 = arith.constant 4 : i32
        %add3A_332 = arith.addi %add3A_265, %add3A_331 : i32
        %dma_start3A_333 = arith.constant 0 : i32
        %dma_start3A_334 = tpu.memref_slice %arg5[%add3A_332, %dma_start3A_333] : memref<128x200xi32, #tpu.memory_space<vmem>> -> memref<1x104xi32, #tpu.memory_space<vmem>>
        %dma_start3A_335 = tpu.memref_squeeze %dma_start3A_334 : memref<1x104xi32, #tpu.memory_space<vmem>> -> memref<104xi32, #tpu.memory_space<vmem>>
        %dma_start3A_336 = arith.constant 0 : i32
        %dma_start3A_337 = arith.constant 0 : i32
        %dma_start3A_338 = tpu.memref_slice %arg3[%dma_start3A_336, %dma_start3A_337] : memref<1000000x64xf32, #tpu.memory_space<hbm>> -> memref<1000000x64xf32, #tpu.memory_space<hbm>>
        tpu.enqueue_indirect_dma source(%dma_start3A_338 : memref<1000000x64xf32, #tpu.memory_space<hbm>>) target(%arg10 : memref<104x64xf32, #tpu.memory_space<vmem>>) offsets(%dma_start3A_335 : memref<104xi32, #tpu.memory_space<vmem>>) semaphore(%arg18 : memref<!tpu.dma_semaphore, #tpu.memory_space<semaphore_mem>>)
        %dma_start3A_339 = arith.constant 104 : i32
        %dma_start3A_340 = tpu.memref_slice %arg5[%add3A_332, %dma_start3A_339] : memref<128x200xi32, #tpu.memory_space<vmem>> -> memref<1x96xi32, #tpu.memory_space<vmem>>
        %dma_start3A_341 = tpu.memref_squeeze %dma_start3A_340 : memref<1x96xi32, #tpu.memory_space<vmem>> -> memref<96xi32, #tpu.memory_space<vmem>>
        %dma_start3A_342 = arith.constant 0 : i32
        %dma_start3A_343 = arith.constant 0 : i32
        %dma_start3A_344 = tpu.memref_slice %arg3[%dma_start3A_342, %dma_start3A_343] : memref<1000000x64xf32, #tpu.memory_space<hbm>> -> memref<1000000x64xf32, #tpu.memory_space<hbm>>
        tpu.enqueue_indirect_dma source(%dma_start3A_344 : memref<1000000x64xf32, #tpu.memory_space<hbm>>) target(%arg14 : memref<96x64xf32, #tpu.memory_space<vmem>>) offsets(%dma_start3A_341 : memref<96xi32, #tpu.memory_space<vmem>>) semaphore(%arg22 : memref<!tpu.dma_semaphore, #tpu.memory_space<semaphore_mem>>)
      } else {
      }
      %mul3A_299 = arith.constant 5.000000e-03 : f32
      %mul3A_300 = vector.broadcast %mul3A_299 : f32 to vector<16xf32>
      %mul3A_301 = arith.mulf %scan3A_290#0, %mul3A_300 : vector<16xf32>
      %swap3A_302 = arith.index_cast %add3A_265 : i32 to index
      %swap3A_303 = arith.constant 0 : index
      %swap3A_304 = tpu.vector_load %arg6[%swap3A_302, %swap3A_303] {strides = array<i32>} : memref<128x64xf32, #tpu.memory_space<vmem>>, vector<1x16xf32>,
      %swap3A_305 = vector.shape_cast %swap3A_304 : vector<1x16xf32> to vector<16xf32>
      %swap3A_306 = vector.shape_cast %mul3A_301 : vector<16xf32> to vector<1x16xf32>
      tpu.vector_store %arg6[%swap3A_302, %swap3A_303], %swap3A_306 {strides = array<i32>} : memref<128x64xf32, #tpu.memory_space<vmem>>, vector<1x16xf32>,
      %mul3A_307 = arith.constant 5.000000e-03 : f32
      %mul3A_308 = vector.broadcast %mul3A_307 : f32 to vector<16xf32>
      %mul3A_309 = arith.mulf %scan3A_290#1, %mul3A_308 : vector<16xf32>
      %swap3A_310 = arith.index_cast %add3A_265 : i32 to index
      %swap3A_311 = arith.constant 16 : index
      %swap3A_312 = tpu.vector_load %arg6[%swap3A_310, %swap3A_311] {strides = array<i32>} : memref<128x64xf32, #tpu.memory_space<vmem>>, vector<1x16xf32>,
      %swap3A_313 = vector.shape_cast %swap3A_312 : vector<1x16xf32> to vector<16xf32>
      %swap3A_314 = vector.shape_cast %mul3A_309 : vector<16xf32> to vector<1x16xf32>
      tpu.vector_store %arg6[%swap3A_310, %swap3A_311], %swap3A_314 {strides = array<i32>} : memref<128x64xf32, #tpu.memory_space<vmem>>, vector<1x16xf32>,
      %mul3A_315 = arith.constant 5.000000e-03 : f32
      %mul3A_316 = vector.broadcast %mul3A_315 : f32 to vector<16xf32>
      %mul3A_317 = arith.mulf %scan3A_290#2, %mul3A_316 : vector<16xf32>
      %swap3A_318 = arith.index_cast %add3A_265 : i32 to index
      %swap3A_319 = arith.constant 32 : index
      %swap3A_320 = tpu.vector_load %arg6[%swap3A_318, %swap3A_319] {strides = array<i32>} : memref<128x64xf32, #tpu.memory_space<vmem>>, vector<1x16xf32>,
      %swap3A_321 = vector.shape_cast %swap3A_320 : vector<1x16xf32> to vector<16xf32>
      %swap3A_322 = vector.shape_cast %mul3A_317 : vector<16xf32> to vector<1x16xf32>
      tpu.vector_store %arg6[%swap3A_318, %swap3A_319], %swap3A_322 {strides = array<i32>} : memref<128x64xf32, #tpu.memory_space<vmem>>, vector<1x16xf32>,
      %mul3A_323 = arith.constant 5.000000e-03 : f32
      %mul3A_324 = vector.broadcast %mul3A_323 : f32 to vector<16xf32>
      %mul3A_325 = arith.mulf %scan3A_290#3, %mul3A_324 : vector<16xf32>
      %swap3A_326 = arith.index_cast %add3A_265 : i32 to index
      %swap3A_327 = arith.constant 48 : index
      %swap3A_328 = tpu.vector_load %arg6[%swap3A_326, %swap3A_327] {strides = array<i32>} : memref<128x64xf32, #tpu.memory_space<vmem>>, vector<1x16xf32>,
      %swap3A_329 = vector.shape_cast %swap3A_328 : vector<1x16xf32> to vector<16xf32>
      %swap3A_330 = vector.shape_cast %mul3A_325 : vector<16xf32> to vector<1x16xf32>
      tpu.vector_store %arg6[%swap3A_326, %swap3A_327], %swap3A_330 {strides = array<i32>} : memref<128x64xf32, #tpu.memory_space<vmem>>, vector<1x16xf32>,
    }
    %scan3A_62 = arith.constant 32 : i32
    "tpu.region"() ({
      %run_scoped3A = tpu.sem_alloc : memref<!tpu.dma_semaphore, #tpu.memory_space<semaphore_mem>>
      %dma_start3A_63 = arith.constant 0 : i32
      %dma_start3A_64 = tpu.memref_slice %arg4[%mul3A_2, %dma_start3A_63] : memref<4096x64xf32, #tpu.memory_space<hbm>> -> memref<128x64xf32, #tpu.memory_space<hbm>>
      %dma_start3A_65 = arith.constant 0 : i32
      %dma_start3A_66 = tpu.memref_slice %arg4[%mul3A_2, %dma_start3A_65] : memref<4096x64xf32, #tpu.memory_space<hbm>> -> memref<128x64xf32, #tpu.memory_space<hbm>>
      tpu.enqueue_dma source(%arg6 : memref<128x64xf32, #tpu.memory_space<vmem>>) target(%dma_start3A_66 : memref<128x64xf32, #tpu.memory_space<hbm>>) target_semaphore(%run_scoped3A : memref<!tpu.dma_semaphore, #tpu.memory_space<semaphore_mem>>)
      %dma_wait3A = arith.constant 0 : i32
      %dma_wait3A_67 = tpu.memref_slice %arg4[%mul3A_2, %dma_wait3A] : memref<4096x64xf32, #tpu.memory_space<hbm>> -> memref<128x64xf32, #tpu.memory_space<hbm>>
      %dma_wait3A_68 = arith.constant 0 : i32
      %dma_wait3A_69 = tpu.memref_slice %arg4[%mul3A_2, %dma_wait3A_68] : memref<4096x64xf32, #tpu.memory_space<hbm>> -> memref<128x64xf32, #tpu.memory_space<hbm>>
      tpu.wait_dma2 semaphore(%run_scoped3A : memref<!tpu.dma_semaphore, #tpu.memory_space<semaphore_mem>>) src(%arg6 : memref<128x64xf32, #tpu.memory_space<vmem>>) dst(%dma_wait3A_69 : memref<128x64xf32, #tpu.memory_space<hbm>>)
      tpu.yield
    }) : () -> ()
    return
  }
}

</mosaic_0001>

<sc_bundles>
// kernel: _emb_mean.3.cloned.1.call-start
scs
__scs_entry_jumppad:
0x0: {  	(pc) =	sbr.rel $0x88, $3  }
0x1: {  	(tag) =	ssettag $0x0;
	lr =	simm.s32 $0x1  }
0x2: {  	[smem:$0x3F9F] =	sst lr;
	_ =	strace $0xD0000000  }
0x3: {  	_ = 	snop  }
0x4: {  	_ = 	snop  }
0x5: {  	_ = 	snop  }
0x6: {  	_ = 	snop  }
0x7: {  	_ = 	snop  }
__scs_overlays_trampoline_lowered:
0x8: {  	[smem:$0x3FAE] =	sst s0  }
0x9: {  	[smem:$0x3FAF] =	sst s1  }
0xa: {  	[smem:$0x3FB0] =	sst s2  }
0xb: {  	[smem:$0x3FB1] =	sst s3  }
0xc: {  	[smem:$0x3FB2] =	sst s4  }
0xd: {  	[smem:$0x3FB3] =	sst s5  }
0xe: {  	[smem:$0x3FB4] =	sst s6  }
0xf: {  	[smem:$0x3FB5] =	sst s7  }
0x10: {  	[smem:$0x3FB6] =	sst s8  }
0x11: {  	[smem:$0x3FB7] =	sst s9;
	s0 =	simm.s32 @!p0 $0x0  }
0x12: {  	s1 =	sld [smem:$0x3F9D];
	s0 =	simm.s32 @p0 $0x1  }
0x13: {  	[smem:$0x3FB8] =	sst s0;
	s0 =	simm.s32 @!p1 $0x0  }
0x14: {  	s2 =	sld [smem:$0x3F9C];
	s0 =	simm.s32 @p1 $0x1  }
0x15: {  	[smem:$0x3FB9] =	sst s0;
	s0 =	simm.s32 @!p2 $0x0  }
0x16: {  	s3 =	sld [smem:$0x3FDB];
	s0 =	simm.s32 @p2 $0x1  }
0x17: {  	s4 =	simm.s32 $0x1BF5;
	[smem:$0x3FBB] =	sst s0  }
0x18: {  	s0 =	sld [smem:$0x3F9E];
	_ =	swait.ge [sflag:s4], $0x0  }
0x19: {  	s7 =	sld [smem:$0x3F9F]  }
0x1a: {  	s8 =	sadd.s32 $0xFFFFE003, lr  }
0x1b: {  	s9 =	sadd.s32 $0xFFFFFEF7, lr;
	s5 =	simm.s32 $0xFFFFFFFF;
	p2 =	slt.u32 s8, $0xFFFFF086  }
0x1c: {  	p1 =	slt.u32 s9, $0xF7A;
	s5 =	simm.s32 @!p2 $0x0  }
0x1d: {  	s5 =	simm.s32 @p1 $0x1;
	p0 =	seq.s32 s7, s2  }
0x1e: {  	s7 =	smul.u32 @!p0 $0xF7A, s2;
	p2 =	seq.s32 @!p0 s5, $0x0  }
0x1f: {  	s9 =	smul.u32 $0xF7A, s1;
	s8 =	simm.s32 @!p0 $0x1BF5;
	p2 =	por !p2, p0  }
0x20: {  	[sflag:s8] =	ssyncset.s32 @!p0 $0xFFFFF086;
	s6 =	sadd.s32 @!p0 s3, s7;
	s7 =	simm.s32 @!p0 $0x108  }
0x21: {  	s3 =	sadd.s32 s3, s9;
	s6 =	sadd.s32 @!p0 $0x88, s6;
	s7 =	simm.s32 @p2 $0x1082  }
0x22: {  	[simem:s7], [sflag:s8] =	dma.local @!p0 [hbm:s6], $0xF7A  }
0x23: {  	s9 =	sor.u32 $0xD0000000, s2;
	s6 =	simm.s32 $0x108;
	_ =	swait.ge @!p0 [sflag:s8], $0x0  }
0x24: {  	s3 =	sadd.s32 $0x88, s3;
	s6 =	simm.s32 @!p1 $0x1082;
	[sflag:s4] =	ssyncset.s32 $0xFFFFF086  }
0x25: {  	[simem:s6], [sflag:s4] =	dma.local [hbm:s3], $0xF7A  }
0x26: {  	[smem:$0x3F9F] =	sst s1;
	(tag) =	ssettag s2;
	_ =	strace s9  }
0x27: {  	s1 =	sld [smem:$0x3FAF]  }
0x28: {  	s2 =	sld [smem:$0x3FB0]  }
0x29: {  	s4 =	sld [smem:$0x3FB2]  }
0x2a: {  	p0 =	seq.s32 s5, $0x0;
	s5 =	sld [smem:$0x3FB3]  }
0x2b: {  	s6 =	sld [smem:$0x3FB4]  }
0x2c: {  	s7 =	sld [smem:$0x3FB5]  }
0x2d: {  	s3 =	simm.s32 $0x108;
	s8 =	sld [smem:$0x3FB6]  }
0x2e: {  	s3 =	simm.s32 @!p0 $0x1082;
	s9 =	sld [smem:$0x3FB7]  }
0x2f: {  	lr =	sadd.s32 s0, s3;
	s0 =	sld [smem:$0x3FAE]  }
0x30: {  	s3 =	sld [smem:$0x3FB1]  }
0x31: {  	[smem:$0x3FBA] =	sst s10  }
0x32: {  	s10 =	sld [smem:$0x3FB8];
	_ =	sdelay $0x3  }
0x33: {  	p0 =	seq.s32 s10, $0x1;
	s10 =	sld [smem:$0x3FBA];
	_ =	sdelay $0x3  }
0x34: {  	[smem:$0x3FBA] =	sst s10  }
0x35: {  	s10 =	sld [smem:$0x3FB9];
	_ =	sdelay $0x3  }
0x36: {  	p1 =	seq.s32 s10, $0x1;
	s10 =	sld [smem:$0x3FBA];
	_ =	sdelay $0x3  }
0x37: {  	[smem:$0x3FBA] =	sst s10  }
0x38: {  	s10 =	sld [smem:$0x3FBB]  }
0x39: {  	_ = 	snop;
	(pc) =	sbr.ind lr, $3  }
0x3a: {  	_ = 	snop  }
0x3b: {  	_ = 	snop  }
0x3c: {  	p2 =	seq.s32 s10, $0x1;
	s10 =	sld [smem:$0x3FBA]  }
0x3d: {  	_ =	shalt  }
0x3e: {  	_ =	shalt  }
0x3f: {  	_ =	shalt  }
0x40: {  	_ =	shalt  }
0x41: {  	_ =	shalt  }
0x42: {  	_ =	shalt  }
0x43: {  	_ =	shalt  }
0x44: {  	_ =	shalt  }
0x45: {  	_ =	shalt  }
0x46: {  	_ =	shalt  }
0x47: {  	_ =	shalt  }
0x48: {  	_ =	shalt  }
0x49: {  	_ =	shalt  }
0x4a: {  	_ =	shalt  }
0x4b: {  	_ =	shalt  }
0x4c: {  	_ =	shalt  }
0x4d: {  	_ =	shalt  }
0x4e: {  	_ =	shalt  }
0x4f: {  	_ =	shalt  }
0x50: {  	_ =	shalt  }
0x51: {  	_ =	shalt  }
0x52: {  	_ =	shalt  }
0x53: {  	_ =	shalt  }
0x54: {  	_ =	shalt  }
0x55: {  	_ =	shalt  }
0x56: {  	_ =	shalt  }
0x57: {  	_ =	shalt  }
0x58: {  	_ =	shalt  }
0x59: {  	_ =	shalt  }
0x5a: {  	_ =	shalt  }
0x5b: {  	_ =	shalt  }
0x5c: {  	_ =	shalt  }
0x5d: {  	_ =	shalt  }
0x5e: {  	_ =	shalt  }
0x5f: {  	_ =	shalt  }
0x60: {  	_ =	shalt  }
0x61: {  	_ =	shalt  }
0x62: {  	_ =	shalt  }
0x63: {  	_ =	shalt  }
0x64: {  	_ =	shalt  }
0x65: {  	_ =	shalt  }
0x66: {  	_ =	shalt  }
0x67: {  	_ =	shalt  }
0x68: {  	_ =	shalt  }
0x69: {  	_ =	shalt  }
0x6a: {  	_ =	shalt  }
0x6b: {  	_ =	shalt  }
0x6c: {  	_ =	shalt  }
0x6d: {  	_ =	shalt  }
0x6e: {  	_ =	shalt  }
0x6f: {  	_ =	shalt  }
0x70: {  	_ =	shalt  }
0x71: {  	_ =	shalt  }
0x72: {  	_ =	shalt  }
0x73: {  	_ =	shalt  }
0x74: {  	_ =	shalt  }
0x75: {  	_ =	shalt  }
0x76: {  	_ =	shalt  }
0x77: {  	_ =	shalt  }
0x78: {  	_ =	shalt  }
0x79: {  	_ =	shalt  }
0x7a: {  	_ =	shalt  }
0x7b: {  	_ =	shalt  }
0x7c: {  	_ =	shalt  }
0x7d: {  	_ =	shalt  }
0x7e: {  	_ =	shalt  }
0x7f: {  	_ =	shalt  }
0x80: {  	_ =	shalt  }
0x81: {  	_ =	shalt  }
0x82: {  	_ =	shalt  }
0x83: {  	_ =	shalt  }
0x84: {  	_ =	shalt  }
0x85: {  	_ =	shalt  }
0x86: {  	_ =	shalt  }
0x87: {  	_ =	shalt  }
.Lfunc_end0:
.L_simem_size_0:
called_computation_lowered:
.L_overlay_start_0:
0x88: {  	s2 =	sld [smem:$0x3FD9]  }
0x89: {  	s3 =	sld [smem:$0x3FFE];
	_ =	sdelay $0x1  }
0x8a: {  	s1 =	srdreg.scid  }
0x8b: {  	s0 =	sand.u32 $0x1, s1  }
0x8c: {  	s17 =	sshll.u32 s0, $0xA;
	s2 =	sadd.s32 s3, s2  }
0x8d: {  	s2 =	sadd.s32 s2, s17  }
0x8e: {  	[smem:$0x3FC6] =	sst s2  }
0x8f: {  	_ = 	snop  }
0x90: {  	s2 =	sld [smem:$0x3FD0];
	(tm) =	ssettm $0x1  }
0x91: {  	s18 =	sld [smem:$0x3FFB];
	_ =	sdelay $0x3  }
0x92: {  	_ =	strace s18  }
0x93: {  	s3 =	sld [smem:$0x3FFC];
	_ =	sdelay $0x3  }
0x94: {  	_ =	strace s3  }
0x95: {  	s3 =	sld [smem:$0x3FFD];
	_ =	sdelay $0x3  }
0x96: {  	_ =	strace s3  }
0x97: {  	_ =	strace $0x8FFFFFFF  }
0x98: {  	s19 =	sld [smem:$0x3FDB];
	_ =	sdelay $0x1  }
0x99: {  	s4 =	simm.s32 $_scs_section_size  }
0x9a: {  	s5 =	simm.s32 $_size__tile_overlayer_lowered;
	s6 =	simm.s32 $_tile_overlayer_lowered  }
0x9b: {  	s22 =	simm.s32 $0x1BFF;
	s21 =	sshll.u32 s6, $0x1;
	s3 =	sadd.s32 s4, s19  }
0x9c: {  	s7 =	simm.s32 $0x0;
	s20 =	sshll.u32 s5, $0x1;
	s5 =	sadd.s32 s21, s3  }
0x9d: {  	[timem:s7], [sflag:s22] =	dma.local [hbm:s5], s20  }
0x9e: {  	_ =	swait.ge [sflag:s22], s20  }
0x9f: {  	s4 =	ssub.s32 $0x0, s20;
	[sflag:s22] =	ssyncset.done $0x0  }
0xa0: {  	[sflag:s22] =	ssyncadd.s32 s4;
	_ =	sdelay $0x1  }
0xa1: {  	s23 =	simm.s32 $0x1B8B  }
0xa2: {  	_ =	swait.ge [sflag:s23], $0x1  }
0xa3: {  	[sflag:s23] =	ssyncset.done $0x0  }
0xa4: {  	s25 =	simm.s32 $0x1B8E;
	s24 =	sld [smem:$0x3FFE];
	[sflag:s23] =	ssyncadd.s32 $0xFFFFFFFF  }
0xa5: {  	s26 =	simm.s32 $execute0_lowered;
	[smem:$0x3FD2] =	sst s25  }
0xa6: {  	s5 =	sshll.u32 s26, $0x1;
	_ =	strace $0x80000046;
	[dreg:$0x1] =	wrdreg $0xFFFFFFFF  }
0xa7: {  	s28 =	simm.s32 $_size_execute0_lowered;
	s3 =	sadd.s32 s3, s5;
	[dreg:$0x0] =	wrdreg $0x0  }
0xa8: {  	s5 =	sshll.u32 s28, $0x1;
	[dreg:$0x2] =	wrdreg s3  }
0xa9: {  	[dreg:$0x3] =	wrdreg s5  }
0xaa: {  	[dreg:$0x4] =	wrdreg $0xC0  }
0xab: {  	_ =	task [dreg:s7], $0x5FFFF  }
0xac: {  	[dreg:$0x1] =	wrdreg $0xFFFFFFFF  }
0xad: {  	[dreg:$0x0] =	wrdreg $0x60  }
0xae: {  	[dreg:$0x2] =	wrdreg s24  }
0xaf: {  	[dreg:$0x3] =	wrdreg s2  }
0xb0: {  	[dreg:$0x4] =	wrdreg $0x9  }
0xb1: {  	_ =	task.clear_ibuf [dreg:s7], $0x5FFFF;
	_ =	strace $0x90000046  }
0xb2: {  	s29 =	simm.s32 $0x9;
	_ =	strace $0x80000048  }
0xb3: {  	_ =	swait.ge [sflag:s29], $0x1  }
0xb4: {  	[sflag:s29] =	ssyncadd.s32 $0xFFFFFFFF  }
0xb5: {  	_ =	strace $0x90000048  }
0xb6: {  	_ =	sfence  }
0xb7: {  	s30 =	sld [smem:$0x0];
	_ =	sdelay $0x2  }
0xb8: {  	s31 =	sshll.u32 s1, $0xD;
	s1 =	sshrl.u32 s1, $0x2  }
0xb9: {  	s3 =	sand.u32 $0x4000, s31;
	s1 =	sadd.s32 s1, s30  }
0xba: {  	s0 =	sor.u32 s3, s0;
	s1 =	sshll.u32 s1, $0x11  }
0xbb: {  	s0 =	sor.u32 s1, s0  }
0xbc: {  	s0 =	sadd.s32 $0x8F2B, s0  }
0xbd: {  	[sflag:s0] =	ssyncadd.remote.s32 $0x1  }
0xbe: {  	_ =	sfence.sel $0xFFFF  }
0xbf: {  	[dreg:$0x0] =	wrdreg $0xFFFFFFFF;
	(pc) =	sbr.abs _section_cstart, $3  }
0xc0: {  	[dreg:$0x1] =	wrdreg $0xFFFFFFFF  }
0xc1: {  	_ =	task.clear_ibuf [dreg:s7], $0x2FFFF;
	_ =	strace $0x9FFFFFFF  }
0xc2: {  	(tm) =	ssettm $0x7FFFFFFF  }
0xc3: {  	_ =	shalt  }
tec
execute0_lowered:
.L_overlay_start_1:
0x0: {  	(tag) =	ssettag $0x1  }
0x1: {  	s0 =	srdreg.scid;
	s1 =	rddreg [dreg:$0x0]  }
0x2: {  	s2 =	stileid.u32;
	s5 =	rddreg [dreg:$0x1];
	s8 =	simm.s32 $0x68  }
0x3: {  	s10 =	simm.s32 $0x60;
	s17 =	simm.s32 $0xB800;
	s18 =	simm.s32 $0x1F8  }
0x4: {  	s19 =	simm.s32 $0x11C00;
	s20 =	simm.s32 $0x258;
	s21 =	simm.s32 $0xD200  }
0x5: {  	s22 =	simm.s32 $0x2C0;
	s23 =	simm.s32 $0x13400;
	s24 =	simm.s32 $0x1  }
0x6: {  	s25 =	simm.s32 $0x5;
	s28 =	simm.s32 $0x6;
	s29 =	simm.s32 $0x3  }
0x7: {  	s30 =	simm.s32 $0x7;
	s31 =	simm.s32 $0x4;
	s0 =	sand.u32 $0x1, s0  }
0x8: {  	s9 =	simm.s32 $0x0;
	s2 =	sshll.u32 s2, $0x8;
	s3 =	sshll.u32 s0, $0x7  }
0x9: {  	s0 =	ssub.s32 $0x2, s0;
	s4 =	sor.u32 s3, s2;
	s2 =	simm.s32 $0x0  }
0xa: {  	s7 =	sshrl.u32 s0, $0x1;
	s3 =	smul.u32 $0x19, s4;
	[smem:$0x7FF] =	sst s2  }
0xb: {  	s0 =	ssub.s32 s0, s7;
	s26 =	sshll.u32 s4, $0x3;
	s7 =	simm.s32 $0x9  }
0xc: {  	_ =	strace $0x80000047;
	s5 =	sadd.s32 s5, s26;
	s26 =	simm.s32 $0x2  }
0xd: {  	s6 =	sadd.s32 s3, s1;
	s3 =	sadd.s32 $0xF42A00, s1;
	s1 =	simm.s32 $0x8  }
0xe: {  	s4 =	sadd.s32 $0x600, s6;
	s6 =	smax.u32 s0, $0x1;
	s0 =	simm.s32 $0x6400  }
.LBB2_1:
0xf: {  	[tilespmem:s2], [sflag:$0x9] =	stream.linear.gather [hbm4b:s4+s2], $0x6400, $0x38;
	[tilespmem:$0x14C00] =	vst v63  }
0x10: {  	_ =	swait.ge [sflag:s7], $0x6400  }
0x11: {  	[sflag:s7] =	ssyncset.done $0x0  }
0x12: {  	s11 =	simm.s32 $0x8400;
	[sflag:s7] =	ssyncadd.s32 $0xFFFF9C00  }
0x13: {  	[tilespmem:s11], [sflag:$0x1] =	stream.indirect.gather [hbm4b:s3+s8], $0x40, s2, s8, $0xb8;
	[tilespmem:$0x14C00] =	vst v63  }
0x14: {  	s12 =	simm.s32 $0xEC00  }
0x15: {  	[tilespmem:s12], [sflag:$0x5] =	stream.indirect.gather [hbm4b:s3+s10], $0x40, s8, s10, $0xb8;
	[tilespmem:$0x14C00] =	vst v63  }
0x16: {  	s13 =	simm.s32 $0xC8;
	s12 =	simm.s32 $0x9E00  }
0x17: {  	[tilespmem:s12], [sflag:$0x2] =	stream.indirect.gather [hbm4b:s3+s8], $0x40, s13, s8, $0xb8;
	[tilespmem:$0x14C00] =	vst v63  }
0x18: {  	s14 =	simm.s32 $0x130;
	s15 =	simm.s32 $0x10400  }
0x19: {  	[tilespmem:s15], [sflag:$0x6] =	stream.indirect.gather [hbm4b:s3+s10], $0x40, s14, s10, $0xb8;
	[tilespmem:$0x14C00] =	vst v63  }
0x1a: {  	s16 =	simm.s32 $0x190  }
0x1b: {  	[tilespmem:s17], [sflag:$0x3] =	stream.indirect.gather [hbm4b:s3+s8], $0x40, s16, s8, $0xb8;
	[tilespmem:$0x14C00] =	vst v63  }
0x1c: {  	_ = 	snop  }
0x1d: {  	[tilespmem:s19], [sflag:$0x7] =	stream.indirect.gather [hbm4b:s3+s10], $0x40, s18, s10, $0xb8;
	[tilespmem:$0x14C00] =	vst v63  }
0x1e: {  	_ = 	snop  }
0x1f: {  	[tilespmem:s21], [sflag:$0x4] =	stream.indirect.gather [hbm4b:s3+s8], $0x40, s20, s8, $0xb8;
	[tilespmem:$0x14C00] =	vst v63  }
0x20: {  	s11 =	simm.s32 $0x0  }
0x21: {  	[tilespmem:s23], [sflag:$0x8] =	stream.indirect.gather [hbm4b:s3+s10], $0x40, s22, s10, $0xb8;
	[tilespmem:$0x14C00] =	vst v63  }
.LBB2_2:
0x22: {  	_ =	swait.ge [sflag:s24], $0x1A00  }
0x23: {  	[sflag:s24] =	ssyncset.done $0x0  }
0x24: {  	[sflag:s24] =	ssyncadd.s32 $0xFFFFE600  }
0x25: {  	_ =	swait.ge [sflag:s25], $0x1800  }
0x26: {  	[sflag:s25] =	ssyncset.done $0x0  }
0x27: {  	s12 =	simm.s32 $0x8500;
	[sflag:s25] =	ssyncadd.s32 $0xFFFFE800  }
0x28: {  	v0 =	vld [tilespmem:s12+$0xC0]  }
0x29: {  	v1 =	vld [tilespmem:s12+$0xD0]  }
0x2a: {  	v3 =	vld [tilespmem:s12+$0x80]  }
0x2b: {  	v5 =	vld [tilespmem:s12+$0x90]  }
0x2c: {  	v2 =	vld [tilespmem:s12+$0x40]  }
0x2d: {  	v4 =	vld [tilespmem:s12+$0x50]  }
0x2e: {  	v6 =	vld [tilespmem:s12+$0x0]  }
0x2f: {  	v7 =	vld [tilespmem:s12+$0x10]  }
0x30: {  	v9 =	vld [tilespmem:s12+$0xFFFFFFC0]  }
0x31: {  	v10 =	vld [tilespmem:s12+$0xFFFFFFD0]  }
0x32: {  	v8 =	vld [tilespmem:s12+$0xFFFFFF80]  }
0x33: {  	v11 =	vld [tilespmem:s12+$0xFFFFFF90]  }
0x34: {  	v12 =	vld [tilespmem:s12+$0xFFFFFF40]  }
0x35: {  	v13 =	vld [tilespmem:s12+$0xFFFFFF50]  }
0x36: {  	v14 =	vld [tilespmem:s12+$0xFFFFFF00]  }
0x37: {  	v15 =	vld [tilespmem:s12+$0xFFFFFF10]  }
0x38: {  	v16 =	vld [tilespmem:s12+$0xFFFFFF20]  }
0x39: {  	v17 =	vld [tilespmem:s12+$0xFFFFFF30]  }
0x3a: {  	v18 =	vld [tilespmem:s12+$0xFFFFFF60]  }
0x3b: {  	v19 =	vld [tilespmem:s12+$0xFFFFFF70]  }
0x3c: {  	v20 =	vimm.f32 $0.0e+00;
	v21 =	vld [tilespmem:s12+$0xFFFFFFA0]  }
0x3d: {  	v22 =	vld [tilespmem:s12+$0xFFFFFFB0];
	v14 =	vadd.f32 v14, v20;
	v15 =	vadd.f32 v15, v20  }
0x3e: {  	v63 =	vld [tilespmem:s12+$0xFFFFFFE0];
	v16 =	vadd.f32 v16, v20;
	v17 =	vadd.f32 v17, v20  }
0x3f: {  	v12 =	vadd.f32 v12, v14;
	v13 =	vadd.f32 v13, v15;
	v14 =	vld [tilespmem:s12+$0xFFFFFFF0]  }
0x40: {  	v15 =	vadd.f32 v18, v16;
	v16 =	vadd.f32 v19, v17;
	v17 =	vld [tilespmem:s12+$0x20]  }
0x41: {  	v12 =	vadd.f32 v8, v12;
	v11 =	vadd.f32 v11, v13;
	v13 =	vld [tilespmem:s12+$0x30]  }
0x42: {  	v15 =	vadd.f32 v21, v15;
	v16 =	vadd.f32 v22, v16;
	v8 =	vld [tilespmem:s12+$0x60]  }
0x43: {  	v12 =	vadd.f32 v9, v12;
	v10 =	vadd.f32 v10, v11;
	v11 =	vld [tilespmem:s12+$0x70]  }
0x44: {  	v15 =	vadd.f32 v63, v15;
	v9 =	vld [tilespmem:s12+$0xA0];
	v16 =	vadd.f32 v14, v16  }
0x45: {  	v6 =	vadd.f32 v6, v12;
	v7 =	vadd.f32 v7, v10;
	v12 =	vld [tilespmem:s12+$0xB0]  }
0x46: {  	v14 =	vadd.f32 v17, v15;
	v10 =	vld [tilespmem:s12+$0xE0];
	v15 =	vadd.f32 v13, v16  }
0x47: {  	s13 =	simm.s32 $0x0;
	s14 =	simm.s32 $0x8700;
	v13 =	vld [tilespmem:s12+$0xF0];
	v16 =	vadd.f32 v2, v6;
	v17 =	vadd.f32 v4, v7  }
.LBB2_3:
0x48: {  	v2 =	vld [tilespmem:s14+$0xC0];
	v4 =	vadd.f32 v8, v14;
	v6 =	vadd.f32 v11, v15  }
0x49: {  	v7 =	vld [tilespmem:s14+$0xD0];
	v8 =	vadd.f32 v3, v16;
	v11 =	vadd.f32 v5, v17  }
0x4a: {  	v3 =	vld [tilespmem:s14+$0x80];
	v4 =	vadd.f32 v9, v4;
	v6 =	vadd.f32 v12, v6  }
0x4b: {  	v5 =	vld [tilespmem:s14+$0x90];
	v8 =	vadd.f32 v0, v8;
	v9 =	vadd.f32 v1, v11  }
0x4c: {  	s12 =	simm.s32 $0xED00;
	v16 =	vld [tilespmem:s14+$0x40];
	v4 =	vadd.f32 v10, v4;
	v6 =	vadd.f32 v13, v6  }
0x4d: {  	v13 =	vld [tilespmem:s14+$0x50];
	v0 =	vmov v2  }
0x4e: {  	v2 =	vld [tilespmem:s14+$0x0];
	v1 =	vmov v7  }
0x4f: {  	v7 =	vld [tilespmem:s14+$0x10]  }
0x50: {  	v10 =	vld [tilespmem:s14+$0xFFFFFFC0]  }
0x51: {  	v11 =	vld [tilespmem:s14+$0xFFFFFFD0]  }
0x52: {  	v12 =	vld [tilespmem:s14+$0xFFFFFF80]  }
0x53: {  	v14 =	vld [tilespmem:s14+$0xFFFFFF90]  }
0x54: {  	v15 =	vld [tilespmem:s14+$0xFFFFFF40]  }
0x55: {  	v17 =	vld [tilespmem:s14+$0xFFFFFF50]  }
0x56: {  	v18 =	vld [tilespmem:s14+$0xFFFFFF00]  }
0x57: {  	v19 =	vld [tilespmem:s14+$0xFFFFFF10]  }
0x58: {  	v20 =	vld [tilespmem:s14+$0xFFFFFF20]  }
0x59: {  	s13 =	sadd.s32 $0x8, s13;
	v21 =	vld [tilespmem:s14+$0xFFFFFF30]  }
0x5a: {  	p0 =	slt.u32 s13, $0x60;
	v22 =	vld [tilespmem:s14+$0xFFFFFF60]  }
0x5b: {  	v23 =	vld [tilespmem:s14+$0xFFFFFF70]  }
0x5c: {  	v24 =	vld [tilespmem:s14+$0xFFFFFFA0]  }
0x5d: {  	v8 =	vadd.f32 v18, v8;
	v9 =	vadd.f32 v19, v9;
	v18 =	vld [tilespmem:s14+$0xFFFFFFB0]  }
0x5e: {  	v4 =	vadd.f32 v20, v4;
	v6 =	vadd.f32 v21, v6;
	v19 =	vld [tilespmem:s14+$0xFFFFFFE0]  }
0x5f: {  	v8 =	vadd.f32 v15, v8;
	v9 =	vadd.f32 v17, v9;
	v15 =	vld [tilespmem:s14+$0xFFFFFFF0]  }
0x60: {  	v4 =	vadd.f32 v22, v4;
	v6 =	vadd.f32 v23, v6;
	v17 =	vld [tilespmem:s14+$0x20]  }
0x61: {  	v12 =	vadd.f32 v12, v8;
	v9 =	vadd.f32 v14, v9;
	v20 =	vld [tilespmem:s14+$0x30]  }
0x62: {  	v4 =	vadd.f32 v24, v4;
	v6 =	vadd.f32 v18, v6;
	v8 =	vld [tilespmem:s14+$0x60]  }
.Ltmp0:
0x63: {  	v10 =	vadd.f32 v10, v12;
	v12 =	vadd.f32 v11, v9;
	v11 =	vld [tilespmem:s14+$0x70];
	(pc) =	sbr.rel @p0 .LBB2_3-.Ltmp0, $4  }
0x64: {  	v4 =	vadd.f32 v19, v4;
	v6 =	vadd.f32 v15, v6;
	v9 =	vld [tilespmem:s14+$0xA0]  }
0x65: {  	v2 =	vadd.f32 v2, v10;
	v7 =	vadd.f32 v7, v12;
	v12 =	vld [tilespmem:s14+$0xB0]  }
0x66: {  	v14 =	vadd.f32 v17, v4;
	v15 =	vadd.f32 v20, v6;
	v10 =	vld [tilespmem:s14+$0xE0]  }
0x67: {  	v16 =	vadd.f32 v16, v2;
	v17 =	vadd.f32 v13, v7;
	v13 =	vld [tilespmem:s14+$0xF0];
	s14 =	sadd.s32 $0x200, s14  }
0x68: {  	v4 =	vld [tilespmem:s12+$0xC0]  }
0x69: {  	v2 =	vld [tilespmem:s12+$0xD0]  }
0x6a: {  	v7 =	vld [tilespmem:s12+$0x80]  }
0x6b: {  	v6 =	vld [tilespmem:s12+$0x90]  }
0x6c: {  	v18 =	vld [tilespmem:s12+$0x40]  }
0x6d: {  	v19 =	vld [tilespmem:s12+$0x50]  }
0x6e: {  	v20 =	vld [tilespmem:s12+$0x0]  }
0x6f: {  	v21 =	vld [tilespmem:s12+$0x10]  }
0x70: {  	v22 =	vld [tilespmem:s12+$0xFFFFFFC0]  }
0x71: {  	v23 =	vld [tilespmem:s12+$0xFFFFFFD0]  }
0x72: {  	v24 =	vld [tilespmem:s12+$0xFFFFFF80]  }
0x73: {  	v25 =	vld [tilespmem:s12+$0xFFFFFF90]  }
0x74: {  	v26 =	vld [tilespmem:s12+$0xFFFFFF40]  }
0x75: {  	v27 =	vld [tilespmem:s12+$0xFFFFFF50]  }
0x76: {  	v28 =	vld [tilespmem:s12+$0xFFFFFF00]  }
0x77: {  	v29 =	vld [tilespmem:s12+$0xFFFFFF10]  }
0x78: {  	v8 =	vadd.f32 v8, v14;
	v11 =	vadd.f32 v11, v15;
	v14 =	vld [tilespmem:s12+$0xFFFFFF20]  }
0x79: {  	v15 =	vld [tilespmem:s12+$0xFFFFFF30];
	v3 =	vadd.f32 v3, v16;
	v5 =	vadd.f32 v5, v17  }
0x7a: {  	v8 =	vadd.f32 v9, v8;
	v9 =	vadd.f32 v12, v11;
	v11 =	vld [tilespmem:s12+$0xFFFFFF60]  }
0x7b: {  	v0 =	vadd.f32 v0, v3;
	v1 =	vadd.f32 v1, v5;
	v3 =	vld [tilespmem:s12+$0xFFFFFF70]  }
0x7c: {  	v5 =	vadd.f32 v10, v8;
	v8 =	vadd.f32 v13, v9;
	v9 =	vld [tilespmem:s12+$0xFFFFFFA0]  }
0x7d: {  	v10 =	vld [tilespmem:s12+$0xFFFFFFB0];
	v0 =	vadd.f32 v28, v0;
	v1 =	vadd.f32 v29, v1  }
0x7e: {  	v12 =	vld [tilespmem:s12+$0xFFFFFFE0];
	v5 =	vadd.f32 v14, v5;
	v8 =	vadd.f32 v15, v8  }
0x7f: {  	v13 =	vld [tilespmem:s12+$0xFFFFFFF0];
	v0 =	vadd.f32 v26, v0;
	v1 =	vadd.f32 v27, v1  }
0x80: {  	v5 =	vadd.f32 v11, v5;
	v3 =	vadd.f32 v3, v8;
	v8 =	vld [tilespmem:s12+$0x20]  }
0x81: {  	v11 =	vld [tilespmem:s12+$0x30];
	v0 =	vadd.f32 v24, v0;
	v1 =	vadd.f32 v25, v1  }
0x82: {  	v14 =	vadd.f32 v9, v5;
	v3 =	vadd.f32 v10, v3;
	v5 =	vld [tilespmem:s12+$0x60]  }
0x83: {  	v9 =	vld [tilespmem:s12+$0x70];
	v0 =	vadd.f32 v22, v0;
	v10 =	vadd.f32 v23, v1  }
0x84: {  	v1 =	vld [tilespmem:s12+$0xA0];
	v12 =	vadd.f32 v12, v14;
	v13 =	vadd.f32 v13, v3  }
0x85: {  	v3 =	vld [tilespmem:s12+$0xB0];
	v14 =	vadd.f32 v20, v0;
	v15 =	vadd.f32 v21, v10  }
0x86: {  	v0 =	vld [tilespmem:s12+$0xE0];
	v12 =	vadd.f32 v8, v12;
	v10 =	vadd.f32 v11, v13  }
0x87: {  	s13 =	simm.s32 $0x0;
	v8 =	vld [tilespmem:s12+$0xF0];
	s12 =	simm.s32 $0xEF00;
	v13 =	vadd.f32 v18, v14;
	v11 =	vadd.f32 v19, v15  }
.LBB2_5:
0x88: {  	v14 =	vld [tilespmem:s12+$0xC0];
	v5 =	vadd.f32 v5, v12;
	v9 =	vadd.f32 v9, v10  }
0x89: {  	v10 =	vld [tilespmem:s12+$0xD0];
	v12 =	vadd.f32 v7, v13;
	v11 =	vadd.f32 v6, v11  }
0x8a: {  	v7 =	vld [tilespmem:s12+$0x80];
	v1 =	vadd.f32 v1, v5;
	v3 =	vadd.f32 v3, v9  }
0x8b: {  	v6 =	vld [tilespmem:s12+$0x90];
	v5 =	vadd.f32 v4, v12;
	v9 =	vadd.f32 v2, v11  }
0x8c: {  	v11 =	vld [tilespmem:s12+$0x40];
	v0 =	vadd.f32 v0, v1;
	v1 =	vadd.f32 v8, v3  }
0x8d: {  	v8 =	vld [tilespmem:s12+$0x50];
	v4 =	vmov v14  }
0x8e: {  	v3 =	vld [tilespmem:s12+$0x0];
	v2 =	vmov v10  }
0x8f: {  	v10 =	vld [tilespmem:s12+$0x10]  }
0x90: {  	v12 =	vld [tilespmem:s12+$0xFFFFFFC0]  }
0x91: {  	v13 =	vld [tilespmem:s12+$0xFFFFFFD0]  }
0x92: {  	v14 =	vld [tilespmem:s12+$0xFFFFFF80]  }
0x93: {  	v15 =	vld [tilespmem:s12+$0xFFFFFF90]  }
0x94: {  	v16 =	vld [tilespmem:s12+$0xFFFFFF40]  }
0x95: {  	v17 =	vld [tilespmem:s12+$0xFFFFFF50]  }
0x96: {  	v18 =	vld [tilespmem:s12+$0xFFFFFF00]  }
0x97: {  	v19 =	vld [tilespmem:s12+$0xFFFFFF10]  }
0x98: {  	v20 =	vld [tilespmem:s12+$0xFFFFFF20]  }
0x99: {  	s13 =	sadd.s32 $0x8, s13;
	v21 =	vld [tilespmem:s12+$0xFFFFFF30]  }
0x9a: {  	p0 =	slt.u32 s13, $0x58;
	v22 =	vld [tilespmem:s12+$0xFFFFFF60]  }
0x9b: {  	v23 =	vld [tilespmem:s12+$0xFFFFFF70]  }
0x9c: {  	v24 =	vld [tilespmem:s12+$0xFFFFFFA0]  }
0x9d: {  	v5 =	vadd.f32 v18, v5;
	v9 =	vadd.f32 v19, v9;
	v18 =	vld [tilespmem:s12+$0xFFFFFFB0]  }
0x9e: {  	v0 =	vadd.f32 v20, v0;
	v1 =	vadd.f32 v21, v1;
	v19 =	vld [tilespmem:s12+$0xFFFFFFE0]  }
0x9f: {  	v5 =	vadd.f32 v16, v5;
	v9 =	vadd.f32 v17, v9;
	v16 =	vld [tilespmem:s12+$0xFFFFFFF0]  }
0xa0: {  	v0 =	vadd.f32 v22, v0;
	v1 =	vadd.f32 v23, v1;
	v17 =	vld [tilespmem:s12+$0x20]  }
0xa1: {  	v14 =	vadd.f32 v14, v5;
	v9 =	vadd.f32 v15, v9;
	v15 =	vld [tilespmem:s12+$0x30]  }
0xa2: {  	v0 =	vadd.f32 v24, v0;
	v1 =	vadd.f32 v18, v1;
	v5 =	vld [tilespmem:s12+$0x60]  }
.Ltmp1:
0xa3: {  	v12 =	vadd.f32 v12, v14;
	v13 =	vadd.f32 v13, v9;
	v9 =	vld [tilespmem:s12+$0x70];
	(pc) =	sbr.rel @p0 .LBB2_5-.Ltmp1, $4  }
0xa4: {  	v0 =	vadd.f32 v19, v0;
	v14 =	vadd.f32 v16, v1;
	v1 =	vld [tilespmem:s12+$0xA0]  }
0xa5: {  	v16 =	vadd.f32 v3, v12;
	v18 =	vadd.f32 v10, v13;
	v3 =	vld [tilespmem:s12+$0xB0]  }
0xa6: {  	v12 =	vadd.f32 v17, v0;
	v10 =	vadd.f32 v15, v14;
	v0 =	vld [tilespmem:s12+$0xE0]  }
0xa7: {  	v13 =	vadd.f32 v11, v16;
	v11 =	vadd.f32 v8, v18;
	v8 =	vld [tilespmem:s12+$0xF0];
	s12 =	sadd.s32 $0x200, s12  }
0xa8: {  	p0 =	seq.s32 s11, $0x1F  }
0xa9: {  	s12 =	smul.u32 @!p0 $0xC80, s11;
	_ =	sdelay $0x1  }
0xaa: {  	s12 =	sshra.s32 @!p0 s12, $0x2  }
0xab: {  	v5 =	vadd.f32 v5, v12;
	v7 =	vadd.f32 v7, v13;
	s14 =	simm.s32 @!p0 $0x68;
	s15 =	simm.s32 @!p0 $0x8400;
	s13 =	sadd.s32 @!p0 $0x320, s12  }
0xac: {  	v9 =	vadd.f32 v9, v10;
	v6 =	vadd.f32 v6, v11;
	[tilespmem:s15], [sflag:$0x1] =	stream.indirect.gather @!p0 [hbm4b:s3+s14], $0x40, s13, s14, $0xb8;
	[tilespmem:$0x14C00] =	vst v63  }
0xad: {  	v1 =	vadd.f32 v1, v5;
	v4 =	vadd.f32 v4, v7;
	s13 =	sadd.s32 @!p0 $0x388, s12;
	s14 =	simm.s32 @!p0 $0x60;
	s15 =	simm.s32 @!p0 $0xEC00  }
0xae: {  	v3 =	vadd.f32 v3, v9;
	v2 =	vadd.f32 v2, v6;
	[tilespmem:s15], [sflag:$0x5] =	stream.indirect.gather @!p0 [hbm4b:s3+s14], $0x40, s13, s14, $0xb8;
	[tilespmem:$0x14C00] =	vst v63  }
0xaf: {  	v0 =	vadd.f32 v0, v1;
	v1 =	vmul.f32 $4.999999890e-03, v4;
	s15 =	sshll.u32 s11, $0x8  }
0xb0: {  	v3 =	vadd.f32 v8, v3;
	v2 =	vmul.f32 $4.999999890e-03, v2;
	s13 =	sand.u32 $0x3FFFFF00, s15  }
0xb1: {  	v0 =	vmul.f32 $4.999999890e-03, v0;
	[tilespmem:s13+$0x6400] =	vst v1  }
0xb2: {  	[tilespmem:s13+$0x6410] =	vst v2;
	v1 =	vmul.f32 $4.999999890e-03, v3  }
0xb3: {  	[tilespmem:s13+$0x6420] =	vst v0  }
0xb4: {  	[tilespmem:s13+$0x6430] =	vst v1  }
0xb5: {  	_ =	swait.ge [sflag:s26], $0x1A00  }
0xb6: {  	[sflag:s26] =	ssyncset.done $0x0  }
0xb7: {  	[sflag:s26] =	ssyncadd.s32 $0xFFFFE600  }
0xb8: {  	_ =	swait.ge [sflag:s28], $0x1800  }
0xb9: {  	[sflag:s28] =	ssyncset.done $0x0  }
0xba: {  	s16 =	simm.s32 $0x9F00;
	[sflag:s28] =	ssyncadd.s32 $0xFFFFE800  }
0xbb: {  	v0 =	vld [tilespmem:s16+$0xC0]  }
0xbc: {  	v1 =	vld [tilespmem:s16+$0xD0]  }
0xbd: {  	v2 =	vld [tilespmem:s16+$0x80]  }
0xbe: {  	v3 =	vld [tilespmem:s16+$0x90]  }
0xbf: {  	v4 =	vld [tilespmem:s16+$0x40]  }
0xc0: {  	v5 =	vld [tilespmem:s16+$0x50]  }
0xc1: {  	v6 =	vld [tilespmem:s16+$0x0]  }
0xc2: {  	v7 =	vld [tilespmem:s16+$0x10]  }
0xc3: {  	v9 =	vld [tilespmem:s16+$0xFFFFFFC0]  }
0xc4: {  	v10 =	vld [tilespmem:s16+$0xFFFFFFD0]  }
0xc5: {  	v8 =	vld [tilespmem:s16+$0xFFFFFF80]  }
0xc6: {  	v11 =	vld [tilespmem:s16+$0xFFFFFF90]  }
0xc7: {  	v12 =	vld [tilespmem:s16+$0xFFFFFF40]  }
0xc8: {  	v13 =	vld [tilespmem:s16+$0xFFFFFF50]  }
0xc9: {  	v14 =	vld [tilespmem:s16+$0xFFFFFF00]  }
0xca: {  	v15 =	vld [tilespmem:s16+$0xFFFFFF10]  }
0xcb: {  	v16 =	vld [tilespmem:s16+$0xFFFFFF20]  }
0xcc: {  	v17 =	vld [tilespmem:s16+$0xFFFFFF30]  }
0xcd: {  	v18 =	vld [tilespmem:s16+$0xFFFFFF60]  }
0xce: {  	v19 =	vld [tilespmem:s16+$0xFFFFFF70]  }
0xcf: {  	v20 =	vimm.f32 $0.0e+00;
	v21 =	vld [tilespmem:s16+$0xFFFFFFA0]  }
0xd0: {  	v22 =	vld [tilespmem:s16+$0xFFFFFFB0];
	v14 =	vadd.f32 v14, v20;
	v15 =	vadd.f32 v15, v20  }
0xd1: {  	v63 =	vld [tilespmem:s16+$0xFFFFFFE0];
	v16 =	vadd.f32 v16, v20;
	v17 =	vadd.f32 v17, v20  }
0xd2: {  	v12 =	vadd.f32 v12, v14;
	v13 =	vadd.f32 v13, v15;
	v14 =	vld [tilespmem:s16+$0xFFFFFFF0]  }
0xd3: {  	v15 =	vadd.f32 v18, v16;
	v16 =	vadd.f32 v19, v17;
	v17 =	vld [tilespmem:s16+$0x20]  }
0xd4: {  	v12 =	vadd.f32 v8, v12;
	v11 =	vadd.f32 v11, v13;
	v13 =	vld [tilespmem:s16+$0x30]  }
0xd5: {  	v15 =	vadd.f32 v21, v15;
	v16 =	vadd.f32 v22, v16;
	v8 =	vld [tilespmem:s16+$0x60]  }
0xd6: {  	v12 =	vadd.f32 v9, v12;
	v10 =	vadd.f32 v10, v11;
	v11 =	vld [tilespmem:s16+$0x70]  }
0xd7: {  	v15 =	vadd.f32 v63, v15;
	v9 =	vld [tilespmem:s16+$0xA0];
	v16 =	vadd.f32 v14, v16  }
0xd8: {  	v6 =	vadd.f32 v6, v12;
	v7 =	vadd.f32 v7, v10;
	v12 =	vld [tilespmem:s16+$0xB0]  }
0xd9: {  	v14 =	vadd.f32 v17, v15;
	v10 =	vld [tilespmem:s16+$0xE0];
	v15 =	vadd.f32 v13, v16  }
0xda: {  	s15 =	simm.s32 $0x0;
	v13 =	vld [tilespmem:s16+$0xF0];
	s16 =	simm.s32 $0xA100;
	v16 =	vadd.f32 v4, v6;
	v17 =	vadd.f32 v5, v7  }
.LBB2_7:
0xdb: {  	v4 =	vld [tilespmem:s16+$0xC0];
	v5 =	vadd.f32 v8, v14;
	v6 =	vadd.f32 v11, v15  }
0xdc: {  	v7 =	vld [tilespmem:s16+$0xD0];
	v8 =	vadd.f32 v2, v16;
	v11 =	vadd.f32 v3, v17  }
0xdd: {  	v2 =	vld [tilespmem:s16+$0x80];
	v5 =	vadd.f32 v9, v5;
	v6 =	vadd.f32 v12, v6  }
0xde: {  	v3 =	vld [tilespmem:s16+$0x90];
	v8 =	vadd.f32 v0, v8;
	v9 =	vadd.f32 v1, v11  }
0xdf: {  	s14 =	simm.s32 $0x10500;
	v16 =	vld [tilespmem:s16+$0x40];
	v5 =	vadd.f32 v10, v5;
	v6 =	vadd.f32 v13, v6  }
0xe0: {  	v13 =	vld [tilespmem:s16+$0x50];
	v0 =	vmov v4  }
0xe1: {  	v4 =	vld [tilespmem:s16+$0x0];
	v1 =	vmov v7  }
0xe2: {  	v7 =	vld [tilespmem:s16+$0x10]  }
0xe3: {  	v10 =	vld [tilespmem:s16+$0xFFFFFFC0]  }
0xe4: {  	v11 =	vld [tilespmem:s16+$0xFFFFFFD0]  }
0xe5: {  	v12 =	vld [tilespmem:s16+$0xFFFFFF80]  }
0xe6: {  	v14 =	vld [tilespmem:s16+$0xFFFFFF90]  }
0xe7: {  	v15 =	vld [tilespmem:s16+$0xFFFFFF40]  }
0xe8: {  	v17 =	vld [tilespmem:s16+$0xFFFFFF50]  }
0xe9: {  	v18 =	vld [tilespmem:s16+$0xFFFFFF00]  }
0xea: {  	v19 =	vld [tilespmem:s16+$0xFFFFFF10]  }
0xeb: {  	v20 =	vld [tilespmem:s16+$0xFFFFFF20]  }
0xec: {  	s15 =	sadd.s32 $0x8, s15;
	v21 =	vld [tilespmem:s16+$0xFFFFFF30]  }
0xed: {  	p1 =	slt.u32 s15, $0x60;
	v22 =	vld [tilespmem:s16+$0xFFFFFF60]  }
0xee: {  	v23 =	vld [tilespmem:s16+$0xFFFFFF70]  }
0xef: {  	v24 =	vld [tilespmem:s16+$0xFFFFFFA0]  }
0xf0: {  	v8 =	vadd.f32 v18, v8;
	v9 =	vadd.f32 v19, v9;
	v18 =	vld [tilespmem:s16+$0xFFFFFFB0]  }
0xf1: {  	v5 =	vadd.f32 v20, v5;
	v6 =	vadd.f32 v21, v6;
	v19 =	vld [tilespmem:s16+$0xFFFFFFE0]  }
0xf2: {  	v8 =	vadd.f32 v15, v8;
	v9 =	vadd.f32 v17, v9;
	v15 =	vld [tilespmem:s16+$0xFFFFFFF0]  }
0xf3: {  	v5 =	vadd.f32 v22, v5;
	v6 =	vadd.f32 v23, v6;
	v17 =	vld [tilespmem:s16+$0x20]  }
0xf4: {  	v12 =	vadd.f32 v12, v8;
	v9 =	vadd.f32 v14, v9;
	v20 =	vld [tilespmem:s16+$0x30]  }
0xf5: {  	v5 =	vadd.f32 v24, v5;
	v6 =	vadd.f32 v18, v6;
	v8 =	vld [tilespmem:s16+$0x60]  }
.Ltmp2:
0xf6: {  	v10 =	vadd.f32 v10, v12;
	v12 =	vadd.f32 v11, v9;
	v11 =	vld [tilespmem:s16+$0x70];
	(pc) =	sbr.rel @p1 .LBB2_7-.Ltmp2, $4  }
0xf7: {  	v5 =	vadd.f32 v19, v5;
	v6 =	vadd.f32 v15, v6;
	v9 =	vld [tilespmem:s16+$0xA0]  }
0xf8: {  	v4 =	vadd.f32 v4, v10;
	v7 =	vadd.f32 v7, v12;
	v12 =	vld [tilespmem:s16+$0xB0]  }
0xf9: {  	v14 =	vadd.f32 v17, v5;
	v15 =	vadd.f32 v20, v6;
	v10 =	vld [tilespmem:s16+$0xE0]  }
0xfa: {  	v16 =	vadd.f32 v16, v4;
	v17 =	vadd.f32 v13, v7;
	v13 =	vld [tilespmem:s16+$0xF0];
	s16 =	sadd.s32 $0x200, s16  }
0xfb: {  	v5 =	vld [tilespmem:s14+$0xC0]  }
0xfc: {  	v4 =	vld [tilespmem:s14+$0xD0]  }
0xfd: {  	v6 =	vld [tilespmem:s14+$0x80]  }
0xfe: {  	v7 =	vld [tilespmem:s14+$0x90]  }
0xff: {  	v18 =	vld [tilespmem:s14+$0x40]  }
0x100: {  	v19 =	vld [tilespmem:s14+$0x50]  }
0x101: {  	v20 =	vld [tilespmem:s14+$0x0]  }
0x102: {  	v21 =	vld [tilespmem:s14+$0x10]  }
0x103: {  	v22 =	vld [tilespmem:s14+$0xFFFFFFC0]  }
0x104: {  	v23 =	vld [tilespmem:s14+$0xFFFFFFD0]  }
0x105: {  	v24 =	vld [tilespmem:s14+$0xFFFFFF80]  }
0x106: {  	v25 =	vld [tilespmem:s14+$0xFFFFFF90]  }
0x107: {  	v26 =	vld [tilespmem:s14+$0xFFFFFF40]  }
0x108: {  	v27 =	vld [tilespmem:s14+$0xFFFFFF50]  }
0x109: {  	v28 =	vld [tilespmem:s14+$0xFFFFFF00]  }
0x10a: {  	v29 =	vld [tilespmem:s14+$0xFFFFFF10]  }
0x10b: {  	v8 =	vadd.f32 v8, v14;
	v11 =	vadd.f32 v11, v15;
	v14 =	vld [tilespmem:s14+$0xFFFFFF20]  }
0x10c: {  	v15 =	vld [tilespmem:s14+$0xFFFFFF30];
	v2 =	vadd.f32 v2, v16;
	v3 =	vadd.f32 v3, v17  }
0x10d: {  	v8 =	vadd.f32 v9, v8;
	v9 =	vadd.f32 v12, v11;
	v11 =	vld [tilespmem:s14+$0xFFFFFF60]  }
0x10e: {  	v0 =	vadd.f32 v0, v2;
	v1 =	vadd.f32 v1, v3;
	v2 =	vld [tilespmem:s14+$0xFFFFFF70]  }
0x10f: {  	v3 =	vadd.f32 v10, v8;
	v8 =	vadd.f32 v13, v9;
	v9 =	vld [tilespmem:s14+$0xFFFFFFA0]  }
0x110: {  	v10 =	vld [tilespmem:s14+$0xFFFFFFB0];
	v0 =	vadd.f32 v28, v0;
	v1 =	vadd.f32 v29, v1  }
0x111: {  	v12 =	vld [tilespmem:s14+$0xFFFFFFE0];
	v3 =	vadd.f32 v14, v3;
	v8 =	vadd.f32 v15, v8  }
0x112: {  	v13 =	vld [tilespmem:s14+$0xFFFFFFF0];
	v0 =	vadd.f32 v26, v0;
	v1 =	vadd.f32 v27, v1  }
0x113: {  	v14 =	vld [tilespmem:s14+$0x30];
	v3 =	vadd.f32 v11, v3;
	v2 =	vadd.f32 v2, v8  }
0x114: {  	v11 =	vld [tilespmem:s14+$0x20];
	v8 =	vadd.f32 v24, v0;
	v1 =	vadd.f32 v25, v1  }
0x115: {  	v0 =	vld [tilespmem:s14+$0x60];
	v3 =	vadd.f32 v9, v3;
	v2 =	vadd.f32 v10, v2  }
0x116: {  	v9 =	vld [tilespmem:s14+$0x70];
	v8 =	vadd.f32 v22, v8;
	v1 =	vadd.f32 v23, v1  }
0x117: {  	v3 =	vadd.f32 v12, v3;
	v10 =	vadd.f32 v13, v2;
	v2 =	vld [tilespmem:s14+$0xA0]  }
0x118: {  	v12 =	vadd.f32 v20, v8;
	v15 =	vadd.f32 v21, v1;
	v8 =	vld [tilespmem:s14+$0xB0]  }
0x119: {  	v1 =	vld [tilespmem:s14+$0xE0];
	v11 =	vadd.f32 v11, v3;
	v10 =	vadd.f32 v14, v10  }
0x11a: {  	s15 =	simm.s32 $0x0;
	v3 =	vld [tilespmem:s14+$0xF0];
	s14 =	simm.s32 $0x10700;
	v13 =	vadd.f32 v18, v12;
	v12 =	vadd.f32 v19, v15  }
.LBB2_9:
0x11b: {  	v14 =	vld [tilespmem:s14+$0xC0];
	v0 =	vadd.f32 v0, v11;
	v9 =	vadd.f32 v9, v10  }
0x11c: {  	v10 =	vld [tilespmem:s14+$0xD0];
	v11 =	vadd.f32 v6, v13;
	v12 =	vadd.f32 v7, v12  }
0x11d: {  	v6 =	vld [tilespmem:s14+$0x80];
	v0 =	vadd.f32 v2, v0;
	v2 =	vadd.f32 v8, v9  }
0x11e: {  	v7 =	vld [tilespmem:s14+$0x90];
	v8 =	vadd.f32 v5, v11;
	v9 =	vadd.f32 v4, v12  }
0x11f: {  	v12 =	vld [tilespmem:s14+$0x40];
	v0 =	vadd.f32 v1, v0;
	v1 =	vadd.f32 v3, v2  }
0x120: {  	v3 =	vld [tilespmem:s14+$0x50];
	v5 =	vmov v14  }
0x121: {  	v11 =	vld [tilespmem:s14+$0x0];
	v4 =	vmov v10  }
0x122: {  	v10 =	vld [tilespmem:s14+$0x10]  }
0x123: {  	v2 =	vld [tilespmem:s14+$0xFFFFFFC0]  }
0x124: {  	v13 =	vld [tilespmem:s14+$0xFFFFFFD0]  }
0x125: {  	v14 =	vld [tilespmem:s14+$0xFFFFFF80]  }
0x126: {  	v15 =	vld [tilespmem:s14+$0xFFFFFF90]  }
0x127: {  	v16 =	vld [tilespmem:s14+$0xFFFFFF40]  }
0x128: {  	v17 =	vld [tilespmem:s14+$0xFFFFFF50]  }
0x129: {  	v18 =	vld [tilespmem:s14+$0xFFFFFF00]  }
0x12a: {  	v19 =	vld [tilespmem:s14+$0xFFFFFF10]  }
0x12b: {  	v20 =	vld [tilespmem:s14+$0xFFFFFF20]  }
0x12c: {  	s15 =	sadd.s32 $0x8, s15;
	v21 =	vld [tilespmem:s14+$0xFFFFFF30]  }
0x12d: {  	p1 =	slt.u32 s15, $0x58;
	v22 =	vld [tilespmem:s14+$0xFFFFFF60]  }
0x12e: {  	v23 =	vld [tilespmem:s14+$0xFFFFFF70]  }
0x12f: {  	v24 =	vld [tilespmem:s14+$0xFFFFFFA0]  }
0x130: {  	v8 =	vadd.f32 v18, v8;
	v9 =	vadd.f32 v19, v9;
	v18 =	vld [tilespmem:s14+$0xFFFFFFB0]  }
0x131: {  	v0 =	vadd.f32 v20, v0;
	v1 =	vadd.f32 v21, v1;
	v19 =	vld [tilespmem:s14+$0xFFFFFFE0]  }
0x132: {  	v8 =	vadd.f32 v16, v8;
	v9 =	vadd.f32 v17, v9;
	v16 =	vld [tilespmem:s14+$0xFFFFFFF0]  }
0x133: {  	v0 =	vadd.f32 v22, v0;
	v1 =	vadd.f32 v23, v1;
	v17 =	vld [tilespmem:s14+$0x20]  }
0x134: {  	v8 =	vadd.f32 v14, v8;
	v9 =	vadd.f32 v15, v9;
	v14 =	vld [tilespmem:s14+$0x30]  }
0x135: {  	v15 =	vadd.f32 v24, v0;
	v1 =	vadd.f32 v18, v1;
	v0 =	vld [tilespmem:s14+$0x60]  }
.Ltmp3:
0x136: {  	v8 =	vadd.f32 v2, v8;
	v13 =	vadd.f32 v13, v9;
	v9 =	vld [tilespmem:s14+$0x70];
	(pc) =	sbr.rel @p1 .LBB2_9-.Ltmp3, $4  }
0x137: {  	v15 =	vadd.f32 v19, v15;
	v1 =	vadd.f32 v16, v1;
	v2 =	vld [tilespmem:s14+$0xA0]  }
0x138: {  	v16 =	vadd.f32 v11, v8;
	v18 =	vadd.f32 v10, v13;
	v8 =	vld [tilespmem:s14+$0xB0]  }
0x139: {  	v11 =	vadd.f32 v17, v15;
	v10 =	vadd.f32 v14, v1;
	v1 =	vld [tilespmem:s14+$0xE0]  }
0x13a: {  	v13 =	vadd.f32 v12, v16;
	v12 =	vadd.f32 v3, v18;
	v3 =	vld [tilespmem:s14+$0xF0];
	s14 =	sadd.s32 $0x200, s14  }
0x13b: {  	_ = 	snop  }
0x13c: {  	v0 =	vadd.f32 v0, v11;
	v6 =	vadd.f32 v6, v13  }
0x13d: {  	v9 =	vadd.f32 v9, v10;
	v7 =	vadd.f32 v7, v12  }
0x13e: {  	s14 =	sadd.s32 @!p0 $0x3E8, s12;
	s15 =	simm.s32 @!p0 $0x68;
	s16 =	simm.s32 @!p0 $0x9E00;
	v0 =	vadd.f32 v2, v0;
	v2 =	vadd.f32 v5, v6  }
0x13f: {  	[tilespmem:s16], [sflag:$0x2] =	stream.indirect.gather @!p0 [hbm4b:s3+s15], $0x40, s14, s15, $0xb8;
	v5 =	vadd.f32 v8, v9;
	v4 =	vadd.f32 v4, v7;
	[tilespmem:$0x14C00] =	vst v63  }
0x140: {  	s14 =	sadd.s32 @!p0 $0x450, s12;
	s15 =	simm.s32 @!p0 $0x60;
	s16 =	simm.s32 @!p0 $0x10400;
	v0 =	vadd.f32 v1, v0;
	v1 =	vmul.f32 $4.999999890e-03, v2  }
0x141: {  	[tilespmem:s16], [sflag:$0x6] =	stream.indirect.gather @!p0 [hbm4b:s3+s15], $0x40, s14, s15, $0xb8;
	v2 =	vadd.f32 v3, v5;
	v3 =	vmul.f32 $4.999999890e-03, v4;
	[tilespmem:$0x14C00] =	vst v63  }
0x142: {  	v0 =	vmul.f32 $4.999999890e-03, v0;
	[tilespmem:s13+$0x6440] =	vst v1  }
0x143: {  	[tilespmem:s13+$0x6450] =	vst v3;
	v1 =	vmul.f32 $4.999999890e-03, v2  }
0x144: {  	[tilespmem:s13+$0x6460] =	vst v0  }
0x145: {  	[tilespmem:s13+$0x6470] =	vst v1  }
0x146: {  	_ =	swait.ge [sflag:s29], $0x1A00  }
0x147: {  	[sflag:s29] =	ssyncset.done $0x0  }
0x148: {  	[sflag:s29] =	ssyncadd.s32 $0xFFFFE600  }
0x149: {  	_ =	swait.ge [sflag:s30], $0x1800  }
0x14a: {  	[sflag:s30] =	ssyncset.done $0x0  }
0x14b: {  	s16 =	simm.s32 $0xB900;
	[sflag:s30] =	ssyncadd.s32 $0xFFFFE800  }
0x14c: {  	v0 =	vld [tilespmem:s16+$0xC0]  }
0x14d: {  	v1 =	vld [tilespmem:s16+$0xD0]  }
0x14e: {  	v2 =	vld [tilespmem:s16+$0x80]  }
0x14f: {  	v3 =	vld [tilespmem:s16+$0x90]  }
0x150: {  	v4 =	vld [tilespmem:s16+$0x40]  }
0x151: {  	v5 =	vld [tilespmem:s16+$0x50]  }
0x152: {  	v6 =	vld [tilespmem:s16+$0x0]  }
0x153: {  	v7 =	vld [tilespmem:s16+$0x10]  }
0x154: {  	v9 =	vld [tilespmem:s16+$0xFFFFFFC0]  }
0x155: {  	v10 =	vld [tilespmem:s16+$0xFFFFFFD0]  }
0x156: {  	v8 =	vld [tilespmem:s16+$0xFFFFFF80]  }
0x157: {  	v11 =	vld [tilespmem:s16+$0xFFFFFF90]  }
0x158: {  	v12 =	vld [tilespmem:s16+$0xFFFFFF40]  }
0x159: {  	v13 =	vld [tilespmem:s16+$0xFFFFFF50]  }
0x15a: {  	v14 =	vld [tilespmem:s16+$0xFFFFFF00]  }
0x15b: {  	v15 =	vld [tilespmem:s16+$0xFFFFFF10]  }
0x15c: {  	v16 =	vld [tilespmem:s16+$0xFFFFFF20]  }
0x15d: {  	v17 =	vld [tilespmem:s16+$0xFFFFFF30]  }
0x15e: {  	v18 =	vld [tilespmem:s16+$0xFFFFFF60]  }
0x15f: {  	v19 =	vld [tilespmem:s16+$0xFFFFFF70]  }
0x160: {  	v20 =	vimm.f32 $0.0e+00;
	v21 =	vld [tilespmem:s16+$0xFFFFFFA0]  }
0x161: {  	v22 =	vld [tilespmem:s16+$0xFFFFFFB0];
	v14 =	vadd.f32 v14, v20;
	v15 =	vadd.f32 v15, v20  }
0x162: {  	v63 =	vld [tilespmem:s16+$0xFFFFFFE0];
	v16 =	vadd.f32 v16, v20;
	v17 =	vadd.f32 v17, v20  }
0x163: {  	v12 =	vadd.f32 v12, v14;
	v13 =	vadd.f32 v13, v15;
	v14 =	vld [tilespmem:s16+$0xFFFFFFF0]  }
0x164: {  	v15 =	vadd.f32 v18, v16;
	v16 =	vadd.f32 v19, v17;
	v17 =	vld [tilespmem:s16+$0x20]  }
0x165: {  	v12 =	vadd.f32 v8, v12;
	v11 =	vadd.f32 v11, v13;
	v13 =	vld [tilespmem:s16+$0x30]  }
0x166: {  	v15 =	vadd.f32 v21, v15;
	v16 =	vadd.f32 v22, v16;
	v8 =	vld [tilespmem:s16+$0x60]  }
0x167: {  	v12 =	vadd.f32 v9, v12;
	v10 =	vadd.f32 v10, v11;
	v11 =	vld [tilespmem:s16+$0x70]  }
0x168: {  	v15 =	vadd.f32 v63, v15;
	v9 =	vld [tilespmem:s16+$0xA0];
	v16 =	vadd.f32 v14, v16  }
0x169: {  	v6 =	vadd.f32 v6, v12;
	v7 =	vadd.f32 v7, v10;
	v12 =	vld [tilespmem:s16+$0xB0]  }
0x16a: {  	v14 =	vadd.f32 v17, v15;
	v10 =	vld [tilespmem:s16+$0xE0];
	v15 =	vadd.f32 v13, v16  }
0x16b: {  	s15 =	simm.s32 $0x0;
	v13 =	vld [tilespmem:s16+$0xF0];
	s16 =	simm.s32 $0xBB00;
	v16 =	vadd.f32 v4, v6;
	v17 =	vadd.f32 v5, v7  }
.LBB2_11:
0x16c: {  	v4 =	vld [tilespmem:s16+$0xC0];
	v5 =	vadd.f32 v8, v14;
	v6 =	vadd.f32 v11, v15  }
0x16d: {  	v7 =	vld [tilespmem:s16+$0xD0];
	v8 =	vadd.f32 v2, v16;
	v11 =	vadd.f32 v3, v17  }
0x16e: {  	v2 =	vld [tilespmem:s16+$0x80];
	v5 =	vadd.f32 v9, v5;
	v6 =	vadd.f32 v12, v6  }
0x16f: {  	v3 =	vld [tilespmem:s16+$0x90];
	v8 =	vadd.f32 v0, v8;
	v9 =	vadd.f32 v1, v11  }
0x170: {  	s14 =	simm.s32 $0x11D00;
	v16 =	vld [tilespmem:s16+$0x40];
	v5 =	vadd.f32 v10, v5;
	v6 =	vadd.f32 v13, v6  }
0x171: {  	v13 =	vld [tilespmem:s16+$0x50];
	v0 =	vmov v4  }
0x172: {  	v4 =	vld [tilespmem:s16+$0x0];
	v1 =	vmov v7  }
0x173: {  	v7 =	vld [tilespmem:s16+$0x10]  }
0x174: {  	v10 =	vld [tilespmem:s16+$0xFFFFFFC0]  }
0x175: {  	v11 =	vld [tilespmem:s16+$0xFFFFFFD0]  }
0x176: {  	v12 =	vld [tilespmem:s16+$0xFFFFFF80]  }
0x177: {  	v14 =	vld [tilespmem:s16+$0xFFFFFF90]  }
0x178: {  	v15 =	vld [tilespmem:s16+$0xFFFFFF40]  }
0x179: {  	v17 =	vld [tilespmem:s16+$0xFFFFFF50]  }
0x17a: {  	v18 =	vld [tilespmem:s16+$0xFFFFFF00]  }
0x17b: {  	v19 =	vld [tilespmem:s16+$0xFFFFFF10]  }
0x17c: {  	v20 =	vld [tilespmem:s16+$0xFFFFFF20]  }
0x17d: {  	s15 =	sadd.s32 $0x8, s15;
	v21 =	vld [tilespmem:s16+$0xFFFFFF30]  }
0x17e: {  	p1 =	slt.u32 s15, $0x60;
	v22 =	vld [tilespmem:s16+$0xFFFFFF60]  }
0x17f: {  	v23 =	vld [tilespmem:s16+$0xFFFFFF70]  }
0x180: {  	v24 =	vld [tilespmem:s16+$0xFFFFFFA0]  }
0x181: {  	v8 =	vadd.f32 v18, v8;
	v9 =	vadd.f32 v19, v9;
	v18 =	vld [tilespmem:s16+$0xFFFFFFB0]  }
0x182: {  	v5 =	vadd.f32 v20, v5;
	v6 =	vadd.f32 v21, v6;
	v19 =	vld [tilespmem:s16+$0xFFFFFFE0]  }
0x183: {  	v8 =	vadd.f32 v15, v8;
	v9 =	vadd.f32 v17, v9;
	v15 =	vld [tilespmem:s16+$0xFFFFFFF0]  }
0x184: {  	v5 =	vadd.f32 v22, v5;
	v6 =	vadd.f32 v23, v6;
	v17 =	vld [tilespmem:s16+$0x20]  }
0x185: {  	v12 =	vadd.f32 v12, v8;
	v9 =	vadd.f32 v14, v9;
	v20 =	vld [tilespmem:s16+$0x30]  }
0x186: {  	v5 =	vadd.f32 v24, v5;
	v6 =	vadd.f32 v18, v6;
	v8 =	vld [tilespmem:s16+$0x60]  }
.Ltmp4:
0x187: {  	v10 =	vadd.f32 v10, v12;
	v12 =	vadd.f32 v11, v9;
	v11 =	vld [tilespmem:s16+$0x70];
	(pc) =	sbr.rel @p1 .LBB2_11-.Ltmp4, $4  }
0x188: {  	v5 =	vadd.f32 v19, v5;
	v6 =	vadd.f32 v15, v6;
	v9 =	vld [tilespmem:s16+$0xA0]  }
0x189: {  	v4 =	vadd.f32 v4, v10;
	v7 =	vadd.f32 v7, v12;
	v12 =	vld [tilespmem:s16+$0xB0]  }
0x18a: {  	v14 =	vadd.f32 v17, v5;
	v15 =	vadd.f32 v20, v6;
	v10 =	vld [tilespmem:s16+$0xE0]  }
0x18b: {  	v16 =	vadd.f32 v16, v4;
	v17 =	vadd.f32 v13, v7;
	v13 =	vld [tilespmem:s16+$0xF0];
	s16 =	sadd.s32 $0x200, s16  }
0x18c: {  	v5 =	vld [tilespmem:s14+$0xC0]  }
0x18d: {  	v4 =	vld [tilespmem:s14+$0xD0]  }
0x18e: {  	v6 =	vld [tilespmem:s14+$0x80]  }
0x18f: {  	v7 =	vld [tilespmem:s14+$0x90]  }
0x190: {  	v18 =	vld [tilespmem:s14+$0x40]  }
0x191: {  	v19 =	vld [tilespmem:s14+$0x50]  }
0x192: {  	v20 =	vld [tilespmem:s14+$0x0]  }
0x193: {  	v21 =	vld [tilespmem:s14+$0x10]  }
0x194: {  	v22 =	vld [tilespmem:s14+$0xFFFFFFC0]  }
0x195: {  	v23 =	vld [tilespmem:s14+$0xFFFFFFD0]  }
0x196: {  	v24 =	vld [tilespmem:s14+$0xFFFFFF80]  }
0x197: {  	v25 =	vld [tilespmem:s14+$0xFFFFFF90]  }
0x198: {  	v26 =	vld [tilespmem:s14+$0xFFFFFF40]  }
0x199: {  	v27 =	vld [tilespmem:s14+$0xFFFFFF50]  }
0x19a: {  	v28 =	vld [tilespmem:s14+$0xFFFFFF00]  }
0x19b: {  	v29 =	vld [tilespmem:s14+$0xFFFFFF10]  }
0x19c: {  	v8 =	vadd.f32 v8, v14;
	v11 =	vadd.f32 v11, v15;
	v14 =	vld [tilespmem:s14+$0xFFFFFF20]  }
0x19d: {  	v15 =	vld [tilespmem:s14+$0xFFFFFF30];
	v2 =	vadd.f32 v2, v16;
	v3 =	vadd.f32 v3, v17  }
0x19e: {  	v8 =	vadd.f32 v9, v8;
	v9 =	vadd.f32 v12, v11;
	v11 =	vld [tilespmem:s14+$0xFFFFFF60]  }
0x19f: {  	v0 =	vadd.f32 v0, v2;
	v1 =	vadd.f32 v1, v3;
	v2 =	vld [tilespmem:s14+$0xFFFFFF70]  }
0x1a0: {  	v3 =	vadd.f32 v10, v8;
	v8 =	vadd.f32 v13, v9;
	v9 =	vld [tilespmem:s14+$0xFFFFFFA0]  }
0x1a1: {  	v10 =	vld [tilespmem:s14+$0xFFFFFFB0];
	v0 =	vadd.f32 v28, v0;
	v1 =	vadd.f32 v29, v1  }
0x1a2: {  	v12 =	vld [tilespmem:s14+$0xFFFFFFE0];
	v3 =	vadd.f32 v14, v3;
	v8 =	vadd.f32 v15, v8  }
0x1a3: {  	v13 =	vld [tilespmem:s14+$0xFFFFFFF0];
	v0 =	vadd.f32 v26, v0;
	v1 =	vadd.f32 v27, v1  }
0x1a4: {  	v14 =	vld [tilespmem:s14+$0x30];
	v3 =	vadd.f32 v11, v3;
	v2 =	vadd.f32 v2, v8  }
0x1a5: {  	v11 =	vld [tilespmem:s14+$0x20];
	v8 =	vadd.f32 v24, v0;
	v1 =	vadd.f32 v25, v1  }
0x1a6: {  	v0 =	vld [tilespmem:s14+$0x60];
	v3 =	vadd.f32 v9, v3;
	v2 =	vadd.f32 v10, v2  }
0x1a7: {  	v9 =	vld [tilespmem:s14+$0x70];
	v8 =	vadd.f32 v22, v8;
	v1 =	vadd.f32 v23, v1  }
0x1a8: {  	v3 =	vadd.f32 v12, v3;
	v10 =	vadd.f32 v13, v2;
	v2 =	vld [tilespmem:s14+$0xA0]  }
0x1a9: {  	v12 =	vadd.f32 v20, v8;
	v15 =	vadd.f32 v21, v1;
	v8 =	vld [tilespmem:s14+$0xB0]  }
0x1aa: {  	v1 =	vld [tilespmem:s14+$0xE0];
	v11 =	vadd.f32 v11, v3;
	v10 =	vadd.f32 v14, v10  }
0x1ab: {  	s15 =	simm.s32 $0x0;
	v3 =	vld [tilespmem:s14+$0xF0];
	s14 =	simm.s32 $0x11F00;
	v13 =	vadd.f32 v18, v12;
	v12 =	vadd.f32 v19, v15  }
.LBB2_13:
0x1ac: {  	v14 =	vld [tilespmem:s14+$0xC0];
	v0 =	vadd.f32 v0, v11;
	v9 =	vadd.f32 v9, v10  }
0x1ad: {  	v10 =	vld [tilespmem:s14+$0xD0];
	v11 =	vadd.f32 v6, v13;
	v12 =	vadd.f32 v7, v12  }
0x1ae: {  	v6 =	vld [tilespmem:s14+$0x80];
	v0 =	vadd.f32 v2, v0;
	v2 =	vadd.f32 v8, v9  }
0x1af: {  	v7 =	vld [tilespmem:s14+$0x90];
	v8 =	vadd.f32 v5, v11;
	v9 =	vadd.f32 v4, v12  }
0x1b0: {  	v12 =	vld [tilespmem:s14+$0x40];
	v0 =	vadd.f32 v1, v0;
	v1 =	vadd.f32 v3, v2  }
0x1b1: {  	v3 =	vld [tilespmem:s14+$0x50];
	v5 =	vmov v14  }
0x1b2: {  	v11 =	vld [tilespmem:s14+$0x0];
	v4 =	vmov v10  }
0x1b3: {  	v10 =	vld [tilespmem:s14+$0x10]  }
0x1b4: {  	v2 =	vld [tilespmem:s14+$0xFFFFFFC0]  }
0x1b5: {  	v13 =	vld [tilespmem:s14+$0xFFFFFFD0]  }
0x1b6: {  	v14 =	vld [tilespmem:s14+$0xFFFFFF80]  }
0x1b7: {  	v15 =	vld [tilespmem:s14+$0xFFFFFF90]  }
0x1b8: {  	v16 =	vld [tilespmem:s14+$0xFFFFFF40]  }
0x1b9: {  	v17 =	vld [tilespmem:s14+$0xFFFFFF50]  }
0x1ba: {  	v18 =	vld [tilespmem:s14+$0xFFFFFF00]  }
0x1bb: {  	v19 =	vld [tilespmem:s14+$0xFFFFFF10]  }
0x1bc: {  	v20 =	vld [tilespmem:s14+$0xFFFFFF20]  }
0x1bd: {  	s15 =	sadd.s32 $0x8, s15;
	v21 =	vld [tilespmem:s14+$0xFFFFFF30]  }
0x1be: {  	p1 =	slt.u32 s15, $0x58;
	v22 =	vld [tilespmem:s14+$0xFFFFFF60]  }
0x1bf: {  	v23 =	vld [tilespmem:s14+$0xFFFFFF70]  }
0x1c0: {  	v24 =	vld [tilespmem:s14+$0xFFFFFFA0]  }
0x1c1: {  	v8 =	vadd.f32 v18, v8;
	v9 =	vadd.f32 v19, v9;
	v18 =	vld [tilespmem:s14+$0xFFFFFFB0]  }
0x1c2: {  	v0 =	vadd.f32 v20, v0;
	v1 =	vadd.f32 v21, v1;
	v19 =	vld [tilespmem:s14+$0xFFFFFFE0]  }
0x1c3: {  	v8 =	vadd.f32 v16, v8;
	v9 =	vadd.f32 v17, v9;
	v16 =	vld [tilespmem:s14+$0xFFFFFFF0]  }
0x1c4: {  	v0 =	vadd.f32 v22, v0;
	v1 =	vadd.f32 v23, v1;
	v17 =	vld [tilespmem:s14+$0x20]  }
0x1c5: {  	v8 =	vadd.f32 v14, v8;
	v9 =	vadd.f32 v15, v9;
	v14 =	vld [tilespmem:s14+$0x30]  }
0x1c6: {  	v15 =	vadd.f32 v24, v0;
	v1 =	vadd.f32 v18, v1;
	v0 =	vld [tilespmem:s14+$0x60]  }
.Ltmp5:
0x1c7: {  	v8 =	vadd.f32 v2, v8;
	v13 =	vadd.f32 v13, v9;
	v9 =	vld [tilespmem:s14+$0x70];
	(pc) =	sbr.rel @p1 .LBB2_13-.Ltmp5, $4  }
0x1c8: {  	v15 =	vadd.f32 v19, v15;
	v1 =	vadd.f32 v16, v1;
	v2 =	vld [tilespmem:s14+$0xA0]  }
0x1c9: {  	v16 =	vadd.f32 v11, v8;
	v18 =	vadd.f32 v10, v13;
	v8 =	vld [tilespmem:s14+$0xB0]  }
0x1ca: {  	v11 =	vadd.f32 v17, v15;
	v10 =	vadd.f32 v14, v1;
	v1 =	vld [tilespmem:s14+$0xE0]  }
0x1cb: {  	v13 =	vadd.f32 v12, v16;
	v12 =	vadd.f32 v3, v18;
	v3 =	vld [tilespmem:s14+$0xF0];
	s14 =	sadd.s32 $0x200, s14  }
0x1cc: {  	_ = 	snop  }
0x1cd: {  	v0 =	vadd.f32 v0, v11;
	v6 =	vadd.f32 v6, v13  }
0x1ce: {  	v9 =	vadd.f32 v9, v10;
	v7 =	vadd.f32 v7, v12  }
0x1cf: {  	s14 =	sadd.s32 @!p0 $0x4B0, s12;
	s15 =	simm.s32 @!p0 $0x68;
	s16 =	simm.s32 @!p0 $0xB800;
	v0 =	vadd.f32 v2, v0;
	v2 =	vadd.f32 v5, v6  }
0x1d0: {  	[tilespmem:s16], [sflag:$0x3] =	stream.indirect.gather @!p0 [hbm4b:s3+s15], $0x40, s14, s15, $0xb8;
	v5 =	vadd.f32 v8, v9;
	v4 =	vadd.f32 v4, v7;
	[tilespmem:$0x14C00] =	vst v63  }
0x1d1: {  	s14 =	sadd.s32 @!p0 $0x518, s12;
	s15 =	simm.s32 @!p0 $0x60;
	s16 =	simm.s32 @!p0 $0x11C00;
	v0 =	vadd.f32 v1, v0;
	v1 =	vmul.f32 $4.999999890e-03, v2  }
0x1d2: {  	[tilespmem:s16], [sflag:$0x7] =	stream.indirect.gather @!p0 [hbm4b:s3+s15], $0x40, s14, s15, $0xb8;
	v2 =	vadd.f32 v3, v5;
	v3 =	vmul.f32 $4.999999890e-03, v4;
	[tilespmem:$0x14C00] =	vst v63  }
0x1d3: {  	v0 =	vmul.f32 $4.999999890e-03, v0;
	[tilespmem:s13+$0x6480] =	vst v1  }
0x1d4: {  	[tilespmem:s13+$0x6490] =	vst v3;
	v1 =	vmul.f32 $4.999999890e-03, v2  }
0x1d5: {  	[tilespmem:s13+$0x64A0] =	vst v0  }
0x1d6: {  	[tilespmem:s13+$0x64B0] =	vst v1  }
0x1d7: {  	_ =	swait.ge [sflag:s31], $0x1A00  }
0x1d8: {  	[sflag:s31] =	ssyncset.done $0x0  }
0x1d9: {  	[sflag:s31] =	ssyncadd.s32 $0xFFFFE600  }
0x1da: {  	_ =	swait.ge [sflag:s1], $0x1800  }
0x1db: {  	[sflag:s1] =	ssyncset.done $0x0  }
0x1dc: {  	s16 =	simm.s32 $0xD300;
	[sflag:s1] =	ssyncadd.s32 $0xFFFFE800  }
0x1dd: {  	v0 =	vld [tilespmem:s16+$0xC0]  }
0x1de: {  	v1 =	vld [tilespmem:s16+$0xD0]  }
0x1df: {  	v2 =	vld [tilespmem:s16+$0x80]  }
0x1e0: {  	v3 =	vld [tilespmem:s16+$0x90]  }
0x1e1: {  	v4 =	vld [tilespmem:s16+$0x40]  }
0x1e2: {  	v5 =	vld [tilespmem:s16+$0x50]  }
0x1e3: {  	v6 =	vld [tilespmem:s16+$0x0]  }
0x1e4: {  	v7 =	vld [tilespmem:s16+$0x10]  }
0x1e5: {  	v9 =	vld [tilespmem:s16+$0xFFFFFFC0]  }
0x1e6: {  	v10 =	vld [tilespmem:s16+$0xFFFFFFD0]  }
0x1e7: {  	v8 =	vld [tilespmem:s16+$0xFFFFFF80]  }
0x1e8: {  	v11 =	vld [tilespmem:s16+$0xFFFFFF90]  }
0x1e9: {  	v12 =	vld [tilespmem:s16+$0xFFFFFF40]  }
0x1ea: {  	v13 =	vld [tilespmem:s16+$0xFFFFFF50]  }
0x1eb: {  	v14 =	vld [tilespmem:s16+$0xFFFFFF00]  }
0x1ec: {  	v15 =	vld [tilespmem:s16+$0xFFFFFF10]  }
0x1ed: {  	v16 =	vld [tilespmem:s16+$0xFFFFFF20]  }
0x1ee: {  	v17 =	vld [tilespmem:s16+$0xFFFFFF30]  }
0x1ef: {  	v18 =	vld [tilespmem:s16+$0xFFFFFF60]  }
0x1f0: {  	v19 =	vld [tilespmem:s16+$0xFFFFFF70]  }
0x1f1: {  	v20 =	vimm.f32 $0.0e+00;
	v21 =	vld [tilespmem:s16+$0xFFFFFFA0]  }
0x1f2: {  	v22 =	vld [tilespmem:s16+$0xFFFFFFB0];
	v14 =	vadd.f32 v14, v20;
	v15 =	vadd.f32 v15, v20  }
0x1f3: {  	v63 =	vld [tilespmem:s16+$0xFFFFFFE0];
	v16 =	vadd.f32 v16, v20;
	v17 =	vadd.f32 v17, v20  }
0x1f4: {  	v12 =	vadd.f32 v12, v14;
	v13 =	vadd.f32 v13, v15;
	v14 =	vld [tilespmem:s16+$0xFFFFFFF0]  }
0x1f5: {  	v15 =	vadd.f32 v18, v16;
	v16 =	vadd.f32 v19, v17;
	v17 =	vld [tilespmem:s16+$0x20]  }
0x1f6: {  	v12 =	vadd.f32 v8, v12;
	v11 =	vadd.f32 v11, v13;
	v13 =	vld [tilespmem:s16+$0x30]  }
0x1f7: {  	v15 =	vadd.f32 v21, v15;
	v16 =	vadd.f32 v22, v16;
	v8 =	vld [tilespmem:s16+$0x60]  }
0x1f8: {  	v12 =	vadd.f32 v9, v12;
	v10 =	vadd.f32 v10, v11;
	v11 =	vld [tilespmem:s16+$0x70]  }
0x1f9: {  	v15 =	vadd.f32 v63, v15;
	v9 =	vld [tilespmem:s16+$0xA0];
	v16 =	vadd.f32 v14, v16  }
0x1fa: {  	v6 =	vadd.f32 v6, v12;
	v7 =	vadd.f32 v7, v10;
	v12 =	vld [tilespmem:s16+$0xB0]  }
0x1fb: {  	v14 =	vadd.f32 v17, v15;
	v10 =	vld [tilespmem:s16+$0xE0];
	v15 =	vadd.f32 v13, v16  }
0x1fc: {  	s15 =	simm.s32 $0x0;
	v13 =	vld [tilespmem:s16+$0xF0];
	s16 =	simm.s32 $0xD500;
	v16 =	vadd.f32 v4, v6;
	v17 =	vadd.f32 v5, v7  }
.LBB2_15:
0x1fd: {  	v4 =	vld [tilespmem:s16+$0xC0];
	v5 =	vadd.f32 v8, v14;
	v6 =	vadd.f32 v11, v15  }
0x1fe: {  	v7 =	vld [tilespmem:s16+$0xD0];
	v8 =	vadd.f32 v2, v16;
	v11 =	vadd.f32 v3, v17  }
0x1ff: {  	v2 =	vld [tilespmem:s16+$0x80];
	v5 =	vadd.f32 v9, v5;
	v6 =	vadd.f32 v12, v6  }
0x200: {  	v3 =	vld [tilespmem:s16+$0x90];
	v8 =	vadd.f32 v0, v8;
	v9 =	vadd.f32 v1, v11  }
0x201: {  	s14 =	simm.s32 $0x13500;
	v16 =	vld [tilespmem:s16+$0x40];
	v5 =	vadd.f32 v10, v5;
	v6 =	vadd.f32 v13, v6  }
0x202: {  	v13 =	vld [tilespmem:s16+$0x50];
	v0 =	vmov v4  }
0x203: {  	v4 =	vld [tilespmem:s16+$0x0];
	v1 =	vmov v7  }
0x204: {  	v7 =	vld [tilespmem:s16+$0x10]  }
0x205: {  	v10 =	vld [tilespmem:s16+$0xFFFFFFC0]  }
0x206: {  	v11 =	vld [tilespmem:s16+$0xFFFFFFD0]  }
0x207: {  	v12 =	vld [tilespmem:s16+$0xFFFFFF80]  }
0x208: {  	v14 =	vld [tilespmem:s16+$0xFFFFFF90]  }
0x209: {  	v15 =	vld [tilespmem:s16+$0xFFFFFF40]  }
0x20a: {  	v17 =	vld [tilespmem:s16+$0xFFFFFF50]  }
0x20b: {  	v18 =	vld [tilespmem:s16+$0xFFFFFF00]  }
0x20c: {  	v19 =	vld [tilespmem:s16+$0xFFFFFF10]  }
0x20d: {  	v20 =	vld [tilespmem:s16+$0xFFFFFF20]  }
0x20e: {  	s15 =	sadd.s32 $0x8, s15;
	v21 =	vld [tilespmem:s16+$0xFFFFFF30]  }
0x20f: {  	p1 =	slt.u32 s15, $0x60;
	v22 =	vld [tilespmem:s16+$0xFFFFFF60]  }
0x210: {  	v23 =	vld [tilespmem:s16+$0xFFFFFF70]  }
0x211: {  	v24 =	vld [tilespmem:s16+$0xFFFFFFA0]  }
0x212: {  	v8 =	vadd.f32 v18, v8;
	v9 =	vadd.f32 v19, v9;
	v18 =	vld [tilespmem:s16+$0xFFFFFFB0]  }
0x213: {  	v5 =	vadd.f32 v20, v5;
	v6 =	vadd.f32 v21, v6;
	v19 =	vld [tilespmem:s16+$0xFFFFFFE0]  }
0x214: {  	v8 =	vadd.f32 v15, v8;
	v9 =	vadd.f32 v17, v9;
	v15 =	vld [tilespmem:s16+$0xFFFFFFF0]  }
0x215: {  	v5 =	vadd.f32 v22, v5;
	v6 =	vadd.f32 v23, v6;
	v17 =	vld [tilespmem:s16+$0x20]  }
0x216: {  	v12 =	vadd.f32 v12, v8;
	v9 =	vadd.f32 v14, v9;
	v20 =	vld [tilespmem:s16+$0x30]  }
0x217: {  	v5 =	vadd.f32 v24, v5;
	v6 =	vadd.f32 v18, v6;
	v8 =	vld [tilespmem:s16+$0x60]  }
.Ltmp6:
0x218: {  	v10 =	vadd.f32 v10, v12;
	v12 =	vadd.f32 v11, v9;
	v11 =	vld [tilespmem:s16+$0x70];
	(pc) =	sbr.rel @p1 .LBB2_15-.Ltmp6, $4  }
0x219: {  	v5 =	vadd.f32 v19, v5;
	v6 =	vadd.f32 v15, v6;
	v9 =	vld [tilespmem:s16+$0xA0]  }
0x21a: {  	v4 =	vadd.f32 v4, v10;
	v7 =	vadd.f32 v7, v12;
	v12 =	vld [tilespmem:s16+$0xB0]  }
0x21b: {  	v14 =	vadd.f32 v17, v5;
	v15 =	vadd.f32 v20, v6;
	v10 =	vld [tilespmem:s16+$0xE0]  }
0x21c: {  	v16 =	vadd.f32 v16, v4;
	v17 =	vadd.f32 v13, v7;
	v13 =	vld [tilespmem:s16+$0xF0];
	s16 =	sadd.s32 $0x200, s16  }
0x21d: {  	v5 =	vld [tilespmem:s14+$0xC0]  }
0x21e: {  	v4 =	vld [tilespmem:s14+$0xD0]  }
0x21f: {  	v6 =	vld [tilespmem:s14+$0x80]  }
0x220: {  	v7 =	vld [tilespmem:s14+$0x90]  }
0x221: {  	v18 =	vld [tilespmem:s14+$0x40]  }
0x222: {  	v19 =	vld [tilespmem:s14+$0x50]  }
0x223: {  	v20 =	vld [tilespmem:s14+$0x0]  }
0x224: {  	v21 =	vld [tilespmem:s14+$0x10]  }
0x225: {  	v22 =	vld [tilespmem:s14+$0xFFFFFFC0]  }
0x226: {  	v23 =	vld [tilespmem:s14+$0xFFFFFFD0]  }
0x227: {  	v24 =	vld [tilespmem:s14+$0xFFFFFF80]  }
0x228: {  	v25 =	vld [tilespmem:s14+$0xFFFFFF90]  }
0x229: {  	v26 =	vld [tilespmem:s14+$0xFFFFFF40]  }
0x22a: {  	v27 =	vld [tilespmem:s14+$0xFFFFFF50]  }
0x22b: {  	v28 =	vld [tilespmem:s14+$0xFFFFFF00]  }
0x22c: {  	v29 =	vld [tilespmem:s14+$0xFFFFFF10]  }
0x22d: {  	v8 =	vadd.f32 v8, v14;
	v11 =	vadd.f32 v11, v15;
	v14 =	vld [tilespmem:s14+$0xFFFFFF20]  }
0x22e: {  	v15 =	vld [tilespmem:s14+$0xFFFFFF30];
	v2 =	vadd.f32 v2, v16;
	v3 =	vadd.f32 v3, v17  }
0x22f: {  	v8 =	vadd.f32 v9, v8;
	v9 =	vadd.f32 v12, v11;
	v11 =	vld [tilespmem:s14+$0xFFFFFF60]  }
0x230: {  	v0 =	vadd.f32 v0, v2;
	v1 =	vadd.f32 v1, v3;
	v2 =	vld [tilespmem:s14+$0xFFFFFF70]  }
0x231: {  	v3 =	vadd.f32 v10, v8;
	v8 =	vadd.f32 v13, v9;
	v9 =	vld [tilespmem:s14+$0xFFFFFFA0]  }
0x232: {  	v10 =	vld [tilespmem:s14+$0xFFFFFFB0];
	v0 =	vadd.f32 v28, v0;
	v1 =	vadd.f32 v29, v1  }
0x233: {  	v12 =	vld [tilespmem:s14+$0xFFFFFFE0];
	v3 =	vadd.f32 v14, v3;
	v8 =	vadd.f32 v15, v8  }
0x234: {  	v13 =	vld [tilespmem:s14+$0xFFFFFFF0];
	v0 =	vadd.f32 v26, v0;
	v1 =	vadd.f32 v27, v1  }
0x235: {  	v14 =	vld [tilespmem:s14+$0x30];
	v3 =	vadd.f32 v11, v3;
	v2 =	vadd.f32 v2, v8  }
0x236: {  	v11 =	vld [tilespmem:s14+$0x20];
	v8 =	vadd.f32 v24, v0;
	v1 =	vadd.f32 v25, v1  }
0x237: {  	v0 =	vld [tilespmem:s14+$0x60];
	v3 =	vadd.f32 v9, v3;
	v2 =	vadd.f32 v10, v2  }
0x238: {  	v9 =	vld [tilespmem:s14+$0x70];
	v8 =	vadd.f32 v22, v8;
	v1 =	vadd.f32 v23, v1  }
0x239: {  	v3 =	vadd.f32 v12, v3;
	v10 =	vadd.f32 v13, v2;
	v2 =	vld [tilespmem:s14+$0xA0]  }
0x23a: {  	v12 =	vadd.f32 v20, v8;
	v15 =	vadd.f32 v21, v1;
	v8 =	vld [tilespmem:s14+$0xB0]  }
0x23b: {  	v1 =	vld [tilespmem:s14+$0xE0];
	v11 =	vadd.f32 v11, v3;
	v10 =	vadd.f32 v14, v10  }
0x23c: {  	s15 =	simm.s32 $0x0;
	v3 =	vld [tilespmem:s14+$0xF0];
	s14 =	simm.s32 $0x13700;
	v13 =	vadd.f32 v18, v12;
	v12 =	vadd.f32 v19, v15  }
.LBB2_17:
0x23d: {  	v14 =	vld [tilespmem:s14+$0xC0];
	v0 =	vadd.f32 v0, v11;
	v9 =	vadd.f32 v9, v10  }
0x23e: {  	v10 =	vld [tilespmem:s14+$0xD0];
	v11 =	vadd.f32 v6, v13;
	v12 =	vadd.f32 v7, v12  }
0x23f: {  	v6 =	vld [tilespmem:s14+$0x80];
	v0 =	vadd.f32 v2, v0;
	v2 =	vadd.f32 v8, v9  }
0x240: {  	v7 =	vld [tilespmem:s14+$0x90];
	v8 =	vadd.f32 v5, v11;
	v9 =	vadd.f32 v4, v12  }
0x241: {  	v12 =	vld [tilespmem:s14+$0x40];
	v0 =	vadd.f32 v1, v0;
	v1 =	vadd.f32 v3, v2  }
0x242: {  	v3 =	vld [tilespmem:s14+$0x50];
	v5 =	vmov v14  }
0x243: {  	v11 =	vld [tilespmem:s14+$0x0];
	v4 =	vmov v10  }
0x244: {  	v10 =	vld [tilespmem:s14+$0x10]  }
0x245: {  	v2 =	vld [tilespmem:s14+$0xFFFFFFC0]  }
0x246: {  	v13 =	vld [tilespmem:s14+$0xFFFFFFD0]  }
0x247: {  	v14 =	vld [tilespmem:s14+$0xFFFFFF80]  }
0x248: {  	v15 =	vld [tilespmem:s14+$0xFFFFFF90]  }
0x249: {  	v16 =	vld [tilespmem:s14+$0xFFFFFF40]  }
0x24a: {  	v17 =	vld [tilespmem:s14+$0xFFFFFF50]  }
0x24b: {  	v18 =	vld [tilespmem:s14+$0xFFFFFF00]  }
0x24c: {  	v19 =	vld [tilespmem:s14+$0xFFFFFF10]  }
0x24d: {  	v20 =	vld [tilespmem:s14+$0xFFFFFF20]  }
0x24e: {  	s15 =	sadd.s32 $0x8, s15;
	v21 =	vld [tilespmem:s14+$0xFFFFFF30]  }
0x24f: {  	p1 =	slt.u32 s15, $0x58;
	v22 =	vld [tilespmem:s14+$0xFFFFFF60]  }
0x250: {  	v23 =	vld [tilespmem:s14+$0xFFFFFF70]  }
0x251: {  	v24 =	vld [tilespmem:s14+$0xFFFFFFA0]  }
0x252: {  	v8 =	vadd.f32 v18, v8;
	v9 =	vadd.f32 v19, v9;
	v18 =	vld [tilespmem:s14+$0xFFFFFFB0]  }
0x253: {  	v0 =	vadd.f32 v20, v0;
	v1 =	vadd.f32 v21, v1;
	v19 =	vld [tilespmem:s14+$0xFFFFFFE0]  }
0x254: {  	v8 =	vadd.f32 v16, v8;
	v9 =	vadd.f32 v17, v9;
	v16 =	vld [tilespmem:s14+$0xFFFFFFF0]  }
0x255: {  	v0 =	vadd.f32 v22, v0;
	v1 =	vadd.f32 v23, v1;
	v17 =	vld [tilespmem:s14+$0x20]  }
0x256: {  	v8 =	vadd.f32 v14, v8;
	v9 =	vadd.f32 v15, v9;
	v14 =	vld [tilespmem:s14+$0x30]  }
0x257: {  	v15 =	vadd.f32 v24, v0;
	v1 =	vadd.f32 v18, v1;
	v0 =	vld [tilespmem:s14+$0x60]  }
.Ltmp7:
0x258: {  	v8 =	vadd.f32 v2, v8;
	v13 =	vadd.f32 v13, v9;
	v9 =	vld [tilespmem:s14+$0x70];
	(pc) =	sbr.rel @p1 .LBB2_17-.Ltmp7, $4  }
0x259: {  	v15 =	vadd.f32 v19, v15;
	v1 =	vadd.f32 v16, v1;
	v2 =	vld [tilespmem:s14+$0xA0]  }
0x25a: {  	v16 =	vadd.f32 v11, v8;
	v18 =	vadd.f32 v10, v13;
	v8 =	vld [tilespmem:s14+$0xB0]  }
0x25b: {  	v11 =	vadd.f32 v17, v15;
	v10 =	vadd.f32 v14, v1;
	v1 =	vld [tilespmem:s14+$0xE0]  }
0x25c: {  	v13 =	vadd.f32 v12, v16;
	v12 =	vadd.f32 v3, v18;
	v3 =	vld [tilespmem:s14+$0xF0];
	s14 =	sadd.s32 $0x200, s14  }
0x25d: {  	s14 =	sadd.s32 @!p0 $0x578, s12  }
0x25e: {  	v0 =	vadd.f32 v0, v11;
	s15 =	simm.s32 @!p0 $0x68;
	s16 =	simm.s32 @!p0 $0xD200;
	s12 =	sadd.s32 @!p0 $0x5E0, s12;
	v6 =	vadd.f32 v6, v13  }
0x25f: {  	v9 =	vadd.f32 v9, v10;
	v7 =	vadd.f32 v7, v12;
	[tilespmem:s16], [sflag:$0x4] =	stream.indirect.gather @!p0 [hbm4b:s3+s15], $0x40, s14, s15, $0xb8;
	[tilespmem:$0x14C00] =	vst v63  }
0x260: {  	s11 =	sadd.s32 $0x1, s11;
	s14 =	simm.s32 @!p0 $0x60;
	s15 =	simm.s32 @!p0 $0x13400;
	v0 =	vadd.f32 v2, v0;
	v58 =	vadd.f32 v5, v6  }
0x261: {  	v59 =	vadd.f32 v8, v9;
	v4 =	vadd.f32 v4, v7;
	[tilespmem:s15], [sflag:$0x8] =	stream.indirect.gather @!p0 [hbm4b:s3+s14], $0x40, s12, s14, $0xb8;
	[tilespmem:$0x14C00] =	vst v63  }
0x262: {  	p0 =	sne.s32 s11, $0x20;
	v0 =	vadd.f32 v1, v0;
	v60 =	vmul.f32 $4.999999890e-03, v58  }
.Ltmp8:
0x263: {  	v61 =	vadd.f32 v3, v59;
	v62 =	vmul.f32 $4.999999890e-03, v4;
	(pc) =	sbr.rel @p0 .LBB2_2-.Ltmp8, $4  }
0x264: {  	v0 =	vmul.f32 $4.999999890e-03, v0;
	[tilespmem:s13+$0x64C0] =	vst v60  }
0x265: {  	v63 =	vmul.f32 $4.999999890e-03, v61;
	[tilespmem:s13+$0x64D0] =	vst v62  }
0x266: {  	[tilespmem:s13+$0x64E0] =	vst v0  }
0x267: {  	[tilespmem:s13+$0x64F0] =	vst v63  }
0x268: {  	s9 =	sadd.s32 $0x1, s9  }
0x269: {  	p0 =	sne.s32 s9, s6  }
.Ltmp9:
0x26a: {  	_ = 	snop;
	(pc) =	sbr.rel @p0 .LBB2_1-.Ltmp9, $4  }
0x26b: {  	[hbm4b:s5+s2] =	stream.linear.scatter [tilespmem:s0], [sflag:$0x9], $0x2000, $0x38;
	[tilespmem:$0x14C00] =	vst v63  }
0x26c: {  	_ =	swait.ge [sflag:s7], $0x2000  }
0x26d: {  	[sflag:s7] =	ssyncset.done $0x0  }
0x26e: {  	[sflag:s7] =	ssyncadd.s32 $0xFFFFE000  }
0x26f: {  	_ =	sfence.sel $0x180000  }
0x270: {  	[bflag:$0x0] =	sbarrier.arrive $0xFFFF  }
0x271: {  	_ =	strace $0x90000047  }
0x272: {  	s0 =	stileid.u32;
	[bflag:$0x2] =	sbarrier.arrive $0xFFFF  }
0x273: {  	p0 =	sne.s32 s0, $0x0;
	s0 =	rddreg [dreg:$0x2]  }
0x274: {  	s0 =	sadd.s32 @!p0 $0x100000, s0  }
0x275: {  	[sflag:s0] =	ssyncadd.tile.s32 @!p0 $0x1;
	_ =	shalt  }
.Lfunc_end2:
_tile_overlayer_lowered:
.L_overlay_start_2:
0x276: {  	(tag) =	ssettag $0x2  }
0x277: {  	s0 =	rddreg [dreg:$0x0];
	s2 =	stileid.u32  }
0x278: {  	s1 =	rddreg [dreg:$0x1];
	p0 =	sne.s32 s2, $0x0  }
0x279: {  	s3 =	rddreg [dreg:$0x2];
	[bflag:$0x3] =	sbarrier.arrive $0xFFFF;
	s2 =	simm.s32 @!p0 $0x1C09  }
0x27a: {  	[timem:s3], [sflag:s2] =	dma.local @!p0 [hbm:s0], s1  }
0x27b: {  	s0 =	simm.s32 @!p0 $0x9  }
0x27c: {  	_ =	swait.ge @!p0 [sflag:s0], s1  }
0x27d: {  	s1 =	ssub.s32 @!p0 $0x0, s1;
	[sflag:s0] =	ssyncset.done @!p0 $0x0  }
0x27e: {  	[sflag:s0] =	ssyncadd.s32 @!p0 s1  }
0x27f: {  	[bflag:$0x3] =	sbarrier.arrive $0xFFFF  }
0x280: {  	_ =	shalt  }

</sc_bundles>
